<compile_context>
chip_gen: v7x
topology: tpu7x:2x2x1
jax: 0.10.2.dev20260603
libtpu: 0.0.44.dev20260713+nightly
codegen_flags: <defaults>
</compile_context>

<pallas_src>
import functools

import jax
import jax.numpy as jnp
from jax import lax
from jax.experimental import pallas as pl
from jax.experimental.pallas import tpu as pltpu
from jax.experimental.pallas import tpu_sc as plsc

_NC = 2
_NS = 16
_NW = _NC * _NS
_Q = 8000
_CH = _Q // 16
_BS = 8
_TPW = 16
_MT = 4


def _build_sc_kernel():
  mesh = plsc.VectorSubcoreMesh(core_axis_name="c", subcore_axis_name="s")
  out_type = (
      jax.ShapeDtypeStruct((_NW * 64,), jnp.int32),
      jax.ShapeDtypeStruct((_NW * 64,), jnp.int32),
  )
  scratch = [
      pltpu.VMEM((4, _Q), jnp.float32),
      pltpu.VMEM((4, _TPW), jnp.float32),
      pltpu.VMEM((64,), jnp.int32),
      pltpu.VMEM((64,), jnp.int32),
  ]

  @functools.partial(
      pl.kernel, out_type=out_type, mesh=mesh, scratch_types=scratch,
      compiler_params=pltpu.CompilerParams(needs_layout_passes=False))
  def sc_matcher(boxes_hbm, tgts_hbm, out_i, out_j, comp_v, tgt_v,
                 acc_i, acc_j):
    wid = lax.axis_index("s") * _NC + lax.axis_index("c")
    img = wid // 4
    arr = (wid % 4) // 2
    half = wid % 2

    pltpu.sync_copy(boxes_hbm.at[img * 2 + arr], comp_v)
    pltpu.sync_copy(tgts_hbm.at[img * 2 + half], tgt_v)

    def conv(ch, carry):
      s = pl.ds(ch * 16, 16)
      x0 = comp_v[0, s]
      y0 = comp_v[1, s]
      x1 = comp_v[2, s]
      y1 = comp_v[3, s]
      comp_v[0, s] = x0 + x1
      comp_v[1, s] = y0 + y1
      comp_v[2, s] = (x1 - x0) * 2.0
      comp_v[3, s] = (y1 - y0) * 2.0
      return carry

    lax.fori_loop(0, _CH, conv, 0)

    tx0 = tgt_v[0, :]
    ty0 = tgt_v[1, :]
    tx1 = tgt_v[2, :]
    ty1 = tgt_v[3, :]
    tsxv = tx0 + tx1
    tsyv = ty0 + ty1
    twv = (tx1 - tx0) * 2.0
    thv = (ty1 - ty0) * 2.0

    inf = jnp.float32(jnp.inf)
    lane = lax.iota(jnp.int32, 16)

    for t in range(_TPW):
      tsx = tsxv[t]
      tsy = tsyv[t]
      tw = twv[t]
      thh = thv[t]

      def chunk(ch, carry, tsx=tsx, tsy=tsy, tw=tw, thh=thh):
        bv, bi, thr = carry
        s = pl.ds(ch * 16, 16)
        c = (jnp.abs(comp_v[0, s] - tsx) + jnp.abs(comp_v[1, s] - tsy)
             + jnp.abs(comp_v[2, s] - tw) + jnp.abs(comp_v[3, s] - thh))

        def merge(args):
          bv, bi, _ = args
          idxv = ch * 16 + lane
          dv, di = plsc.sort_key_val(c, idxv, descending=True)
          keep = bv <= dv
          mv = jnp.where(keep, bv, dv)
          mi = jnp.where(keep, bi, di)
          nbv, nbi = plsc.sort_key_val(mv, mi)
          return nbv, nbi, nbv[_MT - 1]

        return lax.cond(jnp.any(c < thr), merge, lambda args: args,
                        (bv, bi, thr))

      bv0 = jnp.full((16,), inf, jnp.float32)
      bi0 = jnp.zeros((16,), jnp.int32)
      _, bi, _ = lax.fori_loop(0, _CH, chunk, (bv0, bi0, inf))
      plsc.store_scatter(acc_i, [lane * 16 + t], bi, mask=lane < _MT)

    jrow = lane + half * 16
    for r in range(_MT):
      acc_j[pl.ds(r * 16, 16)] = jrow

    off = wid * 64
    pltpu.sync_copy(acc_i, out_i.at[pl.ds(off, 64)])
    pltpu.sync_copy(acc_j, out_j.at[pl.ds(off, 64)])

  return sc_matcher


def kernel(pred_boxes, anchors, all_targets, sizes):
  bs, q = pred_boxes.shape[:2]
  szs = all_targets.shape[0] // bs

  boxes = jnp.stack([pred_boxes, anchors], axis=1)
  boxes = boxes.transpose(0, 1, 3, 2).reshape(bs * 2, 4, q)
  tsel = jnp.stack([
      lax.dynamic_slice_in_dim(all_targets, i * sizes, szs, axis=0)
      for i in range(bs)
  ])
  tgts = (tsel.transpose(0, 2, 1)
          .reshape(bs, 4, 2, szs // 2)
          .transpose(0, 2, 1, 3)
          .reshape(bs * 2, 4, szs // 2))

  oi, oj = _build_sc_kernel()(boxes, tgts)

  def assemble(flat):
    return (flat.reshape(bs, 2, 2, _MT, 16)
            .transpose(0, 3, 1, 2, 4)
            .reshape(bs, 2 * _MT * szs))

  return assemble(oi), assemble(oj)

# --- scband reference (transcript-rebuilt; emitter-appended) ---
"""Pipeline reference for scband-uniform-matcher-76244259439004 (READ-ONLY COPY).

The authoritative reference and input builder live on the scoring server;
editing this copy changes nothing except your own understanding.
"""

import jax, jax.numpy as jnp
import numpy as np


def box_xyxy_to_cxcywh(b):
    x0, y0, x1, y1 = b[..., 0], b[..., 1], b[..., 2], b[..., 3]
    return jnp.stack([(x0 + x1) / 2.0, (y0 + y1) / 2.0, x1 - x0, y1 - y0], axis=-1)


def setup_inputs(seed: int = 0):
    key = jax.random.key(seed)
    k1, k2, k3 = jax.random.split(key, 3)
    pred_boxes = jax.random.uniform(k1, (8, 8000, 4), dtype=jnp.float32)
    anchors = jax.random.uniform(k2, (8, 8000, 4), dtype=jnp.float32)
    all_targets = jax.random.uniform(k3, (256, 4), dtype=jnp.float32)
    return {"pred_boxes": pred_boxes, "anchors": anchors, "all_targets": all_targets, "sizes": 32}


def reference(pred_boxes, anchors, all_targets, sizes):
    match_times = 4
    bs, num_queries = pred_boxes.shape[:2]
    sizes_static = all_targets.shape[0] // bs
    out_bbox = box_xyxy_to_cxcywh(pred_boxes.reshape(-1, 4))
    anc = box_xyxy_to_cxcywh(anchors.reshape(-1, 4))
    tgt = box_xyxy_to_cxcywh(all_targets)
    # L1 cdist
    cost_bbox = jnp.sum(jnp.abs(out_bbox[:, None, :] - tgt[None, :, :]), axis=-1)
    cost_anc = jnp.sum(jnp.abs(anc[:, None, :] - tgt[None, :, :]), axis=-1)
    C = cost_bbox.reshape(bs, num_queries, -1)
    C1 = cost_anc.reshape(bs, num_queries, -1)
    all_i = []
    all_j = []
    for i in range(bs):
        # split(sizes, -1) with int sizes -> chunk i is columns [i*sizes, (i+1)*sizes); then [i] picks image i
        c = jax.lax.dynamic_slice_in_dim(C[i], i * sizes, sizes_static, axis=1)      # [Q, sizes]
        c1 = jax.lax.dynamic_slice_in_dim(C1[i], i * sizes, sizes_static, axis=1)    # [Q, sizes]
        # torch.topk(c, k, dim=0, largest=False) -> smallest-k along query dim
        _, idx = jax.lax.top_k(-c.T, match_times)   # [sizes, match_times]
        _, idx1 = jax.lax.top_k(-c1.T, match_times)
        idx = idx.T   # [match_times, sizes]
        idx1 = idx1.T
        rows_i = [jnp.concatenate([idx[r], idx1[r]]) for r in range(match_times)]
        rows_j = [jnp.concatenate([jnp.arange(sizes_static), jnp.arange(sizes_static)]) for _ in range(match_times)]
        all_i.append(jnp.concatenate(rows_i).astype(jnp.int64))
        all_j.append(jnp.concatenate(rows_j).astype(jnp.int64))
    # list of per-image (i, j) pairs, stacked since all images have equal gt counts
    return (jnp.stack(all_i), jnp.stack(all_j))

if __name__ == "__main__":
    import jax
    _d = setup_inputs()
    print(jax.jit(kernel)(*tuple(_d.values())))

</pallas_src>

<mosaic_0001>
#map = affine_map<(d0, d1) -> (0, 0, 0)>
#map1 = affine_map<(d0, d1) -> (0)>
module attributes {stable_mosaic.version = 14 : i64} {
  func.func @sc_matcher(%arg0: i32, %arg1: i32, %arg2: memref<16x4x8000xf32, #tpu.memory_space<hbm>>, %arg3: memref<16x4x16xf32, #tpu.memory_space<hbm>>, %arg4: memref<2048xi32, #tpu.memory_space<hbm>>, %arg5: memref<2048xi32, #tpu.memory_space<hbm>>, %arg6: memref<4x8000xf32, #tpu.memory_space<vmem>>, %arg7: memref<4x16xf32, #tpu.memory_space<vmem>>, %arg8: memref<64xi32, #tpu.memory_space<vmem>>, %arg9: memref<64xi32, #tpu.memory_space<vmem>>) attributes {dimension_semantics = [#tpu.dimension_semantics<core_parallel>, #tpu.dimension_semantics<subcore_parallel>], iteration_bounds = array<i64: 2, 16>, scalar_prefetch = 0 : i64, scratch_operands = 4 : i64, tpu.core_type = #tpu.core_type<sc_vector_subcore>, window_params = [{transform_indices = #map}, {transform_indices = #map}, {transform_indices = #map1}, {transform_indices = #map1}]} {
    %mul3A = arith.constant 2 : i32
    %mul3A_0 = arith.muli %arg1, %mul3A : i32
    %add3A = arith.addi %mul3A_0, %arg0 : i32
    %jit3A = arith.constant 4 : i32
    %div3A = arith.divsi %add3A, %jit3A : i32
    %sign3A = arith.constant 0 : i32
    %sign3A_1 = arith.cmpi sgt, %add3A, %sign3A : i32
    %sign3A_2 = arith.extui %sign3A_1 : i1 to i32
    %sign3A_3 = arith.constant 0 : i32
    %sign3A_4 = arith.cmpi slt, %add3A, %sign3A_3 : i32
    %sign3A_5 = arith.extui %sign3A_4 : i1 to i32
    %sign3A_6 = arith.subi %sign3A_2, %sign3A_5 : i32
    %sign3A_7 = arith.constant 0 : i32
    %sign3A_8 = arith.cmpi sgt, %jit3A, %sign3A_7 : i32
    %sign3A_9 = arith.extui %sign3A_8 : i1 to i32
    %sign3A_10 = arith.constant 0 : i32
    %sign3A_11 = arith.cmpi slt, %jit3A, %sign3A_10 : i32
    %sign3A_12 = arith.extui %sign3A_11 : i1 to i32
    %sign3A_13 = arith.subi %sign3A_9, %sign3A_12 : i32
    %ne3A = arith.cmpi ne, %sign3A_6, %sign3A_13 : i32
    %rem3A = arith.remsi %add3A, %jit3A : i32
    %ne3A_14 = arith.constant 0 : i32
    %ne3A_15 = arith.cmpi ne, %rem3A, %ne3A_14 : i32
    %and3A = arith.andi %ne3A, %ne3A_15 : i1
    %sub3A = arith.constant 1 : i32
    %sub3A_16 = arith.subi %div3A, %sub3A : i32
    %select_n3A = arith.select %and3A, %sub3A_16, %div3A : i32
    %jit3A_17 = arith.constant 4 : i32
    %eq3A = arith.constant 0 : i32
    %eq3A_18 = arith.cmpi eq, %jit3A_17, %eq3A : i32
    %jit3A_19 = arith.constant 1 : i32
    %select_n3A_20 = arith.select %eq3A_18, %jit3A_19, %jit3A_17 : i32
    %rem3A_21 = arith.remsi %add3A, %select_n3A_20 : i32
    %ne3A_22 = arith.constant 0 : i32
    %ne3A_23 = arith.cmpi ne, %rem3A_21, %ne3A_22 : i32
    %lt3A = arith.constant 0 : i32
    %lt3A_24 = arith.cmpi slt, %rem3A_21, %lt3A : i32
    %lt3A_25 = arith.constant 0 : i32
    %lt3A_26 = arith.cmpi slt, %select_n3A_20, %lt3A_25 : i32
    %ne3A_27 = arith.xori %lt3A_24, %lt3A_26 : i1
    %and3A_28 = arith.andi %ne3A_27, %ne3A_23 : i1
    %add3A_29 = arith.addi %rem3A_21, %select_n3A_20 : i32
    %select_n3A_30 = arith.select %and3A_28, %add3A_29, %rem3A_21 : i32
    %jit3A_31 = arith.constant 2 : i32
    %div3A_32 = arith.divsi %select_n3A_30, %jit3A_31 : i32
    %sign3A_33 = arith.constant 0 : i32
    %sign3A_34 = arith.cmpi sgt, %select_n3A_30, %sign3A_33 : i32
    %sign3A_35 = arith.extui %sign3A_34 : i1 to i32
    %sign3A_36 = arith.constant 0 : i32
    %sign3A_37 = arith.cmpi slt, %select_n3A_30, %sign3A_36 : i32
    %sign3A_38 = arith.extui %sign3A_37 : i1 to i32
    %sign3A_39 = arith.subi %sign3A_35, %sign3A_38 : i32
    %sign3A_40 = arith.constant 0 : i32
    %sign3A_41 = arith.cmpi sgt, %jit3A_31, %sign3A_40 : i32
    %sign3A_42 = arith.extui %sign3A_41 : i1 to i32
    %sign3A_43 = arith.constant 0 : i32
    %sign3A_44 = arith.cmpi slt, %jit3A_31, %sign3A_43 : i32
    %sign3A_45 = arith.extui %sign3A_44 : i1 to i32
    %sign3A_46 = arith.subi %sign3A_42, %sign3A_45 : i32
    %ne3A_47 = arith.cmpi ne, %sign3A_39, %sign3A_46 : i32
    %rem3A_48 = arith.remsi %select_n3A_30, %jit3A_31 : i32
    %ne3A_49 = arith.constant 0 : i32
    %ne3A_50 = arith.cmpi ne, %rem3A_48, %ne3A_49 : i32
    %and3A_51 = arith.andi %ne3A_47, %ne3A_50 : i1
    %sub3A_52 = arith.constant 1 : i32
    %sub3A_53 = arith.subi %div3A_32, %sub3A_52 : i32
    %select_n3A_54 = arith.select %and3A_51, %sub3A_53, %div3A_32 : i32
    %jit3A_55 = arith.constant 2 : i32
    %eq3A_56 = arith.constant 0 : i32
    %eq3A_57 = arith.cmpi eq, %jit3A_55, %eq3A_56 : i32
    %jit3A_58 = arith.constant 1 : i32
    %select_n3A_59 = arith.select %eq3A_57, %jit3A_58, %jit3A_55 : i32
    %rem3A_60 = arith.remsi %add3A, %select_n3A_59 : i32
    %ne3A_61 = arith.constant 0 : i32
    %ne3A_62 = arith.cmpi ne, %rem3A_60, %ne3A_61 : i32
    %lt3A_63 = arith.constant 0 : i32
    %lt3A_64 = arith.cmpi slt, %rem3A_60, %lt3A_63 : i32
    %lt3A_65 = arith.constant 0 : i32
    %lt3A_66 = arith.cmpi slt, %select_n3A_59, %lt3A_65 : i32
    %ne3A_67 = arith.xori %lt3A_64, %lt3A_66 : i1
    %and3A_68 = arith.andi %ne3A_67, %ne3A_62 : i1
    %add3A_69 = arith.addi %rem3A_60, %select_n3A_59 : i32
    %select_n3A_70 = arith.select %and3A_68, %add3A_69, %rem3A_60 : i32
    %mul3A_71 = arith.constant 2 : i32
    %mul3A_72 = arith.muli %select_n3A, %mul3A_71 : i32
    %add3A_73 = arith.addi %mul3A_72, %select_n3A_54 : i32
    "tpu.region"() ({
      %run_scoped3A = tpu.sem_alloc : memref<!tpu.dma_semaphore, #tpu.memory_space<semaphore_mem>>
      %dma_start3A = arith.constant 0 : i32
      %dma_start3A_565 = arith.constant 0 : i32
      %dma_start3A_566 = tpu.memref_slice %arg2[%add3A_73, %dma_start3A, %dma_start3A_565] : memref<16x4x8000xf32, #tpu.memory_space<hbm>> -> memref<1x4x8000xf32, #tpu.memory_space<hbm>>
      %dma_start3A_567 = tpu.memref_squeeze %dma_start3A_566 : memref<1x4x8000xf32, #tpu.memory_space<hbm>> -> memref<4x8000xf32, #tpu.memory_space<hbm>>
      %dma_start3A_568 = arith.constant 0 : i32
      %dma_start3A_569 = arith.constant 0 : i32
      %dma_start3A_570 = tpu.memref_slice %arg2[%add3A_73, %dma_start3A_568, %dma_start3A_569] : memref<16x4x8000xf32, #tpu.memory_space<hbm>> -> memref<1x4x8000xf32, #tpu.memory_space<hbm>>
      %dma_start3A_571 = tpu.memref_squeeze %dma_start3A_570 : memref<1x4x8000xf32, #tpu.memory_space<hbm>> -> memref<4x8000xf32, #tpu.memory_space<hbm>>
      tpu.enqueue_dma source(%dma_start3A_571 : memref<4x8000xf32, #tpu.memory_space<hbm>>) target(%arg6 : memref<4x8000xf32, #tpu.memory_space<vmem>>) target_semaphore(%run_scoped3A : memref<!tpu.dma_semaphore, #tpu.memory_space<semaphore_mem>>)
      %dma_wait3A = arith.constant 0 : i32
      %dma_wait3A_572 = arith.constant 0 : i32
      %dma_wait3A_573 = tpu.memref_slice %arg2[%add3A_73, %dma_wait3A, %dma_wait3A_572] : memref<16x4x8000xf32, #tpu.memory_space<hbm>> -> memref<1x4x8000xf32, #tpu.memory_space<hbm>>
      %dma_wait3A_574 = tpu.memref_squeeze %dma_wait3A_573 : memref<1x4x8000xf32, #tpu.memory_space<hbm>> -> memref<4x8000xf32, #tpu.memory_space<hbm>>
      %dma_wait3A_575 = arith.constant 0 : i32
      %dma_wait3A_576 = arith.constant 0 : i32
      %dma_wait3A_577 = tpu.memref_slice %arg2[%add3A_73, %dma_wait3A_575, %dma_wait3A_576] : memref<16x4x8000xf32, #tpu.memory_space<hbm>> -> memref<1x4x8000xf32, #tpu.memory_space<hbm>>
      %dma_wait3A_578 = tpu.memref_squeeze %dma_wait3A_577 : memref<1x4x8000xf32, #tpu.memory_space<hbm>> -> memref<4x8000xf32, #tpu.memory_space<hbm>>
      tpu.wait_dma2 semaphore(%run_scoped3A : memref<!tpu.dma_semaphore, #tpu.memory_space<semaphore_mem>>) src(%dma_wait3A_578 : memref<4x8000xf32, #tpu.memory_space<hbm>>) dst(%arg6 : memref<4x8000xf32, #tpu.memory_space<vmem>>)
      tpu.yield
    }) : () -> ()
    %mul3A_74 = arith.constant 2 : i32
    %mul3A_75 = arith.muli %select_n3A, %mul3A_74 : i32
    %add3A_76 = arith.addi %mul3A_75, %select_n3A_70 : i32
    "tpu.region"() ({
      %run_scoped3A = tpu.sem_alloc : memref<!tpu.dma_semaphore, #tpu.memory_space<semaphore_mem>>
      %dma_start3A = arith.constant 0 : i32
      %dma_start3A_565 = arith.constant 0 : i32
      %dma_start3A_566 = tpu.memref_slice %arg3[%add3A_76, %dma_start3A, %dma_start3A_565] : memref<16x4x16xf32, #tpu.memory_space<hbm>> -> memref<1x4x16xf32, #tpu.memory_space<hbm>>
      %dma_start3A_567 = tpu.memref_squeeze %dma_start3A_566 : memref<1x4x16xf32, #tpu.memory_space<hbm>> -> memref<4x16xf32, #tpu.memory_space<hbm>>
      %dma_start3A_568 = arith.constant 0 : i32
      %dma_start3A_569 = arith.constant 0 : i32
      %dma_start3A_570 = tpu.memref_slice %arg3[%add3A_76, %dma_start3A_568, %dma_start3A_569] : memref<16x4x16xf32, #tpu.memory_space<hbm>> -> memref<1x4x16xf32, #tpu.memory_space<hbm>>
      %dma_start3A_571 = tpu.memref_squeeze %dma_start3A_570 : memref<1x4x16xf32, #tpu.memory_space<hbm>> -> memref<4x16xf32, #tpu.memory_space<hbm>>
      tpu.enqueue_dma source(%dma_start3A_571 : memref<4x16xf32, #tpu.memory_space<hbm>>) target(%arg7 : memref<4x16xf32, #tpu.memory_space<vmem>>) target_semaphore(%run_scoped3A : memref<!tpu.dma_semaphore, #tpu.memory_space<semaphore_mem>>)
      %dma_wait3A = arith.constant 0 : i32
      %dma_wait3A_572 = arith.constant 0 : i32
      %dma_wait3A_573 = tpu.memref_slice %arg3[%add3A_76, %dma_wait3A, %dma_wait3A_572] : memref<16x4x16xf32, #tpu.memory_space<hbm>> -> memref<1x4x16xf32, #tpu.memory_space<hbm>>
      %dma_wait3A_574 = tpu.memref_squeeze %dma_wait3A_573 : memref<1x4x16xf32, #tpu.memory_space<hbm>> -> memref<4x16xf32, #tpu.memory_space<hbm>>
      %dma_wait3A_575 = arith.constant 0 : i32
      %dma_wait3A_576 = arith.constant 0 : i32
      %dma_wait3A_577 = tpu.memref_slice %arg3[%add3A_76, %dma_wait3A_575, %dma_wait3A_576] : memref<16x4x16xf32, #tpu.memory_space<hbm>> -> memref<1x4x16xf32, #tpu.memory_space<hbm>>
      %dma_wait3A_578 = tpu.memref_squeeze %dma_wait3A_577 : memref<1x4x16xf32, #tpu.memory_space<hbm>> -> memref<4x16xf32, #tpu.memory_space<hbm>>
      tpu.wait_dma2 semaphore(%run_scoped3A : memref<!tpu.dma_semaphore, #tpu.memory_space<semaphore_mem>>) src(%dma_wait3A_578 : memref<4x16xf32, #tpu.memory_space<hbm>>) dst(%arg7 : memref<4x16xf32, #tpu.memory_space<vmem>>)
      tpu.yield
    }) : () -> ()
    %scan3A = arith.constant 0 : i32
    %scan3A_77 = arith.constant 0 : i32
    %scan3A_78 = arith.constant 500 : i32
    %scan3A_79 = arith.addi %scan3A_77, %scan3A_78 : i32
    %scan3A_80 = arith.constant 1 : i32
    scf.for %scan3A_565 = %scan3A_77 to %scan3A_79 step %scan3A_80  : i32 {
      %mul3A_566 = arith.constant 16 : i32
      %mul3A_567 = arith.muli %scan3A_565, %mul3A_566 : i32
      %get3A_568 = arith.constant 0 : i32
      %get3A_569 = arith.index_cast %get3A_568 : i32 to index
      %get3A_570 = arith.index_cast %mul3A_567 : i32 to index
      %get3A_571 = tpu.vector_load %arg6[%get3A_569, %get3A_570] {strides = array<i32>} : memref<4x8000xf32, #tpu.memory_space<vmem>>, vector<16xf32>,
      %get3A_572 = arith.constant 1 : i32
      %get3A_573 = arith.index_cast %get3A_572 : i32 to index
      %get3A_574 = arith.index_cast %mul3A_567 : i32 to index
      %get3A_575 = tpu.vector_load %arg6[%get3A_573, %get3A_574] {strides = array<i32>} : memref<4x8000xf32, #tpu.memory_space<vmem>>, vector<16xf32>,
      %get3A_576 = arith.constant 2 : i32
      %get3A_577 = arith.index_cast %get3A_576 : i32 to index
      %get3A_578 = arith.index_cast %mul3A_567 : i32 to index
      %get3A_579 = tpu.vector_load %arg6[%get3A_577, %get3A_578] {strides = array<i32>} : memref<4x8000xf32, #tpu.memory_space<vmem>>, vector<16xf32>,
      %get3A_580 = arith.constant 3 : i32
      %get3A_581 = arith.index_cast %get3A_580 : i32 to index
      %get3A_582 = arith.index_cast %mul3A_567 : i32 to index
      %get3A_583 = tpu.vector_load %arg6[%get3A_581, %get3A_582] {strides = array<i32>} : memref<4x8000xf32, #tpu.memory_space<vmem>>, vector<16xf32>,
      %add3A_584 = arith.addf %get3A_571, %get3A_579 : vector<16xf32>
      %swap3A_585 = arith.constant 0 : i32
      %swap3A_586 = arith.index_cast %swap3A_585 : i32 to index
      %swap3A_587 = arith.index_cast %mul3A_567 : i32 to index
      %swap3A_588 = tpu.vector_load %arg6[%swap3A_586, %swap3A_587] {strides = array<i32>} : memref<4x8000xf32, #tpu.memory_space<vmem>>, vector<16xf32>,
      tpu.vector_store %arg6[%swap3A_586, %swap3A_587], %add3A_584 {strides = array<i32>} : memref<4x8000xf32, #tpu.memory_space<vmem>>, vector<16xf32>,
      %add3A_589 = arith.addf %get3A_575, %get3A_583 : vector<16xf32>
      %swap3A_590 = arith.constant 1 : i32
      %swap3A_591 = arith.index_cast %swap3A_590 : i32 to index
      %swap3A_592 = arith.index_cast %mul3A_567 : i32 to index
      %swap3A_593 = tpu.vector_load %arg6[%swap3A_591, %swap3A_592] {strides = array<i32>} : memref<4x8000xf32, #tpu.memory_space<vmem>>, vector<16xf32>,
      tpu.vector_store %arg6[%swap3A_591, %swap3A_592], %add3A_589 {strides = array<i32>} : memref<4x8000xf32, #tpu.memory_space<vmem>>, vector<16xf32>,
      %sub3A_594 = arith.subf %get3A_579, %get3A_571 : vector<16xf32>
      %mul3A_595 = arith.constant 2.000000e+00 : f32
      %mul3A_596 = vector.broadcast %mul3A_595 : f32 to vector<16xf32>
      %mul3A_597 = arith.mulf %sub3A_594, %mul3A_596 : vector<16xf32>
      %swap3A_598 = arith.constant 2 : i32
      %swap3A_599 = arith.index_cast %swap3A_598 : i32 to index
      %swap3A_600 = arith.index_cast %mul3A_567 : i32 to index
      %swap3A_601 = tpu.vector_load %arg6[%swap3A_599, %swap3A_600] {strides = array<i32>} : memref<4x8000xf32, #tpu.memory_space<vmem>>, vector<16xf32>,
      tpu.vector_store %arg6[%swap3A_599, %swap3A_600], %mul3A_597 {strides = array<i32>} : memref<4x8000xf32, #tpu.memory_space<vmem>>, vector<16xf32>,
      %sub3A_602 = arith.subf %get3A_583, %get3A_575 : vector<16xf32>
      %mul3A_603 = arith.constant 2.000000e+00 : f32
      %mul3A_604 = vector.broadcast %mul3A_603 : f32 to vector<16xf32>
      %mul3A_605 = arith.mulf %sub3A_602, %mul3A_604 : vector<16xf32>
      %swap3A_606 = arith.constant 3 : i32
      %swap3A_607 = arith.index_cast %swap3A_606 : i32 to index
      %swap3A_608 = arith.index_cast %mul3A_567 : i32 to index
      %swap3A_609 = tpu.vector_load %arg6[%swap3A_607, %swap3A_608] {strides = array<i32>} : memref<4x8000xf32, #tpu.memory_space<vmem>>, vector<16xf32>,
      tpu.vector_store %arg6[%swap3A_607, %swap3A_608], %mul3A_605 {strides = array<i32>} : memref<4x8000xf32, #tpu.memory_space<vmem>>, vector<16xf32>,
    }
    %scan3A_81 = arith.constant 500 : i32
    %get3A = arith.constant 0 : i32
    %get3A_82 = arith.index_cast %get3A : i32 to index
    %get3A_83 = arith.constant 0 : index
    %get3A_84 = tpu.vector_load %arg7[%get3A_82, %get3A_83] {strides = array<i32>} : memref<4x16xf32, #tpu.memory_space<vmem>>, vector<16xf32>,
    %get3A_85 = arith.constant 1 : i32
    %get3A_86 = arith.index_cast %get3A_85 : i32 to index
    %get3A_87 = arith.constant 0 : index
    %get3A_88 = tpu.vector_load %arg7[%get3A_86, %get3A_87] {strides = array<i32>} : memref<4x16xf32, #tpu.memory_space<vmem>>, vector<16xf32>,
    %get3A_89 = arith.constant 2 : i32
    %get3A_90 = arith.index_cast %get3A_89 : i32 to index
    %get3A_91 = arith.constant 0 : index
    %get3A_92 = tpu.vector_load %arg7[%get3A_90, %get3A_91] {strides = array<i32>} : memref<4x16xf32, #tpu.memory_space<vmem>>, vector<16xf32>,
    %get3A_93 = arith.constant 3 : i32
    %get3A_94 = arith.index_cast %get3A_93 : i32 to index
    %get3A_95 = arith.constant 0 : index
    %get3A_96 = tpu.vector_load %arg7[%get3A_94, %get3A_95] {strides = array<i32>} : memref<4x16xf32, #tpu.memory_space<vmem>>, vector<16xf32>,
    %add3A_97 = arith.addf %get3A_84, %get3A_92 : vector<16xf32>
    %add3A_98 = arith.addf %get3A_88, %get3A_96 : vector<16xf32>
    %sub3A_99 = arith.subf %get3A_92, %get3A_84 : vector<16xf32>
    %mul3A_100 = arith.constant 2.000000e+00 : f32
    %mul3A_101 = vector.broadcast %mul3A_100 : f32 to vector<16xf32>
    %mul3A_102 = arith.mulf %sub3A_99, %mul3A_101 : vector<16xf32>
    %sub3A_103 = arith.subf %get3A_96, %get3A_88 : vector<16xf32>
    %mul3A_104 = arith.constant 2.000000e+00 : f32
    %mul3A_105 = vector.broadcast %mul3A_104 : f32 to vector<16xf32>
    %mul3A_106 = arith.mulf %sub3A_103, %mul3A_105 : vector<16xf32>
    %iota3A = tpu.iota {dimensions = array<i32: 0>} : vector<16xi32>
    %slice3A = vector.extract_strided_slice %add3A_97 {offsets = [0], sizes = [1], strides = [1]} : vector<16xf32> to vector<1xf32>
    %squeeze3A = vector.extract %slice3A[0] : f32 from vector<1xf32>
    %slice3A_107 = vector.extract_strided_slice %add3A_98 {offsets = [0], sizes = [1], strides = [1]} : vector<16xf32> to vector<1xf32>
    %squeeze3A_108 = vector.extract %slice3A_107[0] : f32 from vector<1xf32>
    %slice3A_109 = vector.extract_strided_slice %mul3A_102 {offsets = [0], sizes = [1], strides = [1]} : vector<16xf32> to vector<1xf32>
    %squeeze3A_110 = vector.extract %slice3A_109[0] : f32 from vector<1xf32>
    %slice3A_111 = vector.extract_strided_slice %mul3A_106 {offsets = [0], sizes = [1], strides = [1]} : vector<16xf32> to vector<1xf32>
    %squeeze3A_112 = vector.extract %slice3A_111[0] : f32 from vector<1xf32>
    %broadcast_in_dim3A = arith.constant 0x7F800000 : f32
    %broadcast_in_dim3A_113 = vector.broadcast %broadcast_in_dim3A : f32 to vector<16xf32>
    %broadcast_in_dim3A_114 = arith.constant 0 : i32
    %broadcast_in_dim3A_115 = vector.broadcast %broadcast_in_dim3A_114 : i32 to vector<16xi32>
    %scan3A_116 = arith.constant 0x7F800000 : f32
    %scan3A_117 = arith.constant 0 : i32
    %scan3A_118 = arith.constant 500 : i32
    %scan3A_119 = arith.addi %scan3A_117, %scan3A_118 : i32
    %scan3A_120 = arith.constant 1 : i32
    %scan3A_121:3 = scf.for %scan3A_565 = %scan3A_117 to %scan3A_119 step %scan3A_120 iter_args(%scan3A_566 = %broadcast_in_dim3A_113, %scan3A_567 = %broadcast_in_dim3A_115, %scan3A_568 = %scan3A_116) -> (vector<16xf32>, vector<16xi32>, f32)  : i32 {
      %mul3A_569 = arith.constant 16 : i32
      %mul3A_570 = arith.muli %scan3A_565, %mul3A_569 : i32
      %get3A_571 = arith.constant 0 : i32
      %get3A_572 = arith.index_cast %get3A_571 : i32 to index
      %get3A_573 = arith.index_cast %mul3A_570 : i32 to index
      %get3A_574 = tpu.vector_load %arg6[%get3A_572, %get3A_573] {strides = array<i32>} : memref<4x8000xf32, #tpu.memory_space<vmem>>, vector<16xf32>,
      %sub3A_575 = vector.broadcast %squeeze3A : f32 to vector<16xf32>
      %sub3A_576 = arith.subf %get3A_574, %sub3A_575 : vector<16xf32>
      %abs3A = math.absf %sub3A_576 : vector<16xf32>
      %get3A_577 = arith.constant 1 : i32
      %get3A_578 = arith.index_cast %get3A_577 : i32 to index
      %get3A_579 = arith.index_cast %mul3A_570 : i32 to index
      %get3A_580 = tpu.vector_load %arg6[%get3A_578, %get3A_579] {strides = array<i32>} : memref<4x8000xf32, #tpu.memory_space<vmem>>, vector<16xf32>,
      %sub3A_581 = vector.broadcast %squeeze3A_108 : f32 to vector<16xf32>
      %sub3A_582 = arith.subf %get3A_580, %sub3A_581 : vector<16xf32>
      %abs3A_583 = math.absf %sub3A_582 : vector<16xf32>
      %add3A_584 = arith.addf %abs3A, %abs3A_583 : vector<16xf32>
      %get3A_585 = arith.constant 2 : i32
      %get3A_586 = arith.index_cast %get3A_585 : i32 to index
      %get3A_587 = arith.index_cast %mul3A_570 : i32 to index
      %get3A_588 = tpu.vector_load %arg6[%get3A_586, %get3A_587] {strides = array<i32>} : memref<4x8000xf32, #tpu.memory_space<vmem>>, vector<16xf32>,
      %sub3A_589 = vector.broadcast %squeeze3A_110 : f32 to vector<16xf32>
      %sub3A_590 = arith.subf %get3A_588, %sub3A_589 : vector<16xf32>
      %abs3A_591 = math.absf %sub3A_590 : vector<16xf32>
      %add3A_592 = arith.addf %add3A_584, %abs3A_591 : vector<16xf32>
      %get3A_593 = arith.constant 3 : i32
      %get3A_594 = arith.index_cast %get3A_593 : i32 to index
      %get3A_595 = arith.index_cast %mul3A_570 : i32 to index
      %get3A_596 = tpu.vector_load %arg6[%get3A_594, %get3A_595] {strides = array<i32>} : memref<4x8000xf32, #tpu.memory_space<vmem>>, vector<16xf32>,
      %sub3A_597 = vector.broadcast %squeeze3A_112 : f32 to vector<16xf32>
      %sub3A_598 = arith.subf %get3A_596, %sub3A_597 : vector<16xf32>
      %abs3A_599 = math.absf %sub3A_598 : vector<16xf32>
      %add3A_600 = arith.addf %add3A_592, %abs3A_599 : vector<16xf32>
      %lt3A_601 = vector.broadcast %scan3A_568 : f32 to vector<16xf32>
      %lt3A_602 = arith.cmpf olt, %add3A_600, %lt3A_601 : vector<16xf32>
      %reduce_or3A = arith.constant 1.000000e+00 : f32
      %reduce_or3A_603 = arith.constant 0.000000e+00 : f32
      %reduce_or3A_604 = vector.broadcast %reduce_or3A : f32 to vector<16xf32>
      %reduce_or3A_605 = vector.broadcast %reduce_or3A_603 : f32 to vector<16xf32>
      %reduce_or3A_606 = arith.select %lt3A_602, %reduce_or3A_604, %reduce_or3A_605 : vector<16xi1>, vector<16xf32>
      %reduce_or3A_607 = arith.constant true
      %reduce_or3A_608 = vector.broadcast %reduce_or3A_607 : i1 to vector<16xi1>
      %reduce_or3A_609 = tpu.scan <max>, %reduce_or3A_606 masked %reduce_or3A_608 : vector<16xf32>, vector<16xi1> -> vector<16xf32>
      %reduce_or3A_610 = vector.extract %reduce_or3A_609[15] : f32 from vector<16xf32>
      %reduce_or3A_611 = arith.constant 0.000000e+00 : f32
      %reduce_or3A_612 = arith.cmpf ogt, %reduce_or3A_610, %reduce_or3A_611 : f32
      %convert_element_type3A = arith.extui %reduce_or3A_612 : i1 to i32
      %cond3A = arith.constant 0 : i32
      %cond3A_613 = arith.cmpi ne, %convert_element_type3A, %cond3A : i32
      %cond3A_614:3 = scf.if %cond3A_613 -> (vector<16xf32>, vector<16xi32>, f32) {
        %mul3A_615 = arith.constant 16 : i32
        %mul3A_616 = arith.muli %scan3A_565, %mul3A_615 : i32
        %add3A_617 = vector.broadcast %mul3A_616 : i32 to vector<16xi32>
        %add3A_618 = arith.addi %add3A_617, %iota3A : vector<16xi32>
        %masked_sort3A = arith.constant dense<true> : vector<16xi1>
        %masked_sort3A_619, %masked_sort3A_620, %masked_sort3A_621 = tpu.sort %add3A_600, %add3A_618 masked %masked_sort3A {descending = true} : (vector<16xf32>, vector<16xi32>, vector<16xi1>) -> (vector<16xi1>, vector<16xf32>, vector<16xi32>)
        %le3A = arith.cmpf ole, %scan3A_566, %masked_sort3A_620 : vector<16xf32>
        %select_n3A_622 = arith.select %le3A, %scan3A_566, %masked_sort3A_620 : vector<16xi1>, vector<16xf32>
        %select_n3A_623 = arith.select %le3A, %scan3A_567, %masked_sort3A_621 : vector<16xi1>, vector<16xi32>
        %masked_sort3A_624 = arith.constant dense<true> : vector<16xi1>
        %masked_sort3A_625, %masked_sort3A_626, %masked_sort3A_627 = tpu.sort %select_n3A_622, %select_n3A_623 masked %masked_sort3A_624 : (vector<16xf32>, vector<16xi32>, vector<16xi1>) -> (vector<16xi1>, vector<16xf32>, vector<16xi32>)
        %slice3A_628 = vector.extract_strided_slice %masked_sort3A_626 {offsets = [3], sizes = [1], strides = [1]} : vector<16xf32> to vector<1xf32>
        %squeeze3A_629 = vector.extract %slice3A_628[0] : f32 from vector<1xf32>
        scf.yield %masked_sort3A_626, %masked_sort3A_627, %squeeze3A_629 : vector<16xf32>, vector<16xi32>, f32
      } else {
        scf.yield %scan3A_566, %scan3A_567, %scan3A_568 : vector<16xf32>, vector<16xi32>, f32
      }
      scf.yield %cond3A_614#0, %cond3A_614#1, %cond3A_614#2 : vector<16xf32>, vector<16xi32>, f32
    }
    %scan3A_122 = arith.constant 500 : i32
    %mul3A_123 = arith.constant 16 : i32
    %mul3A_124 = vector.broadcast %mul3A_123 : i32 to vector<16xi32>
    %mul3A_125 = arith.muli %iota3A, %mul3A_124 : vector<16xi32>
    %add3A_126 = arith.constant 0 : i32
    %add3A_127 = vector.broadcast %add3A_126 : i32 to vector<16xi32>
    %add3A_128 = arith.addi %mul3A_125, %add3A_127 : vector<16xi32>
    %lt3A_129 = arith.constant 4 : i32
    %lt3A_130 = vector.broadcast %lt3A_129 : i32 to vector<16xi32>
    %lt3A_131 = arith.cmpi slt, %iota3A, %lt3A_130 : vector<16xi32>
    tpu.vector_store_idx %arg8[%add3A_128], %scan3A_121#1 masked %lt3A_131 : memref<64xi32, #tpu.memory_space<vmem>>[vector<16xi32>], vector<16xi32>, vector<16xi1>
    %slice3A_132 = vector.extract_strided_slice %add3A_97 {offsets = [1], sizes = [1], strides = [1]} : vector<16xf32> to vector<1xf32>
    %squeeze3A_133 = vector.extract %slice3A_132[0] : f32 from vector<1xf32>
    %slice3A_134 = vector.extract_strided_slice %add3A_98 {offsets = [1], sizes = [1], strides = [1]} : vector<16xf32> to vector<1xf32>
    %squeeze3A_135 = vector.extract %slice3A_134[0] : f32 from vector<1xf32>
    %slice3A_136 = vector.extract_strided_slice %mul3A_102 {offsets = [1], sizes = [1], strides = [1]} : vector<16xf32> to vector<1xf32>
    %squeeze3A_137 = vector.extract %slice3A_136[0] : f32 from vector<1xf32>
    %slice3A_138 = vector.extract_strided_slice %mul3A_106 {offsets = [1], sizes = [1], strides = [1]} : vector<16xf32> to vector<1xf32>
    %squeeze3A_139 = vector.extract %slice3A_138[0] : f32 from vector<1xf32>
    %broadcast_in_dim3A_140 = arith.constant 0x7F800000 : f32
    %broadcast_in_dim3A_141 = vector.broadcast %broadcast_in_dim3A_140 : f32 to vector<16xf32>
    %broadcast_in_dim3A_142 = arith.constant 0 : i32
    %broadcast_in_dim3A_143 = vector.broadcast %broadcast_in_dim3A_142 : i32 to vector<16xi32>
    %scan3A_144 = arith.constant 0x7F800000 : f32
    %scan3A_145 = arith.constant 0 : i32
    %scan3A_146 = arith.constant 500 : i32
    %scan3A_147 = arith.addi %scan3A_145, %scan3A_146 : i32
    %scan3A_148 = arith.constant 1 : i32
    %scan3A_149:3 = scf.for %scan3A_565 = %scan3A_145 to %scan3A_147 step %scan3A_148 iter_args(%scan3A_566 = %broadcast_in_dim3A_141, %scan3A_567 = %broadcast_in_dim3A_143, %scan3A_568 = %scan3A_144) -> (vector<16xf32>, vector<16xi32>, f32)  : i32 {
      %mul3A_569 = arith.constant 16 : i32
      %mul3A_570 = arith.muli %scan3A_565, %mul3A_569 : i32
      %get3A_571 = arith.constant 0 : i32
      %get3A_572 = arith.index_cast %get3A_571 : i32 to index
      %get3A_573 = arith.index_cast %mul3A_570 : i32 to index
      %get3A_574 = tpu.vector_load %arg6[%get3A_572, %get3A_573] {strides = array<i32>} : memref<4x8000xf32, #tpu.memory_space<vmem>>, vector<16xf32>,
      %sub3A_575 = vector.broadcast %squeeze3A_133 : f32 to vector<16xf32>
      %sub3A_576 = arith.subf %get3A_574, %sub3A_575 : vector<16xf32>
      %abs3A = math.absf %sub3A_576 : vector<16xf32>
      %get3A_577 = arith.constant 1 : i32
      %get3A_578 = arith.index_cast %get3A_577 : i32 to index
      %get3A_579 = arith.index_cast %mul3A_570 : i32 to index
      %get3A_580 = tpu.vector_load %arg6[%get3A_578, %get3A_579] {strides = array<i32>} : memref<4x8000xf32, #tpu.memory_space<vmem>>, vector<16xf32>,
      %sub3A_581 = vector.broadcast %squeeze3A_135 : f32 to vector<16xf32>
      %sub3A_582 = arith.subf %get3A_580, %sub3A_581 : vector<16xf32>
      %abs3A_583 = math.absf %sub3A_582 : vector<16xf32>
      %add3A_584 = arith.addf %abs3A, %abs3A_583 : vector<16xf32>
      %get3A_585 = arith.constant 2 : i32
      %get3A_586 = arith.index_cast %get3A_585 : i32 to index
      %get3A_587 = arith.index_cast %mul3A_570 : i32 to index
      %get3A_588 = tpu.vector_load %arg6[%get3A_586, %get3A_587] {strides = array<i32>} : memref<4x8000xf32, #tpu.memory_space<vmem>>, vector<16xf32>,
      %sub3A_589 = vector.broadcast %squeeze3A_137 : f32 to vector<16xf32>
      %sub3A_590 = arith.subf %get3A_588, %sub3A_589 : vector<16xf32>
      %abs3A_591 = math.absf %sub3A_590 : vector<16xf32>
      %add3A_592 = arith.addf %add3A_584, %abs3A_591 : vector<16xf32>
      %get3A_593 = arith.constant 3 : i32
      %get3A_594 = arith.index_cast %get3A_593 : i32 to index
      %get3A_595 = arith.index_cast %mul3A_570 : i32 to index
      %get3A_596 = tpu.vector_load %arg6[%get3A_594, %get3A_595] {strides = array<i32>} : memref<4x8000xf32, #tpu.memory_space<vmem>>, vector<16xf32>,
      %sub3A_597 = vector.broadcast %squeeze3A_139 : f32 to vector<16xf32>
      %sub3A_598 = arith.subf %get3A_596, %sub3A_597 : vector<16xf32>
      %abs3A_599 = math.absf %sub3A_598 : vector<16xf32>
      %add3A_600 = arith.addf %add3A_592, %abs3A_599 : vector<16xf32>
      %lt3A_601 = vector.broadcast %scan3A_568 : f32 to vector<16xf32>
      %lt3A_602 = arith.cmpf olt, %add3A_600, %lt3A_601 : vector<16xf32>
      %reduce_or3A = arith.constant 1.000000e+00 : f32
      %reduce_or3A_603 = arith.constant 0.000000e+00 : f32
      %reduce_or3A_604 = vector.broadcast %reduce_or3A : f32 to vector<16xf32>
      %reduce_or3A_605 = vector.broadcast %reduce_or3A_603 : f32 to vector<16xf32>
      %reduce_or3A_606 = arith.select %lt3A_602, %reduce_or3A_604, %reduce_or3A_605 : vector<16xi1>, vector<16xf32>
      %reduce_or3A_607 = arith.constant true
      %reduce_or3A_608 = vector.broadcast %reduce_or3A_607 : i1 to vector<16xi1>
      %reduce_or3A_609 = tpu.scan <max>, %reduce_or3A_606 masked %reduce_or3A_608 : vector<16xf32>, vector<16xi1> -> vector<16xf32>
      %reduce_or3A_610 = vector.extract %reduce_or3A_609[15] : f32 from vector<16xf32>
      %reduce_or3A_611 = arith.constant 0.000000e+00 : f32
      %reduce_or3A_612 = arith.cmpf ogt, %reduce_or3A_610, %reduce_or3A_611 : f32
      %convert_element_type3A = arith.extui %reduce_or3A_612 : i1 to i32
      %cond3A = arith.constant 0 : i32
      %cond3A_613 = arith.cmpi ne, %convert_element_type3A, %cond3A : i32
      %cond3A_614:3 = scf.if %cond3A_613 -> (vector<16xf32>, vector<16xi32>, f32) {
        %mul3A_615 = arith.constant 16 : i32
        %mul3A_616 = arith.muli %scan3A_565, %mul3A_615 : i32
        %add3A_617 = vector.broadcast %mul3A_616 : i32 to vector<16xi32>
        %add3A_618 = arith.addi %add3A_617, %iota3A : vector<16xi32>
        %masked_sort3A = arith.constant dense<true> : vector<16xi1>
        %masked_sort3A_619, %masked_sort3A_620, %masked_sort3A_621 = tpu.sort %add3A_600, %add3A_618 masked %masked_sort3A {descending = true} : (vector<16xf32>, vector<16xi32>, vector<16xi1>) -> (vector<16xi1>, vector<16xf32>, vector<16xi32>)
        %le3A = arith.cmpf ole, %scan3A_566, %masked_sort3A_620 : vector<16xf32>
        %select_n3A_622 = arith.select %le3A, %scan3A_566, %masked_sort3A_620 : vector<16xi1>, vector<16xf32>
        %select_n3A_623 = arith.select %le3A, %scan3A_567, %masked_sort3A_621 : vector<16xi1>, vector<16xi32>
        %masked_sort3A_624 = arith.constant dense<true> : vector<16xi1>
        %masked_sort3A_625, %masked_sort3A_626, %masked_sort3A_627 = tpu.sort %select_n3A_622, %select_n3A_623 masked %masked_sort3A_624 : (vector<16xf32>, vector<16xi32>, vector<16xi1>) -> (vector<16xi1>, vector<16xf32>, vector<16xi32>)
        %slice3A_628 = vector.extract_strided_slice %masked_sort3A_626 {offsets = [3], sizes = [1], strides = [1]} : vector<16xf32> to vector<1xf32>
        %squeeze3A_629 = vector.extract %slice3A_628[0] : f32 from vector<1xf32>
        scf.yield %masked_sort3A_626, %masked_sort3A_627, %squeeze3A_629 : vector<16xf32>, vector<16xi32>, f32
      } else {
        scf.yield %scan3A_566, %scan3A_567, %scan3A_568 : vector<16xf32>, vector<16xi32>, f32
      }
      scf.yield %cond3A_614#0, %cond3A_614#1, %cond3A_614#2 : vector<16xf32>, vector<16xi32>, f32
    }
    %scan3A_150 = arith.constant 500 : i32
    %mul3A_151 = arith.constant 16 : i32
    %mul3A_152 = vector.broadcast %mul3A_151 : i32 to vector<16xi32>
    %mul3A_153 = arith.muli %iota3A, %mul3A_152 : vector<16xi32>
    %add3A_154 = arith.constant 1 : i32
    %add3A_155 = vector.broadcast %add3A_154 : i32 to vector<16xi32>
    %add3A_156 = arith.addi %mul3A_153, %add3A_155 : vector<16xi32>
    %lt3A_157 = arith.constant 4 : i32
    %lt3A_158 = vector.broadcast %lt3A_157 : i32 to vector<16xi32>
    %lt3A_159 = arith.cmpi slt, %iota3A, %lt3A_158 : vector<16xi32>
    tpu.vector_store_idx %arg8[%add3A_156], %scan3A_149#1 masked %lt3A_159 : memref<64xi32, #tpu.memory_space<vmem>>[vector<16xi32>], vector<16xi32>, vector<16xi1>
    %slice3A_160 = vector.extract_strided_slice %add3A_97 {offsets = [2], sizes = [1], strides = [1]} : vector<16xf32> to vector<1xf32>
    %squeeze3A_161 = vector.extract %slice3A_160[0] : f32 from vector<1xf32>
    %slice3A_162 = vector.extract_strided_slice %add3A_98 {offsets = [2], sizes = [1], strides = [1]} : vector<16xf32> to vector<1xf32>
    %squeeze3A_163 = vector.extract %slice3A_162[0] : f32 from vector<1xf32>
    %slice3A_164 = vector.extract_strided_slice %mul3A_102 {offsets = [2], sizes = [1], strides = [1]} : vector<16xf32> to vector<1xf32>
    %squeeze3A_165 = vector.extract %slice3A_164[0] : f32 from vector<1xf32>
    %slice3A_166 = vector.extract_strided_slice %mul3A_106 {offsets = [2], sizes = [1], strides = [1]} : vector<16xf32> to vector<1xf32>
    %squeeze3A_167 = vector.extract %slice3A_166[0] : f32 from vector<1xf32>
    %broadcast_in_dim3A_168 = arith.constant 0x7F800000 : f32
    %broadcast_in_dim3A_169 = vector.broadcast %broadcast_in_dim3A_168 : f32 to vector<16xf32>
    %broadcast_in_dim3A_170 = arith.constant 0 : i32
    %broadcast_in_dim3A_171 = vector.broadcast %broadcast_in_dim3A_170 : i32 to vector<16xi32>
    %scan3A_172 = arith.constant 0x7F800000 : f32
    %scan3A_173 = arith.constant 0 : i32
    %scan3A_174 = arith.constant 500 : i32
    %scan3A_175 = arith.addi %scan3A_173, %scan3A_174 : i32
    %scan3A_176 = arith.constant 1 : i32
    %scan3A_177:3 = scf.for %scan3A_565 = %scan3A_173 to %scan3A_175 step %scan3A_176 iter_args(%scan3A_566 = %broadcast_in_dim3A_169, %scan3A_567 = %broadcast_in_dim3A_171, %scan3A_568 = %scan3A_172) -> (vector<16xf32>, vector<16xi32>, f32)  : i32 {
      %mul3A_569 = arith.constant 16 : i32
      %mul3A_570 = arith.muli %scan3A_565, %mul3A_569 : i32
      %get3A_571 = arith.constant 0 : i32
      %get3A_572 = arith.index_cast %get3A_571 : i32 to index
      %get3A_573 = arith.index_cast %mul3A_570 : i32 to index
      %get3A_574 = tpu.vector_load %arg6[%get3A_572, %get3A_573] {strides = array<i32>} : memref<4x8000xf32, #tpu.memory_space<vmem>>, vector<16xf32>,
      %sub3A_575 = vector.broadcast %squeeze3A_161 : f32 to vector<16xf32>
      %sub3A_576 = arith.subf %get3A_574, %sub3A_575 : vector<16xf32>
      %abs3A = math.absf %sub3A_576 : vector<16xf32>
      %get3A_577 = arith.constant 1 : i32
      %get3A_578 = arith.index_cast %get3A_577 : i32 to index
      %get3A_579 = arith.index_cast %mul3A_570 : i32 to index
      %get3A_580 = tpu.vector_load %arg6[%get3A_578, %get3A_579] {strides = array<i32>} : memref<4x8000xf32, #tpu.memory_space<vmem>>, vector<16xf32>,
      %sub3A_581 = vector.broadcast %squeeze3A_163 : f32 to vector<16xf32>
      %sub3A_582 = arith.subf %get3A_580, %sub3A_581 : vector<16xf32>
      %abs3A_583 = math.absf %sub3A_582 : vector<16xf32>
      %add3A_584 = arith.addf %abs3A, %abs3A_583 : vector<16xf32>
      %get3A_585 = arith.constant 2 : i32
      %get3A_586 = arith.index_cast %get3A_585 : i32 to index
      %get3A_587 = arith.index_cast %mul3A_570 : i32 to index
      %get3A_588 = tpu.vector_load %arg6[%get3A_586, %get3A_587] {strides = array<i32>} : memref<4x8000xf32, #tpu.memory_space<vmem>>, vector<16xf32>,
      %sub3A_589 = vector.broadcast %squeeze3A_165 : f32 to vector<16xf32>
      %sub3A_590 = arith.subf %get3A_588, %sub3A_589 : vector<16xf32>
      %abs3A_591 = math.absf %sub3A_590 : vector<16xf32>
      %add3A_592 = arith.addf %add3A_584, %abs3A_591 : vector<16xf32>
      %get3A_593 = arith.constant 3 : i32
      %get3A_594 = arith.index_cast %get3A_593 : i32 to index
      %get3A_595 = arith.index_cast %mul3A_570 : i32 to index
      %get3A_596 = tpu.vector_load %arg6[%get3A_594, %get3A_595] {strides = array<i32>} : memref<4x8000xf32, #tpu.memory_space<vmem>>, vector<16xf32>,
      %sub3A_597 = vector.broadcast %squeeze3A_167 : f32 to vector<16xf32>
      %sub3A_598 = arith.subf %get3A_596, %sub3A_597 : vector<16xf32>
      %abs3A_599 = math.absf %sub3A_598 : vector<16xf32>
      %add3A_600 = arith.addf %add3A_592, %abs3A_599 : vector<16xf32>
      %lt3A_601 = vector.broadcast %scan3A_568 : f32 to vector<16xf32>
      %lt3A_602 = arith.cmpf olt, %add3A_600, %lt3A_601 : vector<16xf32>
      %reduce_or3A = arith.constant 1.000000e+00 : f32
      %reduce_or3A_603 = arith.constant 0.000000e+00 : f32
      %reduce_or3A_604 = vector.broadcast %reduce_or3A : f32 to vector<16xf32>
      %reduce_or3A_605 = vector.broadcast %reduce_or3A_603 : f32 to vector<16xf32>
      %reduce_or3A_606 = arith.select %lt3A_602, %reduce_or3A_604, %reduce_or3A_605 : vector<16xi1>, vector<16xf32>
      %reduce_or3A_607 = arith.constant true
      %reduce_or3A_608 = vector.broadcast %reduce_or3A_607 : i1 to vector<16xi1>
      %reduce_or3A_609 = tpu.scan <max>, %reduce_or3A_606 masked %reduce_or3A_608 : vector<16xf32>, vector<16xi1> -> vector<16xf32>
      %reduce_or3A_610 = vector.extract %reduce_or3A_609[15] : f32 from vector<16xf32>
      %reduce_or3A_611 = arith.constant 0.000000e+00 : f32
      %reduce_or3A_612 = arith.cmpf ogt, %reduce_or3A_610, %reduce_or3A_611 : f32
      %convert_element_type3A = arith.extui %reduce_or3A_612 : i1 to i32
      %cond3A = arith.constant 0 : i32
      %cond3A_613 = arith.cmpi ne, %convert_element_type3A, %cond3A : i32
      %cond3A_614:3 = scf.if %cond3A_613 -> (vector<16xf32>, vector<16xi32>, f32) {
        %mul3A_615 = arith.constant 16 : i32
        %mul3A_616 = arith.muli %scan3A_565, %mul3A_615 : i32
        %add3A_617 = vector.broadcast %mul3A_616 : i32 to vector<16xi32>
        %add3A_618 = arith.addi %add3A_617, %iota3A : vector<16xi32>
        %masked_sort3A = arith.constant dense<true> : vector<16xi1>
        %masked_sort3A_619, %masked_sort3A_620, %masked_sort3A_621 = tpu.sort %add3A_600, %add3A_618 masked %masked_sort3A {descending = true} : (vector<16xf32>, vector<16xi32>, vector<16xi1>) -> (vector<16xi1>, vector<16xf32>, vector<16xi32>)
        %le3A = arith.cmpf ole, %scan3A_566, %masked_sort3A_620 : vector<16xf32>
        %select_n3A_622 = arith.select %le3A, %scan3A_566, %masked_sort3A_620 : vector<16xi1>, vector<16xf32>
        %select_n3A_623 = arith.select %le3A, %scan3A_567, %masked_sort3A_621 : vector<16xi1>, vector<16xi32>
        %masked_sort3A_624 = arith.constant dense<true> : vector<16xi1>
        %masked_sort3A_625, %masked_sort3A_626, %masked_sort3A_627 = tpu.sort %select_n3A_622, %select_n3A_623 masked %masked_sort3A_624 : (vector<16xf32>, vector<16xi32>, vector<16xi1>) -> (vector<16xi1>, vector<16xf32>, vector<16xi32>)
        %slice3A_628 = vector.extract_strided_slice %masked_sort3A_626 {offsets = [3], sizes = [1], strides = [1]} : vector<16xf32> to vector<1xf32>
        %squeeze3A_629 = vector.extract %slice3A_628[0] : f32 from vector<1xf32>
        scf.yield %masked_sort3A_626, %masked_sort3A_627, %squeeze3A_629 : vector<16xf32>, vector<16xi32>, f32
      } else {
        scf.yield %scan3A_566, %scan3A_567, %scan3A_568 : vector<16xf32>, vector<16xi32>, f32
      }
      scf.yield %cond3A_614#0, %cond3A_614#1, %cond3A_614#2 : vector<16xf32>, vector<16xi32>, f32
    }
    %scan3A_178 = arith.constant 500 : i32
    %mul3A_179 = arith.constant 16 : i32
    %mul3A_180 = vector.broadcast %mul3A_179 : i32 to vector<16xi32>
    %mul3A_181 = arith.muli %iota3A, %mul3A_180 : vector<16xi32>
    %add3A_182 = arith.constant 2 : i32
    %add3A_183 = vector.broadcast %add3A_182 : i32 to vector<16xi32>
    %add3A_184 = arith.addi %mul3A_181, %add3A_183 : vector<16xi32>
    %lt3A_185 = arith.constant 4 : i32
    %lt3A_186 = vector.broadcast %lt3A_185 : i32 to vector<16xi32>
    %lt3A_187 = arith.cmpi slt, %iota3A, %lt3A_186 : vector<16xi32>
    tpu.vector_store_idx %arg8[%add3A_184], %scan3A_177#1 masked %lt3A_187 : memref<64xi32, #tpu.memory_space<vmem>>[vector<16xi32>], vector<16xi32>, vector<16xi1>
    %slice3A_188 = vector.extract_strided_slice %add3A_97 {offsets = [3], sizes = [1], strides = [1]} : vector<16xf32> to vector<1xf32>
    %squeeze3A_189 = vector.extract %slice3A_188[0] : f32 from vector<1xf32>
    %slice3A_190 = vector.extract_strided_slice %add3A_98 {offsets = [3], sizes = [1], strides = [1]} : vector<16xf32> to vector<1xf32>
    %squeeze3A_191 = vector.extract %slice3A_190[0] : f32 from vector<1xf32>
    %slice3A_192 = vector.extract_strided_slice %mul3A_102 {offsets = [3], sizes = [1], strides = [1]} : vector<16xf32> to vector<1xf32>
    %squeeze3A_193 = vector.extract %slice3A_192[0] : f32 from vector<1xf32>
    %slice3A_194 = vector.extract_strided_slice %mul3A_106 {offsets = [3], sizes = [1], strides = [1]} : vector<16xf32> to vector<1xf32>
    %squeeze3A_195 = vector.extract %slice3A_194[0] : f32 from vector<1xf32>
    %broadcast_in_dim3A_196 = arith.constant 0x7F800000 : f32
    %broadcast_in_dim3A_197 = vector.broadcast %broadcast_in_dim3A_196 : f32 to vector<16xf32>
    %broadcast_in_dim3A_198 = arith.constant 0 : i32
    %broadcast_in_dim3A_199 = vector.broadcast %broadcast_in_dim3A_198 : i32 to vector<16xi32>
    %scan3A_200 = arith.constant 0x7F800000 : f32
    %scan3A_201 = arith.constant 0 : i32
    %scan3A_202 = arith.constant 500 : i32
    %scan3A_203 = arith.addi %scan3A_201, %scan3A_202 : i32
    %scan3A_204 = arith.constant 1 : i32
    %scan3A_205:3 = scf.for %scan3A_565 = %scan3A_201 to %scan3A_203 step %scan3A_204 iter_args(%scan3A_566 = %broadcast_in_dim3A_197, %scan3A_567 = %broadcast_in_dim3A_199, %scan3A_568 = %scan3A_200) -> (vector<16xf32>, vector<16xi32>, f32)  : i32 {
      %mul3A_569 = arith.constant 16 : i32
      %mul3A_570 = arith.muli %scan3A_565, %mul3A_569 : i32
      %get3A_571 = arith.constant 0 : i32
      %get3A_572 = arith.index_cast %get3A_571 : i32 to index
      %get3A_573 = arith.index_cast %mul3A_570 : i32 to index
      %get3A_574 = tpu.vector_load %arg6[%get3A_572, %get3A_573] {strides = array<i32>} : memref<4x8000xf32, #tpu.memory_space<vmem>>, vector<16xf32>,
      %sub3A_575 = vector.broadcast %squeeze3A_189 : f32 to vector<16xf32>
      %sub3A_576 = arith.subf %get3A_574, %sub3A_575 : vector<16xf32>
      %abs3A = math.absf %sub3A_576 : vector<16xf32>
      %get3A_577 = arith.constant 1 : i32
      %get3A_578 = arith.index_cast %get3A_577 : i32 to index
      %get3A_579 = arith.index_cast %mul3A_570 : i32 to index
      %get3A_580 = tpu.vector_load %arg6[%get3A_578, %get3A_579] {strides = array<i32>} : memref<4x8000xf32, #tpu.memory_space<vmem>>, vector<16xf32>,
      %sub3A_581 = vector.broadcast %squeeze3A_191 : f32 to vector<16xf32>
      %sub3A_582 = arith.subf %get3A_580, %sub3A_581 : vector<16xf32>
      %abs3A_583 = math.absf %sub3A_582 : vector<16xf32>
      %add3A_584 = arith.addf %abs3A, %abs3A_583 : vector<16xf32>
      %get3A_585 = arith.constant 2 : i32
      %get3A_586 = arith.index_cast %get3A_585 : i32 to index
      %get3A_587 = arith.index_cast %mul3A_570 : i32 to index
      %get3A_588 = tpu.vector_load %arg6[%get3A_586, %get3A_587] {strides = array<i32>} : memref<4x8000xf32, #tpu.memory_space<vmem>>, vector<16xf32>,
      %sub3A_589 = vector.broadcast %squeeze3A_193 : f32 to vector<16xf32>
      %sub3A_590 = arith.subf %get3A_588, %sub3A_589 : vector<16xf32>
      %abs3A_591 = math.absf %sub3A_590 : vector<16xf32>
      %add3A_592 = arith.addf %add3A_584, %abs3A_591 : vector<16xf32>
      %get3A_593 = arith.constant 3 : i32
      %get3A_594 = arith.index_cast %get3A_593 : i32 to index
      %get3A_595 = arith.index_cast %mul3A_570 : i32 to index
      %get3A_596 = tpu.vector_load %arg6[%get3A_594, %get3A_595] {strides = array<i32>} : memref<4x8000xf32, #tpu.memory_space<vmem>>, vector<16xf32>,
      %sub3A_597 = vector.broadcast %squeeze3A_195 : f32 to vector<16xf32>
      %sub3A_598 = arith.subf %get3A_596, %sub3A_597 : vector<16xf32>
      %abs3A_599 = math.absf %sub3A_598 : vector<16xf32>
      %add3A_600 = arith.addf %add3A_592, %abs3A_599 : vector<16xf32>
      %lt3A_601 = vector.broadcast %scan3A_568 : f32 to vector<16xf32>
      %lt3A_602 = arith.cmpf olt, %add3A_600, %lt3A_601 : vector<16xf32>
      %reduce_or3A = arith.constant 1.000000e+00 : f32
      %reduce_or3A_603 = arith.constant 0.000000e+00 : f32
      %reduce_or3A_604 = vector.broadcast %reduce_or3A : f32 to vector<16xf32>
      %reduce_or3A_605 = vector.broadcast %reduce_or3A_603 : f32 to vector<16xf32>
      %reduce_or3A_606 = arith.select %lt3A_602, %reduce_or3A_604, %reduce_or3A_605 : vector<16xi1>, vector<16xf32>
      %reduce_or3A_607 = arith.constant true
      %reduce_or3A_608 = vector.broadcast %reduce_or3A_607 : i1 to vector<16xi1>
      %reduce_or3A_609 = tpu.scan <max>, %reduce_or3A_606 masked %reduce_or3A_608 : vector<16xf32>, vector<16xi1> -> vector<16xf32>
      %reduce_or3A_610 = vector.extract %reduce_or3A_609[15] : f32 from vector<16xf32>
      %reduce_or3A_611 = arith.constant 0.000000e+00 : f32
      %reduce_or3A_612 = arith.cmpf ogt, %reduce_or3A_610, %reduce_or3A_611 : f32
      %convert_element_type3A = arith.extui %reduce_or3A_612 : i1 to i32
      %cond3A = arith.constant 0 : i32
      %cond3A_613 = arith.cmpi ne, %convert_element_type3A, %cond3A : i32
      %cond3A_614:3 = scf.if %cond3A_613 -> (vector<16xf32>, vector<16xi32>, f32) {
        %mul3A_615 = arith.constant 16 : i32
        %mul3A_616 = arith.muli %scan3A_565, %mul3A_615 : i32
        %add3A_617 = vector.broadcast %mul3A_616 : i32 to vector<16xi32>
        %add3A_618 = arith.addi %add3A_617, %iota3A : vector<16xi32>
        %masked_sort3A = arith.constant dense<true> : vector<16xi1>
        %masked_sort3A_619, %masked_sort3A_620, %masked_sort3A_621 = tpu.sort %add3A_600, %add3A_618 masked %masked_sort3A {descending = true} : (vector<16xf32>, vector<16xi32>, vector<16xi1>) -> (vector<16xi1>, vector<16xf32>, vector<16xi32>)
        %le3A = arith.cmpf ole, %scan3A_566, %masked_sort3A_620 : vector<16xf32>
        %select_n3A_622 = arith.select %le3A, %scan3A_566, %masked_sort3A_620 : vector<16xi1>, vector<16xf32>
        %select_n3A_623 = arith.select %le3A, %scan3A_567, %masked_sort3A_621 : vector<16xi1>, vector<16xi32>
        %masked_sort3A_624 = arith.constant dense<true> : vector<16xi1>
        %masked_sort3A_625, %masked_sort3A_626, %masked_sort3A_627 = tpu.sort %select_n3A_622, %select_n3A_623 masked %masked_sort3A_624 : (vector<16xf32>, vector<16xi32>, vector<16xi1>) -> (vector<16xi1>, vector<16xf32>, vector<16xi32>)
        %slice3A_628 = vector.extract_strided_slice %masked_sort3A_626 {offsets = [3], sizes = [1], strides = [1]} : vector<16xf32> to vector<1xf32>
        %squeeze3A_629 = vector.extract %slice3A_628[0] : f32 from vector<1xf32>
        scf.yield %masked_sort3A_626, %masked_sort3A_627, %squeeze3A_629 : vector<16xf32>, vector<16xi32>, f32
      } else {
        scf.yield %scan3A_566, %scan3A_567, %scan3A_568 : vector<16xf32>, vector<16xi32>, f32
      }
      scf.yield %cond3A_614#0, %cond3A_614#1, %cond3A_614#2 : vector<16xf32>, vector<16xi32>, f32
    }
    %scan3A_206 = arith.constant 500 : i32
    %mul3A_207 = arith.constant 16 : i32
    %mul3A_208 = vector.broadcast %mul3A_207 : i32 to vector<16xi32>
    %mul3A_209 = arith.muli %iota3A, %mul3A_208 : vector<16xi32>
    %add3A_210 = arith.constant 3 : i32
    %add3A_211 = vector.broadcast %add3A_210 : i32 to vector<16xi32>
    %add3A_212 = arith.addi %mul3A_209, %add3A_211 : vector<16xi32>
    %lt3A_213 = arith.constant 4 : i32
    %lt3A_214 = vector.broadcast %lt3A_213 : i32 to vector<16xi32>
    %lt3A_215 = arith.cmpi slt, %iota3A, %lt3A_214 : vector<16xi32>
    tpu.vector_store_idx %arg8[%add3A_212], %scan3A_205#1 masked %lt3A_215 : memref<64xi32, #tpu.memory_space<vmem>>[vector<16xi32>], vector<16xi32>, vector<16xi1>
    %slice3A_216 = vector.extract_strided_slice %add3A_97 {offsets = [4], sizes = [1], strides = [1]} : vector<16xf32> to vector<1xf32>
    %squeeze3A_217 = vector.extract %slice3A_216[0] : f32 from vector<1xf32>
    %slice3A_218 = vector.extract_strided_slice %add3A_98 {offsets = [4], sizes = [1], strides = [1]} : vector<16xf32> to vector<1xf32>
    %squeeze3A_219 = vector.extract %slice3A_218[0] : f32 from vector<1xf32>
    %slice3A_220 = vector.extract_strided_slice %mul3A_102 {offsets = [4], sizes = [1], strides = [1]} : vector<16xf32> to vector<1xf32>
    %squeeze3A_221 = vector.extract %slice3A_220[0] : f32 from vector<1xf32>
    %slice3A_222 = vector.extract_strided_slice %mul3A_106 {offsets = [4], sizes = [1], strides = [1]} : vector<16xf32> to vector<1xf32>
    %squeeze3A_223 = vector.extract %slice3A_222[0] : f32 from vector<1xf32>
    %broadcast_in_dim3A_224 = arith.constant 0x7F800000 : f32
    %broadcast_in_dim3A_225 = vector.broadcast %broadcast_in_dim3A_224 : f32 to vector<16xf32>
    %broadcast_in_dim3A_226 = arith.constant 0 : i32
    %broadcast_in_dim3A_227 = vector.broadcast %broadcast_in_dim3A_226 : i32 to vector<16xi32>
    %scan3A_228 = arith.constant 0x7F800000 : f32
    %scan3A_229 = arith.constant 0 : i32
    %scan3A_230 = arith.constant 500 : i32
    %scan3A_231 = arith.addi %scan3A_229, %scan3A_230 : i32
    %scan3A_232 = arith.constant 1 : i32
    %scan3A_233:3 = scf.for %scan3A_565 = %scan3A_229 to %scan3A_231 step %scan3A_232 iter_args(%scan3A_566 = %broadcast_in_dim3A_225, %scan3A_567 = %broadcast_in_dim3A_227, %scan3A_568 = %scan3A_228) -> (vector<16xf32>, vector<16xi32>, f32)  : i32 {
      %mul3A_569 = arith.constant 16 : i32
      %mul3A_570 = arith.muli %scan3A_565, %mul3A_569 : i32
      %get3A_571 = arith.constant 0 : i32
      %get3A_572 = arith.index_cast %get3A_571 : i32 to index
      %get3A_573 = arith.index_cast %mul3A_570 : i32 to index
      %get3A_574 = tpu.vector_load %arg6[%get3A_572, %get3A_573] {strides = array<i32>} : memref<4x8000xf32, #tpu.memory_space<vmem>>, vector<16xf32>,
      %sub3A_575 = vector.broadcast %squeeze3A_217 : f32 to vector<16xf32>
      %sub3A_576 = arith.subf %get3A_574, %sub3A_575 : vector<16xf32>
      %abs3A = math.absf %sub3A_576 : vector<16xf32>
      %get3A_577 = arith.constant 1 : i32
      %get3A_578 = arith.index_cast %get3A_577 : i32 to index
      %get3A_579 = arith.index_cast %mul3A_570 : i32 to index
      %get3A_580 = tpu.vector_load %arg6[%get3A_578, %get3A_579] {strides = array<i32>} : memref<4x8000xf32, #tpu.memory_space<vmem>>, vector<16xf32>,
      %sub3A_581 = vector.broadcast %squeeze3A_219 : f32 to vector<16xf32>
      %sub3A_582 = arith.subf %get3A_580, %sub3A_581 : vector<16xf32>
      %abs3A_583 = math.absf %sub3A_582 : vector<16xf32>
      %add3A_584 = arith.addf %abs3A, %abs3A_583 : vector<16xf32>
      %get3A_585 = arith.constant 2 : i32
      %get3A_586 = arith.index_cast %get3A_585 : i32 to index
      %get3A_587 = arith.index_cast %mul3A_570 : i32 to index
      %get3A_588 = tpu.vector_load %arg6[%get3A_586, %get3A_587] {strides = array<i32>} : memref<4x8000xf32, #tpu.memory_space<vmem>>, vector<16xf32>,
      %sub3A_589 = vector.broadcast %squeeze3A_221 : f32 to vector<16xf32>
      %sub3A_590 = arith.subf %get3A_588, %sub3A_589 : vector<16xf32>
      %abs3A_591 = math.absf %sub3A_590 : vector<16xf32>
      %add3A_592 = arith.addf %add3A_584, %abs3A_591 : vector<16xf32>
      %get3A_593 = arith.constant 3 : i32
      %get3A_594 = arith.index_cast %get3A_593 : i32 to index
      %get3A_595 = arith.index_cast %mul3A_570 : i32 to index
      %get3A_596 = tpu.vector_load %arg6[%get3A_594, %get3A_595] {strides = array<i32>} : memref<4x8000xf32, #tpu.memory_space<vmem>>, vector<16xf32>,
      %sub3A_597 = vector.broadcast %squeeze3A_223 : f32 to vector<16xf32>
      %sub3A_598 = arith.subf %get3A_596, %sub3A_597 : vector<16xf32>
      %abs3A_599 = math.absf %sub3A_598 : vector<16xf32>
      %add3A_600 = arith.addf %add3A_592, %abs3A_599 : vector<16xf32>
      %lt3A_601 = vector.broadcast %scan3A_568 : f32 to vector<16xf32>
      %lt3A_602 = arith.cmpf olt, %add3A_600, %lt3A_601 : vector<16xf32>
      %reduce_or3A = arith.constant 1.000000e+00 : f32
      %reduce_or3A_603 = arith.constant 0.000000e+00 : f32
      %reduce_or3A_604 = vector.broadcast %reduce_or3A : f32 to vector<16xf32>
      %reduce_or3A_605 = vector.broadcast %reduce_or3A_603 : f32 to vector<16xf32>
      %reduce_or3A_606 = arith.select %lt3A_602, %reduce_or3A_604, %reduce_or3A_605 : vector<16xi1>, vector<16xf32>
      %reduce_or3A_607 = arith.constant true
      %reduce_or3A_608 = vector.broadcast %reduce_or3A_607 : i1 to vector<16xi1>
      %reduce_or3A_609 = tpu.scan <max>, %reduce_or3A_606 masked %reduce_or3A_608 : vector<16xf32>, vector<16xi1> -> vector<16xf32>
      %reduce_or3A_610 = vector.extract %reduce_or3A_609[15] : f32 from vector<16xf32>
      %reduce_or3A_611 = arith.constant 0.000000e+00 : f32
      %reduce_or3A_612 = arith.cmpf ogt, %reduce_or3A_610, %reduce_or3A_611 : f32
      %convert_element_type3A = arith.extui %reduce_or3A_612 : i1 to i32
      %cond3A = arith.constant 0 : i32
      %cond3A_613 = arith.cmpi ne, %convert_element_type3A, %cond3A : i32
      %cond3A_614:3 = scf.if %cond3A_613 -> (vector<16xf32>, vector<16xi32>, f32) {
        %mul3A_615 = arith.constant 16 : i32
        %mul3A_616 = arith.muli %scan3A_565, %mul3A_615 : i32
        %add3A_617 = vector.broadcast %mul3A_616 : i32 to vector<16xi32>
        %add3A_618 = arith.addi %add3A_617, %iota3A : vector<16xi32>
        %masked_sort3A = arith.constant dense<true> : vector<16xi1>
        %masked_sort3A_619, %masked_sort3A_620, %masked_sort3A_621 = tpu.sort %add3A_600, %add3A_618 masked %masked_sort3A {descending = true} : (vector<16xf32>, vector<16xi32>, vector<16xi1>) -> (vector<16xi1>, vector<16xf32>, vector<16xi32>)
        %le3A = arith.cmpf ole, %scan3A_566, %masked_sort3A_620 : vector<16xf32>
        %select_n3A_622 = arith.select %le3A, %scan3A_566, %masked_sort3A_620 : vector<16xi1>, vector<16xf32>
        %select_n3A_623 = arith.select %le3A, %scan3A_567, %masked_sort3A_621 : vector<16xi1>, vector<16xi32>
        %masked_sort3A_624 = arith.constant dense<true> : vector<16xi1>
        %masked_sort3A_625, %masked_sort3A_626, %masked_sort3A_627 = tpu.sort %select_n3A_622, %select_n3A_623 masked %masked_sort3A_624 : (vector<16xf32>, vector<16xi32>, vector<16xi1>) -> (vector<16xi1>, vector<16xf32>, vector<16xi32>)
        %slice3A_628 = vector.extract_strided_slice %masked_sort3A_626 {offsets = [3], sizes = [1], strides = [1]} : vector<16xf32> to vector<1xf32>
        %squeeze3A_629 = vector.extract %slice3A_628[0] : f32 from vector<1xf32>
        scf.yield %masked_sort3A_626, %masked_sort3A_627, %squeeze3A_629 : vector<16xf32>, vector<16xi32>, f32
      } else {
        scf.yield %scan3A_566, %scan3A_567, %scan3A_568 : vector<16xf32>, vector<16xi32>, f32
      }
      scf.yield %cond3A_614#0, %cond3A_614#1, %cond3A_614#2 : vector<16xf32>, vector<16xi32>, f32
    }
    %scan3A_234 = arith.constant 500 : i32
    %mul3A_235 = arith.constant 16 : i32
    %mul3A_236 = vector.broadcast %mul3A_235 : i32 to vector<16xi32>
    %mul3A_237 = arith.muli %iota3A, %mul3A_236 : vector<16xi32>
    %add3A_238 = arith.constant 4 : i32
    %add3A_239 = vector.broadcast %add3A_238 : i32 to vector<16xi32>
    %add3A_240 = arith.addi %mul3A_237, %add3A_239 : vector<16xi32>
    %lt3A_241 = arith.constant 4 : i32
    %lt3A_242 = vector.broadcast %lt3A_241 : i32 to vector<16xi32>
    %lt3A_243 = arith.cmpi slt, %iota3A, %lt3A_242 : vector<16xi32>
    tpu.vector_store_idx %arg8[%add3A_240], %scan3A_233#1 masked %lt3A_243 : memref<64xi32, #tpu.memory_space<vmem>>[vector<16xi32>], vector<16xi32>, vector<16xi1>
    %slice3A_244 = vector.extract_strided_slice %add3A_97 {offsets = [5], sizes = [1], strides = [1]} : vector<16xf32> to vector<1xf32>
    %squeeze3A_245 = vector.extract %slice3A_244[0] : f32 from vector<1xf32>
    %slice3A_246 = vector.extract_strided_slice %add3A_98 {offsets = [5], sizes = [1], strides = [1]} : vector<16xf32> to vector<1xf32>
    %squeeze3A_247 = vector.extract %slice3A_246[0] : f32 from vector<1xf32>
    %slice3A_248 = vector.extract_strided_slice %mul3A_102 {offsets = [5], sizes = [1], strides = [1]} : vector<16xf32> to vector<1xf32>
    %squeeze3A_249 = vector.extract %slice3A_248[0] : f32 from vector<1xf32>
    %slice3A_250 = vector.extract_strided_slice %mul3A_106 {offsets = [5], sizes = [1], strides = [1]} : vector<16xf32> to vector<1xf32>
    %squeeze3A_251 = vector.extract %slice3A_250[0] : f32 from vector<1xf32>
    %broadcast_in_dim3A_252 = arith.constant 0x7F800000 : f32
    %broadcast_in_dim3A_253 = vector.broadcast %broadcast_in_dim3A_252 : f32 to vector<16xf32>
    %broadcast_in_dim3A_254 = arith.constant 0 : i32
    %broadcast_in_dim3A_255 = vector.broadcast %broadcast_in_dim3A_254 : i32 to vector<16xi32>
    %scan3A_256 = arith.constant 0x7F800000 : f32
    %scan3A_257 = arith.constant 0 : i32
    %scan3A_258 = arith.constant 500 : i32
    %scan3A_259 = arith.addi %scan3A_257, %scan3A_258 : i32
    %scan3A_260 = arith.constant 1 : i32
    %scan3A_261:3 = scf.for %scan3A_565 = %scan3A_257 to %scan3A_259 step %scan3A_260 iter_args(%scan3A_566 = %broadcast_in_dim3A_253, %scan3A_567 = %broadcast_in_dim3A_255, %scan3A_568 = %scan3A_256) -> (vector<16xf32>, vector<16xi32>, f32)  : i32 {
      %mul3A_569 = arith.constant 16 : i32
      %mul3A_570 = arith.muli %scan3A_565, %mul3A_569 : i32
      %get3A_571 = arith.constant 0 : i32
      %get3A_572 = arith.index_cast %get3A_571 : i32 to index
      %get3A_573 = arith.index_cast %mul3A_570 : i32 to index
      %get3A_574 = tpu.vector_load %arg6[%get3A_572, %get3A_573] {strides = array<i32>} : memref<4x8000xf32, #tpu.memory_space<vmem>>, vector<16xf32>,
      %sub3A_575 = vector.broadcast %squeeze3A_245 : f32 to vector<16xf32>
      %sub3A_576 = arith.subf %get3A_574, %sub3A_575 : vector<16xf32>
      %abs3A = math.absf %sub3A_576 : vector<16xf32>
      %get3A_577 = arith.constant 1 : i32
      %get3A_578 = arith.index_cast %get3A_577 : i32 to index
      %get3A_579 = arith.index_cast %mul3A_570 : i32 to index
      %get3A_580 = tpu.vector_load %arg6[%get3A_578, %get3A_579] {strides = array<i32>} : memref<4x8000xf32, #tpu.memory_space<vmem>>, vector<16xf32>,
      %sub3A_581 = vector.broadcast %squeeze3A_247 : f32 to vector<16xf32>
      %sub3A_582 = arith.subf %get3A_580, %sub3A_581 : vector<16xf32>
      %abs3A_583 = math.absf %sub3A_582 : vector<16xf32>
      %add3A_584 = arith.addf %abs3A, %abs3A_583 : vector<16xf32>
      %get3A_585 = arith.constant 2 : i32
      %get3A_586 = arith.index_cast %get3A_585 : i32 to index
      %get3A_587 = arith.index_cast %mul3A_570 : i32 to index
      %get3A_588 = tpu.vector_load %arg6[%get3A_586, %get3A_587] {strides = array<i32>} : memref<4x8000xf32, #tpu.memory_space<vmem>>, vector<16xf32>,
      %sub3A_589 = vector.broadcast %squeeze3A_249 : f32 to vector<16xf32>
      %sub3A_590 = arith.subf %get3A_588, %sub3A_589 : vector<16xf32>
      %abs3A_591 = math.absf %sub3A_590 : vector<16xf32>
      %add3A_592 = arith.addf %add3A_584, %abs3A_591 : vector<16xf32>
      %get3A_593 = arith.constant 3 : i32
      %get3A_594 = arith.index_cast %get3A_593 : i32 to index
      %get3A_595 = arith.index_cast %mul3A_570 : i32 to index
      %get3A_596 = tpu.vector_load %arg6[%get3A_594, %get3A_595] {strides = array<i32>} : memref<4x8000xf32, #tpu.memory_space<vmem>>, vector<16xf32>,
      %sub3A_597 = vector.broadcast %squeeze3A_251 : f32 to vector<16xf32>
      %sub3A_598 = arith.subf %get3A_596, %sub3A_597 : vector<16xf32>
      %abs3A_599 = math.absf %sub3A_598 : vector<16xf32>
      %add3A_600 = arith.addf %add3A_592, %abs3A_599 : vector<16xf32>
      %lt3A_601 = vector.broadcast %scan3A_568 : f32 to vector<16xf32>
      %lt3A_602 = arith.cmpf olt, %add3A_600, %lt3A_601 : vector<16xf32>
      %reduce_or3A = arith.constant 1.000000e+00 : f32
      %reduce_or3A_603 = arith.constant 0.000000e+00 : f32
      %reduce_or3A_604 = vector.broadcast %reduce_or3A : f32 to vector<16xf32>
      %reduce_or3A_605 = vector.broadcast %reduce_or3A_603 : f32 to vector<16xf32>
      %reduce_or3A_606 = arith.select %lt3A_602, %reduce_or3A_604, %reduce_or3A_605 : vector<16xi1>, vector<16xf32>
      %reduce_or3A_607 = arith.constant true
      %reduce_or3A_608 = vector.broadcast %reduce_or3A_607 : i1 to vector<16xi1>
      %reduce_or3A_609 = tpu.scan <max>, %reduce_or3A_606 masked %reduce_or3A_608 : vector<16xf32>, vector<16xi1> -> vector<16xf32>
      %reduce_or3A_610 = vector.extract %reduce_or3A_609[15] : f32 from vector<16xf32>
      %reduce_or3A_611 = arith.constant 0.000000e+00 : f32
      %reduce_or3A_612 = arith.cmpf ogt, %reduce_or3A_610, %reduce_or3A_611 : f32
      %convert_element_type3A = arith.extui %reduce_or3A_612 : i1 to i32
      %cond3A = arith.constant 0 : i32
      %cond3A_613 = arith.cmpi ne, %convert_element_type3A, %cond3A : i32
      %cond3A_614:3 = scf.if %cond3A_613 -> (vector<16xf32>, vector<16xi32>, f32) {
        %mul3A_615 = arith.constant 16 : i32
        %mul3A_616 = arith.muli %scan3A_565, %mul3A_615 : i32
        %add3A_617 = vector.broadcast %mul3A_616 : i32 to vector<16xi32>
        %add3A_618 = arith.addi %add3A_617, %iota3A : vector<16xi32>
        %masked_sort3A = arith.constant dense<true> : vector<16xi1>
        %masked_sort3A_619, %masked_sort3A_620, %masked_sort3A_621 = tpu.sort %add3A_600, %add3A_618 masked %masked_sort3A {descending = true} : (vector<16xf32>, vector<16xi32>, vector<16xi1>) -> (vector<16xi1>, vector<16xf32>, vector<16xi32>)
        %le3A = arith.cmpf ole, %scan3A_566, %masked_sort3A_620 : vector<16xf32>
        %select_n3A_622 = arith.select %le3A, %scan3A_566, %masked_sort3A_620 : vector<16xi1>, vector<16xf32>
        %select_n3A_623 = arith.select %le3A, %scan3A_567, %masked_sort3A_621 : vector<16xi1>, vector<16xi32>
        %masked_sort3A_624 = arith.constant dense<true> : vector<16xi1>
        %masked_sort3A_625, %masked_sort3A_626, %masked_sort3A_627 = tpu.sort %select_n3A_622, %select_n3A_623 masked %masked_sort3A_624 : (vector<16xf32>, vector<16xi32>, vector<16xi1>) -> (vector<16xi1>, vector<16xf32>, vector<16xi32>)
        %slice3A_628 = vector.extract_strided_slice %masked_sort3A_626 {offsets = [3], sizes = [1], strides = [1]} : vector<16xf32> to vector<1xf32>
        %squeeze3A_629 = vector.extract %slice3A_628[0] : f32 from vector<1xf32>
        scf.yield %masked_sort3A_626, %masked_sort3A_627, %squeeze3A_629 : vector<16xf32>, vector<16xi32>, f32
      } else {
        scf.yield %scan3A_566, %scan3A_567, %scan3A_568 : vector<16xf32>, vector<16xi32>, f32
      }
      scf.yield %cond3A_614#0, %cond3A_614#1, %cond3A_614#2 : vector<16xf32>, vector<16xi32>, f32
    }
    %scan3A_262 = arith.constant 500 : i32
    %mul3A_263 = arith.constant 16 : i32
    %mul3A_264 = vector.broadcast %mul3A_263 : i32 to vector<16xi32>
    %mul3A_265 = arith.muli %iota3A, %mul3A_264 : vector<16xi32>
    %add3A_266 = arith.constant 5 : i32
    %add3A_267 = vector.broadcast %add3A_266 : i32 to vector<16xi32>
    %add3A_268 = arith.addi %mul3A_265, %add3A_267 : vector<16xi32>
    %lt3A_269 = arith.constant 4 : i32
    %lt3A_270 = vector.broadcast %lt3A_269 : i32 to vector<16xi32>
    %lt3A_271 = arith.cmpi slt, %iota3A, %lt3A_270 : vector<16xi32>
    tpu.vector_store_idx %arg8[%add3A_268], %scan3A_261#1 masked %lt3A_271 : memref<64xi32, #tpu.memory_space<vmem>>[vector<16xi32>], vector<16xi32>, vector<16xi1>
    %slice3A_272 = vector.extract_strided_slice %add3A_97 {offsets = [6], sizes = [1], strides = [1]} : vector<16xf32> to vector<1xf32>
    %squeeze3A_273 = vector.extract %slice3A_272[0] : f32 from vector<1xf32>
    %slice3A_274 = vector.extract_strided_slice %add3A_98 {offsets = [6], sizes = [1], strides = [1]} : vector<16xf32> to vector<1xf32>
    %squeeze3A_275 = vector.extract %slice3A_274[0] : f32 from vector<1xf32>
    %slice3A_276 = vector.extract_strided_slice %mul3A_102 {offsets = [6], sizes = [1], strides = [1]} : vector<16xf32> to vector<1xf32>
    %squeeze3A_277 = vector.extract %slice3A_276[0] : f32 from vector<1xf32>
    %slice3A_278 = vector.extract_strided_slice %mul3A_106 {offsets = [6], sizes = [1], strides = [1]} : vector<16xf32> to vector<1xf32>
    %squeeze3A_279 = vector.extract %slice3A_278[0] : f32 from vector<1xf32>
    %broadcast_in_dim3A_280 = arith.constant 0x7F800000 : f32
    %broadcast_in_dim3A_281 = vector.broadcast %broadcast_in_dim3A_280 : f32 to vector<16xf32>
    %broadcast_in_dim3A_282 = arith.constant 0 : i32
    %broadcast_in_dim3A_283 = vector.broadcast %broadcast_in_dim3A_282 : i32 to vector<16xi32>
    %scan3A_284 = arith.constant 0x7F800000 : f32
    %scan3A_285 = arith.constant 0 : i32
    %scan3A_286 = arith.constant 500 : i32
    %scan3A_287 = arith.addi %scan3A_285, %scan3A_286 : i32
    %scan3A_288 = arith.constant 1 : i32
    %scan3A_289:3 = scf.for %scan3A_565 = %scan3A_285 to %scan3A_287 step %scan3A_288 iter_args(%scan3A_566 = %broadcast_in_dim3A_281, %scan3A_567 = %broadcast_in_dim3A_283, %scan3A_568 = %scan3A_284) -> (vector<16xf32>, vector<16xi32>, f32)  : i32 {
      %mul3A_569 = arith.constant 16 : i32
      %mul3A_570 = arith.muli %scan3A_565, %mul3A_569 : i32
      %get3A_571 = arith.constant 0 : i32
      %get3A_572 = arith.index_cast %get3A_571 : i32 to index
      %get3A_573 = arith.index_cast %mul3A_570 : i32 to index
      %get3A_574 = tpu.vector_load %arg6[%get3A_572, %get3A_573] {strides = array<i32>} : memref<4x8000xf32, #tpu.memory_space<vmem>>, vector<16xf32>,
      %sub3A_575 = vector.broadcast %squeeze3A_273 : f32 to vector<16xf32>
      %sub3A_576 = arith.subf %get3A_574, %sub3A_575 : vector<16xf32>
      %abs3A = math.absf %sub3A_576 : vector<16xf32>
      %get3A_577 = arith.constant 1 : i32
      %get3A_578 = arith.index_cast %get3A_577 : i32 to index
      %get3A_579 = arith.index_cast %mul3A_570 : i32 to index
      %get3A_580 = tpu.vector_load %arg6[%get3A_578, %get3A_579] {strides = array<i32>} : memref<4x8000xf32, #tpu.memory_space<vmem>>, vector<16xf32>,
      %sub3A_581 = vector.broadcast %squeeze3A_275 : f32 to vector<16xf32>
      %sub3A_582 = arith.subf %get3A_580, %sub3A_581 : vector<16xf32>
      %abs3A_583 = math.absf %sub3A_582 : vector<16xf32>
      %add3A_584 = arith.addf %abs3A, %abs3A_583 : vector<16xf32>
      %get3A_585 = arith.constant 2 : i32
      %get3A_586 = arith.index_cast %get3A_585 : i32 to index
      %get3A_587 = arith.index_cast %mul3A_570 : i32 to index
      %get3A_588 = tpu.vector_load %arg6[%get3A_586, %get3A_587] {strides = array<i32>} : memref<4x8000xf32, #tpu.memory_space<vmem>>, vector<16xf32>,
      %sub3A_589 = vector.broadcast %squeeze3A_277 : f32 to vector<16xf32>
      %sub3A_590 = arith.subf %get3A_588, %sub3A_589 : vector<16xf32>
      %abs3A_591 = math.absf %sub3A_590 : vector<16xf32>
      %add3A_592 = arith.addf %add3A_584, %abs3A_591 : vector<16xf32>
      %get3A_593 = arith.constant 3 : i32
      %get3A_594 = arith.index_cast %get3A_593 : i32 to index
      %get3A_595 = arith.index_cast %mul3A_570 : i32 to index
      %get3A_596 = tpu.vector_load %arg6[%get3A_594, %get3A_595] {strides = array<i32>} : memref<4x8000xf32, #tpu.memory_space<vmem>>, vector<16xf32>,
      %sub3A_597 = vector.broadcast %squeeze3A_279 : f32 to vector<16xf32>
      %sub3A_598 = arith.subf %get3A_596, %sub3A_597 : vector<16xf32>
      %abs3A_599 = math.absf %sub3A_598 : vector<16xf32>
      %add3A_600 = arith.addf %add3A_592, %abs3A_599 : vector<16xf32>
      %lt3A_601 = vector.broadcast %scan3A_568 : f32 to vector<16xf32>
      %lt3A_602 = arith.cmpf olt, %add3A_600, %lt3A_601 : vector<16xf32>
      %reduce_or3A = arith.constant 1.000000e+00 : f32
      %reduce_or3A_603 = arith.constant 0.000000e+00 : f32
      %reduce_or3A_604 = vector.broadcast %reduce_or3A : f32 to vector<16xf32>
      %reduce_or3A_605 = vector.broadcast %reduce_or3A_603 : f32 to vector<16xf32>
      %reduce_or3A_606 = arith.select %lt3A_602, %reduce_or3A_604, %reduce_or3A_605 : vector<16xi1>, vector<16xf32>
      %reduce_or3A_607 = arith.constant true
      %reduce_or3A_608 = vector.broadcast %reduce_or3A_607 : i1 to vector<16xi1>
      %reduce_or3A_609 = tpu.scan <max>, %reduce_or3A_606 masked %reduce_or3A_608 : vector<16xf32>, vector<16xi1> -> vector<16xf32>
      %reduce_or3A_610 = vector.extract %reduce_or3A_609[15] : f32 from vector<16xf32>
      %reduce_or3A_611 = arith.constant 0.000000e+00 : f32
      %reduce_or3A_612 = arith.cmpf ogt, %reduce_or3A_610, %reduce_or3A_611 : f32
      %convert_element_type3A = arith.extui %reduce_or3A_612 : i1 to i32
      %cond3A = arith.constant 0 : i32
      %cond3A_613 = arith.cmpi ne, %convert_element_type3A, %cond3A : i32
      %cond3A_614:3 = scf.if %cond3A_613 -> (vector<16xf32>, vector<16xi32>, f32) {
        %mul3A_615 = arith.constant 16 : i32
        %mul3A_616 = arith.muli %scan3A_565, %mul3A_615 : i32
        %add3A_617 = vector.broadcast %mul3A_616 : i32 to vector<16xi32>
        %add3A_618 = arith.addi %add3A_617, %iota3A : vector<16xi32>
        %masked_sort3A = arith.constant dense<true> : vector<16xi1>
        %masked_sort3A_619, %masked_sort3A_620, %masked_sort3A_621 = tpu.sort %add3A_600, %add3A_618 masked %masked_sort3A {descending = true} : (vector<16xf32>, vector<16xi32>, vector<16xi1>) -> (vector<16xi1>, vector<16xf32>, vector<16xi32>)
        %le3A = arith.cmpf ole, %scan3A_566, %masked_sort3A_620 : vector<16xf32>
        %select_n3A_622 = arith.select %le3A, %scan3A_566, %masked_sort3A_620 : vector<16xi1>, vector<16xf32>
        %select_n3A_623 = arith.select %le3A, %scan3A_567, %masked_sort3A_621 : vector<16xi1>, vector<16xi32>
        %masked_sort3A_624 = arith.constant dense<true> : vector<16xi1>
        %masked_sort3A_625, %masked_sort3A_626, %masked_sort3A_627 = tpu.sort %select_n3A_622, %select_n3A_623 masked %masked_sort3A_624 : (vector<16xf32>, vector<16xi32>, vector<16xi1>) -> (vector<16xi1>, vector<16xf32>, vector<16xi32>)
        %slice3A_628 = vector.extract_strided_slice %masked_sort3A_626 {offsets = [3], sizes = [1], strides = [1]} : vector<16xf32> to vector<1xf32>
        %squeeze3A_629 = vector.extract %slice3A_628[0] : f32 from vector<1xf32>
        scf.yield %masked_sort3A_626, %masked_sort3A_627, %squeeze3A_629 : vector<16xf32>, vector<16xi32>, f32
      } else {
        scf.yield %scan3A_566, %scan3A_567, %scan3A_568 : vector<16xf32>, vector<16xi32>, f32
      }
      scf.yield %cond3A_614#0, %cond3A_614#1, %cond3A_614#2 : vector<16xf32>, vector<16xi32>, f32
    }
    %scan3A_290 = arith.constant 500 : i32
    %mul3A_291 = arith.constant 16 : i32
    %mul3A_292 = vector.broadcast %mul3A_291 : i32 to vector<16xi32>
    %mul3A_293 = arith.muli %iota3A, %mul3A_292 : vector<16xi32>
    %add3A_294 = arith.constant 6 : i32
    %add3A_295 = vector.broadcast %add3A_294 : i32 to vector<16xi32>
    %add3A_296 = arith.addi %mul3A_293, %add3A_295 : vector<16xi32>
    %lt3A_297 = arith.constant 4 : i32
    %lt3A_298 = vector.broadcast %lt3A_297 : i32 to vector<16xi32>
    %lt3A_299 = arith.cmpi slt, %iota3A, %lt3A_298 : vector<16xi32>
    tpu.vector_store_idx %arg8[%add3A_296], %scan3A_289#1 masked %lt3A_299 : memref<64xi32, #tpu.memory_space<vmem>>[vector<16xi32>], vector<16xi32>, vector<16xi1>
    %slice3A_300 = vector.extract_strided_slice %add3A_97 {offsets = [7], sizes = [1], strides = [1]} : vector<16xf32> to vector<1xf32>
    %squeeze3A_301 = vector.extract %slice3A_300[0] : f32 from vector<1xf32>
    %slice3A_302 = vector.extract_strided_slice %add3A_98 {offsets = [7], sizes = [1], strides = [1]} : vector<16xf32> to vector<1xf32>
    %squeeze3A_303 = vector.extract %slice3A_302[0] : f32 from vector<1xf32>
    %slice3A_304 = vector.extract_strided_slice %mul3A_102 {offsets = [7], sizes = [1], strides = [1]} : vector<16xf32> to vector<1xf32>
    %squeeze3A_305 = vector.extract %slice3A_304[0] : f32 from vector<1xf32>
    %slice3A_306 = vector.extract_strided_slice %mul3A_106 {offsets = [7], sizes = [1], strides = [1]} : vector<16xf32> to vector<1xf32>
    %squeeze3A_307 = vector.extract %slice3A_306[0] : f32 from vector<1xf32>
    %broadcast_in_dim3A_308 = arith.constant 0x7F800000 : f32
    %broadcast_in_dim3A_309 = vector.broadcast %broadcast_in_dim3A_308 : f32 to vector<16xf32>
    %broadcast_in_dim3A_310 = arith.constant 0 : i32
    %broadcast_in_dim3A_311 = vector.broadcast %broadcast_in_dim3A_310 : i32 to vector<16xi32>
    %scan3A_312 = arith.constant 0x7F800000 : f32
    %scan3A_313 = arith.constant 0 : i32
    %scan3A_314 = arith.constant 500 : i32
    %scan3A_315 = arith.addi %scan3A_313, %scan3A_314 : i32
    %scan3A_316 = arith.constant 1 : i32
    %scan3A_317:3 = scf.for %scan3A_565 = %scan3A_313 to %scan3A_315 step %scan3A_316 iter_args(%scan3A_566 = %broadcast_in_dim3A_309, %scan3A_567 = %broadcast_in_dim3A_311, %scan3A_568 = %scan3A_312) -> (vector<16xf32>, vector<16xi32>, f32)  : i32 {
      %mul3A_569 = arith.constant 16 : i32
      %mul3A_570 = arith.muli %scan3A_565, %mul3A_569 : i32
      %get3A_571 = arith.constant 0 : i32
      %get3A_572 = arith.index_cast %get3A_571 : i32 to index
      %get3A_573 = arith.index_cast %mul3A_570 : i32 to index
      %get3A_574 = tpu.vector_load %arg6[%get3A_572, %get3A_573] {strides = array<i32>} : memref<4x8000xf32, #tpu.memory_space<vmem>>, vector<16xf32>,
      %sub3A_575 = vector.broadcast %squeeze3A_301 : f32 to vector<16xf32>
      %sub3A_576 = arith.subf %get3A_574, %sub3A_575 : vector<16xf32>
      %abs3A = math.absf %sub3A_576 : vector<16xf32>
      %get3A_577 = arith.constant 1 : i32
      %get3A_578 = arith.index_cast %get3A_577 : i32 to index
      %get3A_579 = arith.index_cast %mul3A_570 : i32 to index
      %get3A_580 = tpu.vector_load %arg6[%get3A_578, %get3A_579] {strides = array<i32>} : memref<4x8000xf32, #tpu.memory_space<vmem>>, vector<16xf32>,
      %sub3A_581 = vector.broadcast %squeeze3A_303 : f32 to vector<16xf32>
      %sub3A_582 = arith.subf %get3A_580, %sub3A_581 : vector<16xf32>
      %abs3A_583 = math.absf %sub3A_582 : vector<16xf32>
      %add3A_584 = arith.addf %abs3A, %abs3A_583 : vector<16xf32>
      %get3A_585 = arith.constant 2 : i32
      %get3A_586 = arith.index_cast %get3A_585 : i32 to index
      %get3A_587 = arith.index_cast %mul3A_570 : i32 to index
      %get3A_588 = tpu.vector_load %arg6[%get3A_586, %get3A_587] {strides = array<i32>} : memref<4x8000xf32, #tpu.memory_space<vmem>>, vector<16xf32>,
      %sub3A_589 = vector.broadcast %squeeze3A_305 : f32 to vector<16xf32>
      %sub3A_590 = arith.subf %get3A_588, %sub3A_589 : vector<16xf32>
      %abs3A_591 = math.absf %sub3A_590 : vector<16xf32>
      %add3A_592 = arith.addf %add3A_584, %abs3A_591 : vector<16xf32>
      %get3A_593 = arith.constant 3 : i32
      %get3A_594 = arith.index_cast %get3A_593 : i32 to index
      %get3A_595 = arith.index_cast %mul3A_570 : i32 to index
      %get3A_596 = tpu.vector_load %arg6[%get3A_594, %get3A_595] {strides = array<i32>} : memref<4x8000xf32, #tpu.memory_space<vmem>>, vector<16xf32>,
      %sub3A_597 = vector.broadcast %squeeze3A_307 : f32 to vector<16xf32>
      %sub3A_598 = arith.subf %get3A_596, %sub3A_597 : vector<16xf32>
      %abs3A_599 = math.absf %sub3A_598 : vector<16xf32>
      %add3A_600 = arith.addf %add3A_592, %abs3A_599 : vector<16xf32>
      %lt3A_601 = vector.broadcast %scan3A_568 : f32 to vector<16xf32>
      %lt3A_602 = arith.cmpf olt, %add3A_600, %lt3A_601 : vector<16xf32>
      %reduce_or3A = arith.constant 1.000000e+00 : f32
      %reduce_or3A_603 = arith.constant 0.000000e+00 : f32
      %reduce_or3A_604 = vector.broadcast %reduce_or3A : f32 to vector<16xf32>
      %reduce_or3A_605 = vector.broadcast %reduce_or3A_603 : f32 to vector<16xf32>
      %reduce_or3A_606 = arith.select %lt3A_602, %reduce_or3A_604, %reduce_or3A_605 : vector<16xi1>, vector<16xf32>
      %reduce_or3A_607 = arith.constant true
      %reduce_or3A_608 = vector.broadcast %reduce_or3A_607 : i1 to vector<16xi1>
      %reduce_or3A_609 = tpu.scan <max>, %reduce_or3A_606 masked %reduce_or3A_608 : vector<16xf32>, vector<16xi1> -> vector<16xf32>
      %reduce_or3A_610 = vector.extract %reduce_or3A_609[15] : f32 from vector<16xf32>
      %reduce_or3A_611 = arith.constant 0.000000e+00 : f32
      %reduce_or3A_612 = arith.cmpf ogt, %reduce_or3A_610, %reduce_or3A_611 : f32
      %convert_element_type3A = arith.extui %reduce_or3A_612 : i1 to i32
      %cond3A = arith.constant 0 : i32
      %cond3A_613 = arith.cmpi ne, %convert_element_type3A, %cond3A : i32
      %cond3A_614:3 = scf.if %cond3A_613 -> (vector<16xf32>, vector<16xi32>, f32) {
        %mul3A_615 = arith.constant 16 : i32
        %mul3A_616 = arith.muli %scan3A_565, %mul3A_615 : i32
        %add3A_617 = vector.broadcast %mul3A_616 : i32 to vector<16xi32>
        %add3A_618 = arith.addi %add3A_617, %iota3A : vector<16xi32>
        %masked_sort3A = arith.constant dense<true> : vector<16xi1>
        %masked_sort3A_619, %masked_sort3A_620, %masked_sort3A_621 = tpu.sort %add3A_600, %add3A_618 masked %masked_sort3A {descending = true} : (vector<16xf32>, vector<16xi32>, vector<16xi1>) -> (vector<16xi1>, vector<16xf32>, vector<16xi32>)
        %le3A = arith.cmpf ole, %scan3A_566, %masked_sort3A_620 : vector<16xf32>
        %select_n3A_622 = arith.select %le3A, %scan3A_566, %masked_sort3A_620 : vector<16xi1>, vector<16xf32>
        %select_n3A_623 = arith.select %le3A, %scan3A_567, %masked_sort3A_621 : vector<16xi1>, vector<16xi32>
        %masked_sort3A_624 = arith.constant dense<true> : vector<16xi1>
        %masked_sort3A_625, %masked_sort3A_626, %masked_sort3A_627 = tpu.sort %select_n3A_622, %select_n3A_623 masked %masked_sort3A_624 : (vector<16xf32>, vector<16xi32>, vector<16xi1>) -> (vector<16xi1>, vector<16xf32>, vector<16xi32>)
        %slice3A_628 = vector.extract_strided_slice %masked_sort3A_626 {offsets = [3], sizes = [1], strides = [1]} : vector<16xf32> to vector<1xf32>
        %squeeze3A_629 = vector.extract %slice3A_628[0] : f32 from vector<1xf32>
        scf.yield %masked_sort3A_626, %masked_sort3A_627, %squeeze3A_629 : vector<16xf32>, vector<16xi32>, f32
      } else {
        scf.yield %scan3A_566, %scan3A_567, %scan3A_568 : vector<16xf32>, vector<16xi32>, f32
      }
      scf.yield %cond3A_614#0, %cond3A_614#1, %cond3A_614#2 : vector<16xf32>, vector<16xi32>, f32
    }
    %scan3A_318 = arith.constant 500 : i32
    %mul3A_319 = arith.constant 16 : i32
    %mul3A_320 = vector.broadcast %mul3A_319 : i32 to vector<16xi32>
    %mul3A_321 = arith.muli %iota3A, %mul3A_320 : vector<16xi32>
    %add3A_322 = arith.constant 7 : i32
    %add3A_323 = vector.broadcast %add3A_322 : i32 to vector<16xi32>
    %add3A_324 = arith.addi %mul3A_321, %add3A_323 : vector<16xi32>
    %lt3A_325 = arith.constant 4 : i32
    %lt3A_326 = vector.broadcast %lt3A_325 : i32 to vector<16xi32>
    %lt3A_327 = arith.cmpi slt, %iota3A, %lt3A_326 : vector<16xi32>
    tpu.vector_store_idx %arg8[%add3A_324], %scan3A_317#1 masked %lt3A_327 : memref<64xi32, #tpu.memory_space<vmem>>[vector<16xi32>], vector<16xi32>, vector<16xi1>
    %slice3A_328 = vector.extract_strided_slice %add3A_97 {offsets = [8], sizes = [1], strides = [1]} : vector<16xf32> to vector<1xf32>
    %squeeze3A_329 = vector.extract %slice3A_328[0] : f32 from vector<1xf32>
    %slice3A_330 = vector.extract_strided_slice %add3A_98 {offsets = [8], sizes = [1], strides = [1]} : vector<16xf32> to vector<1xf32>
    %squeeze3A_331 = vector.extract %slice3A_330[0] : f32 from vector<1xf32>
    %slice3A_332 = vector.extract_strided_slice %mul3A_102 {offsets = [8], sizes = [1], strides = [1]} : vector<16xf32> to vector<1xf32>
    %squeeze3A_333 = vector.extract %slice3A_332[0] : f32 from vector<1xf32>
    %slice3A_334 = vector.extract_strided_slice %mul3A_106 {offsets = [8], sizes = [1], strides = [1]} : vector<16xf32> to vector<1xf32>
    %squeeze3A_335 = vector.extract %slice3A_334[0] : f32 from vector<1xf32>
    %broadcast_in_dim3A_336 = arith.constant 0x7F800000 : f32
    %broadcast_in_dim3A_337 = vector.broadcast %broadcast_in_dim3A_336 : f32 to vector<16xf32>
    %broadcast_in_dim3A_338 = arith.constant 0 : i32
    %broadcast_in_dim3A_339 = vector.broadcast %broadcast_in_dim3A_338 : i32 to vector<16xi32>
    %scan3A_340 = arith.constant 0x7F800000 : f32
    %scan3A_341 = arith.constant 0 : i32
    %scan3A_342 = arith.constant 500 : i32
    %scan3A_343 = arith.addi %scan3A_341, %scan3A_342 : i32
    %scan3A_344 = arith.constant 1 : i32
    %scan3A_345:3 = scf.for %scan3A_565 = %scan3A_341 to %scan3A_343 step %scan3A_344 iter_args(%scan3A_566 = %broadcast_in_dim3A_337, %scan3A_567 = %broadcast_in_dim3A_339, %scan3A_568 = %scan3A_340) -> (vector<16xf32>, vector<16xi32>, f32)  : i32 {
      %mul3A_569 = arith.constant 16 : i32
      %mul3A_570 = arith.muli %scan3A_565, %mul3A_569 : i32
      %get3A_571 = arith.constant 0 : i32
      %get3A_572 = arith.index_cast %get3A_571 : i32 to index
      %get3A_573 = arith.index_cast %mul3A_570 : i32 to index
      %get3A_574 = tpu.vector_load %arg6[%get3A_572, %get3A_573] {strides = array<i32>} : memref<4x8000xf32, #tpu.memory_space<vmem>>, vector<16xf32>,
      %sub3A_575 = vector.broadcast %squeeze3A_329 : f32 to vector<16xf32>
      %sub3A_576 = arith.subf %get3A_574, %sub3A_575 : vector<16xf32>
      %abs3A = math.absf %sub3A_576 : vector<16xf32>
      %get3A_577 = arith.constant 1 : i32
      %get3A_578 = arith.index_cast %get3A_577 : i32 to index
      %get3A_579 = arith.index_cast %mul3A_570 : i32 to index
      %get3A_580 = tpu.vector_load %arg6[%get3A_578, %get3A_579] {strides = array<i32>} : memref<4x8000xf32, #tpu.memory_space<vmem>>, vector<16xf32>,
      %sub3A_581 = vector.broadcast %squeeze3A_331 : f32 to vector<16xf32>
      %sub3A_582 = arith.subf %get3A_580, %sub3A_581 : vector<16xf32>
      %abs3A_583 = math.absf %sub3A_582 : vector<16xf32>
      %add3A_584 = arith.addf %abs3A, %abs3A_583 : vector<16xf32>
      %get3A_585 = arith.constant 2 : i32
      %get3A_586 = arith.index_cast %get3A_585 : i32 to index
      %get3A_587 = arith.index_cast %mul3A_570 : i32 to index
      %get3A_588 = tpu.vector_load %arg6[%get3A_586, %get3A_587] {strides = array<i32>} : memref<4x8000xf32, #tpu.memory_space<vmem>>, vector<16xf32>,
      %sub3A_589 = vector.broadcast %squeeze3A_333 : f32 to vector<16xf32>
      %sub3A_590 = arith.subf %get3A_588, %sub3A_589 : vector<16xf32>
      %abs3A_591 = math.absf %sub3A_590 : vector<16xf32>
      %add3A_592 = arith.addf %add3A_584, %abs3A_591 : vector<16xf32>
      %get3A_593 = arith.constant 3 : i32
      %get3A_594 = arith.index_cast %get3A_593 : i32 to index
      %get3A_595 = arith.index_cast %mul3A_570 : i32 to index
      %get3A_596 = tpu.vector_load %arg6[%get3A_594, %get3A_595] {strides = array<i32>} : memref<4x8000xf32, #tpu.memory_space<vmem>>, vector<16xf32>,
      %sub3A_597 = vector.broadcast %squeeze3A_335 : f32 to vector<16xf32>
      %sub3A_598 = arith.subf %get3A_596, %sub3A_597 : vector<16xf32>
      %abs3A_599 = math.absf %sub3A_598 : vector<16xf32>
      %add3A_600 = arith.addf %add3A_592, %abs3A_599 : vector<16xf32>
      %lt3A_601 = vector.broadcast %scan3A_568 : f32 to vector<16xf32>
      %lt3A_602 = arith.cmpf olt, %add3A_600, %lt3A_601 : vector<16xf32>
      %reduce_or3A = arith.constant 1.000000e+00 : f32
      %reduce_or3A_603 = arith.constant 0.000000e+00 : f32
      %reduce_or3A_604 = vector.broadcast %reduce_or3A : f32 to vector<16xf32>
      %reduce_or3A_605 = vector.broadcast %reduce_or3A_603 : f32 to vector<16xf32>
      %reduce_or3A_606 = arith.select %lt3A_602, %reduce_or3A_604, %reduce_or3A_605 : vector<16xi1>, vector<16xf32>
      %reduce_or3A_607 = arith.constant true
      %reduce_or3A_608 = vector.broadcast %reduce_or3A_607 : i1 to vector<16xi1>
      %reduce_or3A_609 = tpu.scan <max>, %reduce_or3A_606 masked %reduce_or3A_608 : vector<16xf32>, vector<16xi1> -> vector<16xf32>
      %reduce_or3A_610 = vector.extract %reduce_or3A_609[15] : f32 from vector<16xf32>
      %reduce_or3A_611 = arith.constant 0.000000e+00 : f32
      %reduce_or3A_612 = arith.cmpf ogt, %reduce_or3A_610, %reduce_or3A_611 : f32
      %convert_element_type3A = arith.extui %reduce_or3A_612 : i1 to i32
      %cond3A = arith.constant 0 : i32
      %cond3A_613 = arith.cmpi ne, %convert_element_type3A, %cond3A : i32
      %cond3A_614:3 = scf.if %cond3A_613 -> (vector<16xf32>, vector<16xi32>, f32) {
        %mul3A_615 = arith.constant 16 : i32
        %mul3A_616 = arith.muli %scan3A_565, %mul3A_615 : i32
        %add3A_617 = vector.broadcast %mul3A_616 : i32 to vector<16xi32>
        %add3A_618 = arith.addi %add3A_617, %iota3A : vector<16xi32>
        %masked_sort3A = arith.constant dense<true> : vector<16xi1>
        %masked_sort3A_619, %masked_sort3A_620, %masked_sort3A_621 = tpu.sort %add3A_600, %add3A_618 masked %masked_sort3A {descending = true} : (vector<16xf32>, vector<16xi32>, vector<16xi1>) -> (vector<16xi1>, vector<16xf32>, vector<16xi32>)
        %le3A = arith.cmpf ole, %scan3A_566, %masked_sort3A_620 : vector<16xf32>
        %select_n3A_622 = arith.select %le3A, %scan3A_566, %masked_sort3A_620 : vector<16xi1>, vector<16xf32>
        %select_n3A_623 = arith.select %le3A, %scan3A_567, %masked_sort3A_621 : vector<16xi1>, vector<16xi32>
        %masked_sort3A_624 = arith.constant dense<true> : vector<16xi1>
        %masked_sort3A_625, %masked_sort3A_626, %masked_sort3A_627 = tpu.sort %select_n3A_622, %select_n3A_623 masked %masked_sort3A_624 : (vector<16xf32>, vector<16xi32>, vector<16xi1>) -> (vector<16xi1>, vector<16xf32>, vector<16xi32>)
        %slice3A_628 = vector.extract_strided_slice %masked_sort3A_626 {offsets = [3], sizes = [1], strides = [1]} : vector<16xf32> to vector<1xf32>
        %squeeze3A_629 = vector.extract %slice3A_628[0] : f32 from vector<1xf32>
        scf.yield %masked_sort3A_626, %masked_sort3A_627, %squeeze3A_629 : vector<16xf32>, vector<16xi32>, f32
      } else {
        scf.yield %scan3A_566, %scan3A_567, %scan3A_568 : vector<16xf32>, vector<16xi32>, f32
      }
      scf.yield %cond3A_614#0, %cond3A_614#1, %cond3A_614#2 : vector<16xf32>, vector<16xi32>, f32
    }
    %scan3A_346 = arith.constant 500 : i32
    %mul3A_347 = arith.constant 16 : i32
    %mul3A_348 = vector.broadcast %mul3A_347 : i32 to vector<16xi32>
    %mul3A_349 = arith.muli %iota3A, %mul3A_348 : vector<16xi32>
    %add3A_350 = arith.constant 8 : i32
    %add3A_351 = vector.broadcast %add3A_350 : i32 to vector<16xi32>
    %add3A_352 = arith.addi %mul3A_349, %add3A_351 : vector<16xi32>
    %lt3A_353 = arith.constant 4 : i32
    %lt3A_354 = vector.broadcast %lt3A_353 : i32 to vector<16xi32>
    %lt3A_355 = arith.cmpi slt, %iota3A, %lt3A_354 : vector<16xi32>
    tpu.vector_store_idx %arg8[%add3A_352], %scan3A_345#1 masked %lt3A_355 : memref<64xi32, #tpu.memory_space<vmem>>[vector<16xi32>], vector<16xi32>, vector<16xi1>
    %slice3A_356 = vector.extract_strided_slice %add3A_97 {offsets = [9], sizes = [1], strides = [1]} : vector<16xf32> to vector<1xf32>
    %squeeze3A_357 = vector.extract %slice3A_356[0] : f32 from vector<1xf32>
    %slice3A_358 = vector.extract_strided_slice %add3A_98 {offsets = [9], sizes = [1], strides = [1]} : vector<16xf32> to vector<1xf32>
    %squeeze3A_359 = vector.extract %slice3A_358[0] : f32 from vector<1xf32>
    %slice3A_360 = vector.extract_strided_slice %mul3A_102 {offsets = [9], sizes = [1], strides = [1]} : vector<16xf32> to vector<1xf32>
    %squeeze3A_361 = vector.extract %slice3A_360[0] : f32 from vector<1xf32>
    %slice3A_362 = vector.extract_strided_slice %mul3A_106 {offsets = [9], sizes = [1], strides = [1]} : vector<16xf32> to vector<1xf32>
    %squeeze3A_363 = vector.extract %slice3A_362[0] : f32 from vector<1xf32>
    %broadcast_in_dim3A_364 = arith.constant 0x7F800000 : f32
    %broadcast_in_dim3A_365 = vector.broadcast %broadcast_in_dim3A_364 : f32 to vector<16xf32>
    %broadcast_in_dim3A_366 = arith.constant 0 : i32
    %broadcast_in_dim3A_367 = vector.broadcast %broadcast_in_dim3A_366 : i32 to vector<16xi32>
    %scan3A_368 = arith.constant 0x7F800000 : f32
    %scan3A_369 = arith.constant 0 : i32
    %scan3A_370 = arith.constant 500 : i32
    %scan3A_371 = arith.addi %scan3A_369, %scan3A_370 : i32
    %scan3A_372 = arith.constant 1 : i32
    %scan3A_373:3 = scf.for %scan3A_565 = %scan3A_369 to %scan3A_371 step %scan3A_372 iter_args(%scan3A_566 = %broadcast_in_dim3A_365, %scan3A_567 = %broadcast_in_dim3A_367, %scan3A_568 = %scan3A_368) -> (vector<16xf32>, vector<16xi32>, f32)  : i32 {
      %mul3A_569 = arith.constant 16 : i32
      %mul3A_570 = arith.muli %scan3A_565, %mul3A_569 : i32
      %get3A_571 = arith.constant 0 : i32
      %get3A_572 = arith.index_cast %get3A_571 : i32 to index
      %get3A_573 = arith.index_cast %mul3A_570 : i32 to index
      %get3A_574 = tpu.vector_load %arg6[%get3A_572, %get3A_573] {strides = array<i32>} : memref<4x8000xf32, #tpu.memory_space<vmem>>, vector<16xf32>,
      %sub3A_575 = vector.broadcast %squeeze3A_357 : f32 to vector<16xf32>
      %sub3A_576 = arith.subf %get3A_574, %sub3A_575 : vector<16xf32>
      %abs3A = math.absf %sub3A_576 : vector<16xf32>
      %get3A_577 = arith.constant 1 : i32
      %get3A_578 = arith.index_cast %get3A_577 : i32 to index
      %get3A_579 = arith.index_cast %mul3A_570 : i32 to index
      %get3A_580 = tpu.vector_load %arg6[%get3A_578, %get3A_579] {strides = array<i32>} : memref<4x8000xf32, #tpu.memory_space<vmem>>, vector<16xf32>,
      %sub3A_581 = vector.broadcast %squeeze3A_359 : f32 to vector<16xf32>
      %sub3A_582 = arith.subf %get3A_580, %sub3A_581 : vector<16xf32>
      %abs3A_583 = math.absf %sub3A_582 : vector<16xf32>
      %add3A_584 = arith.addf %abs3A, %abs3A_583 : vector<16xf32>
      %get3A_585 = arith.constant 2 : i32
      %get3A_586 = arith.index_cast %get3A_585 : i32 to index
      %get3A_587 = arith.index_cast %mul3A_570 : i32 to index
      %get3A_588 = tpu.vector_load %arg6[%get3A_586, %get3A_587] {strides = array<i32>} : memref<4x8000xf32, #tpu.memory_space<vmem>>, vector<16xf32>,
      %sub3A_589 = vector.broadcast %squeeze3A_361 : f32 to vector<16xf32>
      %sub3A_590 = arith.subf %get3A_588, %sub3A_589 : vector<16xf32>
      %abs3A_591 = math.absf %sub3A_590 : vector<16xf32>
      %add3A_592 = arith.addf %add3A_584, %abs3A_591 : vector<16xf32>
      %get3A_593 = arith.constant 3 : i32
      %get3A_594 = arith.index_cast %get3A_593 : i32 to index
      %get3A_595 = arith.index_cast %mul3A_570 : i32 to index
      %get3A_596 = tpu.vector_load %arg6[%get3A_594, %get3A_595] {strides = array<i32>} : memref<4x8000xf32, #tpu.memory_space<vmem>>, vector<16xf32>,
      %sub3A_597 = vector.broadcast %squeeze3A_363 : f32 to vector<16xf32>
      %sub3A_598 = arith.subf %get3A_596, %sub3A_597 : vector<16xf32>
      %abs3A_599 = math.absf %sub3A_598 : vector<16xf32>
      %add3A_600 = arith.addf %add3A_592, %abs3A_599 : vector<16xf32>
      %lt3A_601 = vector.broadcast %scan3A_568 : f32 to vector<16xf32>
      %lt3A_602 = arith.cmpf olt, %add3A_600, %lt3A_601 : vector<16xf32>
      %reduce_or3A = arith.constant 1.000000e+00 : f32
      %reduce_or3A_603 = arith.constant 0.000000e+00 : f32
      %reduce_or3A_604 = vector.broadcast %reduce_or3A : f32 to vector<16xf32>
      %reduce_or3A_605 = vector.broadcast %reduce_or3A_603 : f32 to vector<16xf32>
      %reduce_or3A_606 = arith.select %lt3A_602, %reduce_or3A_604, %reduce_or3A_605 : vector<16xi1>, vector<16xf32>
      %reduce_or3A_607 = arith.constant true
      %reduce_or3A_608 = vector.broadcast %reduce_or3A_607 : i1 to vector<16xi1>
      %reduce_or3A_609 = tpu.scan <max>, %reduce_or3A_606 masked %reduce_or3A_608 : vector<16xf32>, vector<16xi1> -> vector<16xf32>
      %reduce_or3A_610 = vector.extract %reduce_or3A_609[15] : f32 from vector<16xf32>
      %reduce_or3A_611 = arith.constant 0.000000e+00 : f32
      %reduce_or3A_612 = arith.cmpf ogt, %reduce_or3A_610, %reduce_or3A_611 : f32
      %convert_element_type3A = arith.extui %reduce_or3A_612 : i1 to i32
      %cond3A = arith.constant 0 : i32
      %cond3A_613 = arith.cmpi ne, %convert_element_type3A, %cond3A : i32
      %cond3A_614:3 = scf.if %cond3A_613 -> (vector<16xf32>, vector<16xi32>, f32) {
        %mul3A_615 = arith.constant 16 : i32
        %mul3A_616 = arith.muli %scan3A_565, %mul3A_615 : i32
        %add3A_617 = vector.broadcast %mul3A_616 : i32 to vector<16xi32>
        %add3A_618 = arith.addi %add3A_617, %iota3A : vector<16xi32>
        %masked_sort3A = arith.constant dense<true> : vector<16xi1>
        %masked_sort3A_619, %masked_sort3A_620, %masked_sort3A_621 = tpu.sort %add3A_600, %add3A_618 masked %masked_sort3A {descending = true} : (vector<16xf32>, vector<16xi32>, vector<16xi1>) -> (vector<16xi1>, vector<16xf32>, vector<16xi32>)
        %le3A = arith.cmpf ole, %scan3A_566, %masked_sort3A_620 : vector<16xf32>
        %select_n3A_622 = arith.select %le3A, %scan3A_566, %masked_sort3A_620 : vector<16xi1>, vector<16xf32>
        %select_n3A_623 = arith.select %le3A, %scan3A_567, %masked_sort3A_621 : vector<16xi1>, vector<16xi32>
        %masked_sort3A_624 = arith.constant dense<true> : vector<16xi1>
        %masked_sort3A_625, %masked_sort3A_626, %masked_sort3A_627 = tpu.sort %select_n3A_622, %select_n3A_623 masked %masked_sort3A_624 : (vector<16xf32>, vector<16xi32>, vector<16xi1>) -> (vector<16xi1>, vector<16xf32>, vector<16xi32>)
        %slice3A_628 = vector.extract_strided_slice %masked_sort3A_626 {offsets = [3], sizes = [1], strides = [1]} : vector<16xf32> to vector<1xf32>
        %squeeze3A_629 = vector.extract %slice3A_628[0] : f32 from vector<1xf32>
        scf.yield %masked_sort3A_626, %masked_sort3A_627, %squeeze3A_629 : vector<16xf32>, vector<16xi32>, f32
      } else {
        scf.yield %scan3A_566, %scan3A_567, %scan3A_568 : vector<16xf32>, vector<16xi32>, f32
      }
      scf.yield %cond3A_614#0, %cond3A_614#1, %cond3A_614#2 : vector<16xf32>, vector<16xi32>, f32
    }
    %scan3A_374 = arith.constant 500 : i32
    %mul3A_375 = arith.constant 16 : i32
    %mul3A_376 = vector.broadcast %mul3A_375 : i32 to vector<16xi32>
    %mul3A_377 = arith.muli %iota3A, %mul3A_376 : vector<16xi32>
    %add3A_378 = arith.constant 9 : i32
    %add3A_379 = vector.broadcast %add3A_378 : i32 to vector<16xi32>
    %add3A_380 = arith.addi %mul3A_377, %add3A_379 : vector<16xi32>
    %lt3A_381 = arith.constant 4 : i32
    %lt3A_382 = vector.broadcast %lt3A_381 : i32 to vector<16xi32>
    %lt3A_383 = arith.cmpi slt, %iota3A, %lt3A_382 : vector<16xi32>
    tpu.vector_store_idx %arg8[%add3A_380], %scan3A_373#1 masked %lt3A_383 : memref<64xi32, #tpu.memory_space<vmem>>[vector<16xi32>], vector<16xi32>, vector<16xi1>
    %slice3A_384 = vector.extract_strided_slice %add3A_97 {offsets = [10], sizes = [1], strides = [1]} : vector<16xf32> to vector<1xf32>
    %squeeze3A_385 = vector.extract %slice3A_384[0] : f32 from vector<1xf32>
    %slice3A_386 = vector.extract_strided_slice %add3A_98 {offsets = [10], sizes = [1], strides = [1]} : vector<16xf32> to vector<1xf32>
    %squeeze3A_387 = vector.extract %slice3A_386[0] : f32 from vector<1xf32>
    %slice3A_388 = vector.extract_strided_slice %mul3A_102 {offsets = [10], sizes = [1], strides = [1]} : vector<16xf32> to vector<1xf32>
    %squeeze3A_389 = vector.extract %slice3A_388[0] : f32 from vector<1xf32>
    %slice3A_390 = vector.extract_strided_slice %mul3A_106 {offsets = [10], sizes = [1], strides = [1]} : vector<16xf32> to vector<1xf32>
    %squeeze3A_391 = vector.extract %slice3A_390[0] : f32 from vector<1xf32>
    %broadcast_in_dim3A_392 = arith.constant 0x7F800000 : f32
    %broadcast_in_dim3A_393 = vector.broadcast %broadcast_in_dim3A_392 : f32 to vector<16xf32>
    %broadcast_in_dim3A_394 = arith.constant 0 : i32
    %broadcast_in_dim3A_395 = vector.broadcast %broadcast_in_dim3A_394 : i32 to vector<16xi32>
    %scan3A_396 = arith.constant 0x7F800000 : f32
    %scan3A_397 = arith.constant 0 : i32
    %scan3A_398 = arith.constant 500 : i32
    %scan3A_399 = arith.addi %scan3A_397, %scan3A_398 : i32
    %scan3A_400 = arith.constant 1 : i32
    %scan3A_401:3 = scf.for %scan3A_565 = %scan3A_397 to %scan3A_399 step %scan3A_400 iter_args(%scan3A_566 = %broadcast_in_dim3A_393, %scan3A_567 = %broadcast_in_dim3A_395, %scan3A_568 = %scan3A_396) -> (vector<16xf32>, vector<16xi32>, f32)  : i32 {
      %mul3A_569 = arith.constant 16 : i32
      %mul3A_570 = arith.muli %scan3A_565, %mul3A_569 : i32
      %get3A_571 = arith.constant 0 : i32
      %get3A_572 = arith.index_cast %get3A_571 : i32 to index
      %get3A_573 = arith.index_cast %mul3A_570 : i32 to index
      %get3A_574 = tpu.vector_load %arg6[%get3A_572, %get3A_573] {strides = array<i32>} : memref<4x8000xf32, #tpu.memory_space<vmem>>, vector<16xf32>,
      %sub3A_575 = vector.broadcast %squeeze3A_385 : f32 to vector<16xf32>
      %sub3A_576 = arith.subf %get3A_574, %sub3A_575 : vector<16xf32>
      %abs3A = math.absf %sub3A_576 : vector<16xf32>
      %get3A_577 = arith.constant 1 : i32
      %get3A_578 = arith.index_cast %get3A_577 : i32 to index
      %get3A_579 = arith.index_cast %mul3A_570 : i32 to index
      %get3A_580 = tpu.vector_load %arg6[%get3A_578, %get3A_579] {strides = array<i32>} : memref<4x8000xf32, #tpu.memory_space<vmem>>, vector<16xf32>,
      %sub3A_581 = vector.broadcast %squeeze3A_387 : f32 to vector<16xf32>
      %sub3A_582 = arith.subf %get3A_580, %sub3A_581 : vector<16xf32>
      %abs3A_583 = math.absf %sub3A_582 : vector<16xf32>
      %add3A_584 = arith.addf %abs3A, %abs3A_583 : vector<16xf32>
      %get3A_585 = arith.constant 2 : i32
      %get3A_586 = arith.index_cast %get3A_585 : i32 to index
      %get3A_587 = arith.index_cast %mul3A_570 : i32 to index
      %get3A_588 = tpu.vector_load %arg6[%get3A_586, %get3A_587] {strides = array<i32>} : memref<4x8000xf32, #tpu.memory_space<vmem>>, vector<16xf32>,
      %sub3A_589 = vector.broadcast %squeeze3A_389 : f32 to vector<16xf32>
      %sub3A_590 = arith.subf %get3A_588, %sub3A_589 : vector<16xf32>
      %abs3A_591 = math.absf %sub3A_590 : vector<16xf32>
      %add3A_592 = arith.addf %add3A_584, %abs3A_591 : vector<16xf32>
      %get3A_593 = arith.constant 3 : i32
      %get3A_594 = arith.index_cast %get3A_593 : i32 to index
      %get3A_595 = arith.index_cast %mul3A_570 : i32 to index
      %get3A_596 = tpu.vector_load %arg6[%get3A_594, %get3A_595] {strides = array<i32>} : memref<4x8000xf32, #tpu.memory_space<vmem>>, vector<16xf32>,
      %sub3A_597 = vector.broadcast %squeeze3A_391 : f32 to vector<16xf32>
      %sub3A_598 = arith.subf %get3A_596, %sub3A_597 : vector<16xf32>
      %abs3A_599 = math.absf %sub3A_598 : vector<16xf32>
      %add3A_600 = arith.addf %add3A_592, %abs3A_599 : vector<16xf32>
      %lt3A_601 = vector.broadcast %scan3A_568 : f32 to vector<16xf32>
      %lt3A_602 = arith.cmpf olt, %add3A_600, %lt3A_601 : vector<16xf32>
      %reduce_or3A = arith.constant 1.000000e+00 : f32
      %reduce_or3A_603 = arith.constant 0.000000e+00 : f32
      %reduce_or3A_604 = vector.broadcast %reduce_or3A : f32 to vector<16xf32>
      %reduce_or3A_605 = vector.broadcast %reduce_or3A_603 : f32 to vector<16xf32>
      %reduce_or3A_606 = arith.select %lt3A_602, %reduce_or3A_604, %reduce_or3A_605 : vector<16xi1>, vector<16xf32>
      %reduce_or3A_607 = arith.constant true
      %reduce_or3A_608 = vector.broadcast %reduce_or3A_607 : i1 to vector<16xi1>
      %reduce_or3A_609 = tpu.scan <max>, %reduce_or3A_606 masked %reduce_or3A_608 : vector<16xf32>, vector<16xi1> -> vector<16xf32>
      %reduce_or3A_610 = vector.extract %reduce_or3A_609[15] : f32 from vector<16xf32>
      %reduce_or3A_611 = arith.constant 0.000000e+00 : f32
      %reduce_or3A_612 = arith.cmpf ogt, %reduce_or3A_610, %reduce_or3A_611 : f32
      %convert_element_type3A = arith.extui %reduce_or3A_612 : i1 to i32
      %cond3A = arith.constant 0 : i32
      %cond3A_613 = arith.cmpi ne, %convert_element_type3A, %cond3A : i32
      %cond3A_614:3 = scf.if %cond3A_613 -> (vector<16xf32>, vector<16xi32>, f32) {
        %mul3A_615 = arith.constant 16 : i32
        %mul3A_616 = arith.muli %scan3A_565, %mul3A_615 : i32
        %add3A_617 = vector.broadcast %mul3A_616 : i32 to vector<16xi32>
        %add3A_618 = arith.addi %add3A_617, %iota3A : vector<16xi32>
        %masked_sort3A = arith.constant dense<true> : vector<16xi1>
        %masked_sort3A_619, %masked_sort3A_620, %masked_sort3A_621 = tpu.sort %add3A_600, %add3A_618 masked %masked_sort3A {descending = true} : (vector<16xf32>, vector<16xi32>, vector<16xi1>) -> (vector<16xi1>, vector<16xf32>, vector<16xi32>)
        %le3A = arith.cmpf ole, %scan3A_566, %masked_sort3A_620 : vector<16xf32>
        %select_n3A_622 = arith.select %le3A, %scan3A_566, %masked_sort3A_620 : vector<16xi1>, vector<16xf32>
        %select_n3A_623 = arith.select %le3A, %scan3A_567, %masked_sort3A_621 : vector<16xi1>, vector<16xi32>
        %masked_sort3A_624 = arith.constant dense<true> : vector<16xi1>
        %masked_sort3A_625, %masked_sort3A_626, %masked_sort3A_627 = tpu.sort %select_n3A_622, %select_n3A_623 masked %masked_sort3A_624 : (vector<16xf32>, vector<16xi32>, vector<16xi1>) -> (vector<16xi1>, vector<16xf32>, vector<16xi32>)
        %slice3A_628 = vector.extract_strided_slice %masked_sort3A_626 {offsets = [3], sizes = [1], strides = [1]} : vector<16xf32> to vector<1xf32>
        %squeeze3A_629 = vector.extract %slice3A_628[0] : f32 from vector<1xf32>
        scf.yield %masked_sort3A_626, %masked_sort3A_627, %squeeze3A_629 : vector<16xf32>, vector<16xi32>, f32
      } else {
        scf.yield %scan3A_566, %scan3A_567, %scan3A_568 : vector<16xf32>, vector<16xi32>, f32
      }
      scf.yield %cond3A_614#0, %cond3A_614#1, %cond3A_614#2 : vector<16xf32>, vector<16xi32>, f32
    }
    %scan3A_402 = arith.constant 500 : i32
    %mul3A_403 = arith.constant 16 : i32
    %mul3A_404 = vector.broadcast %mul3A_403 : i32 to vector<16xi32>
    %mul3A_405 = arith.muli %iota3A, %mul3A_404 : vector<16xi32>
    %add3A_406 = arith.constant 10 : i32
    %add3A_407 = vector.broadcast %add3A_406 : i32 to vector<16xi32>
    %add3A_408 = arith.addi %mul3A_405, %add3A_407 : vector<16xi32>
    %lt3A_409 = arith.constant 4 : i32
    %lt3A_410 = vector.broadcast %lt3A_409 : i32 to vector<16xi32>
    %lt3A_411 = arith.cmpi slt, %iota3A, %lt3A_410 : vector<16xi32>
    tpu.vector_store_idx %arg8[%add3A_408], %scan3A_401#1 masked %lt3A_411 : memref<64xi32, #tpu.memory_space<vmem>>[vector<16xi32>], vector<16xi32>, vector<16xi1>
    %slice3A_412 = vector.extract_strided_slice %add3A_97 {offsets = [11], sizes = [1], strides = [1]} : vector<16xf32> to vector<1xf32>
    %squeeze3A_413 = vector.extract %slice3A_412[0] : f32 from vector<1xf32>
    %slice3A_414 = vector.extract_strided_slice %add3A_98 {offsets = [11], sizes = [1], strides = [1]} : vector<16xf32> to vector<1xf32>
    %squeeze3A_415 = vector.extract %slice3A_414[0] : f32 from vector<1xf32>
    %slice3A_416 = vector.extract_strided_slice %mul3A_102 {offsets = [11], sizes = [1], strides = [1]} : vector<16xf32> to vector<1xf32>
    %squeeze3A_417 = vector.extract %slice3A_416[0] : f32 from vector<1xf32>
    %slice3A_418 = vector.extract_strided_slice %mul3A_106 {offsets = [11], sizes = [1], strides = [1]} : vector<16xf32> to vector<1xf32>
    %squeeze3A_419 = vector.extract %slice3A_418[0] : f32 from vector<1xf32>
    %broadcast_in_dim3A_420 = arith.constant 0x7F800000 : f32
    %broadcast_in_dim3A_421 = vector.broadcast %broadcast_in_dim3A_420 : f32 to vector<16xf32>
    %broadcast_in_dim3A_422 = arith.constant 0 : i32
    %broadcast_in_dim3A_423 = vector.broadcast %broadcast_in_dim3A_422 : i32 to vector<16xi32>
    %scan3A_424 = arith.constant 0x7F800000 : f32
    %scan3A_425 = arith.constant 0 : i32
    %scan3A_426 = arith.constant 500 : i32
    %scan3A_427 = arith.addi %scan3A_425, %scan3A_426 : i32
    %scan3A_428 = arith.constant 1 : i32
    %scan3A_429:3 = scf.for %scan3A_565 = %scan3A_425 to %scan3A_427 step %scan3A_428 iter_args(%scan3A_566 = %broadcast_in_dim3A_421, %scan3A_567 = %broadcast_in_dim3A_423, %scan3A_568 = %scan3A_424) -> (vector<16xf32>, vector<16xi32>, f32)  : i32 {
      %mul3A_569 = arith.constant 16 : i32
      %mul3A_570 = arith.muli %scan3A_565, %mul3A_569 : i32
      %get3A_571 = arith.constant 0 : i32
      %get3A_572 = arith.index_cast %get3A_571 : i32 to index
      %get3A_573 = arith.index_cast %mul3A_570 : i32 to index
      %get3A_574 = tpu.vector_load %arg6[%get3A_572, %get3A_573] {strides = array<i32>} : memref<4x8000xf32, #tpu.memory_space<vmem>>, vector<16xf32>,
      %sub3A_575 = vector.broadcast %squeeze3A_413 : f32 to vector<16xf32>
      %sub3A_576 = arith.subf %get3A_574, %sub3A_575 : vector<16xf32>
      %abs3A = math.absf %sub3A_576 : vector<16xf32>
      %get3A_577 = arith.constant 1 : i32
      %get3A_578 = arith.index_cast %get3A_577 : i32 to index
      %get3A_579 = arith.index_cast %mul3A_570 : i32 to index
      %get3A_580 = tpu.vector_load %arg6[%get3A_578, %get3A_579] {strides = array<i32>} : memref<4x8000xf32, #tpu.memory_space<vmem>>, vector<16xf32>,
      %sub3A_581 = vector.broadcast %squeeze3A_415 : f32 to vector<16xf32>
      %sub3A_582 = arith.subf %get3A_580, %sub3A_581 : vector<16xf32>
      %abs3A_583 = math.absf %sub3A_582 : vector<16xf32>
      %add3A_584 = arith.addf %abs3A, %abs3A_583 : vector<16xf32>
      %get3A_585 = arith.constant 2 : i32
      %get3A_586 = arith.index_cast %get3A_585 : i32 to index
      %get3A_587 = arith.index_cast %mul3A_570 : i32 to index
      %get3A_588 = tpu.vector_load %arg6[%get3A_586, %get3A_587] {strides = array<i32>} : memref<4x8000xf32, #tpu.memory_space<vmem>>, vector<16xf32>,
      %sub3A_589 = vector.broadcast %squeeze3A_417 : f32 to vector<16xf32>
      %sub3A_590 = arith.subf %get3A_588, %sub3A_589 : vector<16xf32>
      %abs3A_591 = math.absf %sub3A_590 : vector<16xf32>
      %add3A_592 = arith.addf %add3A_584, %abs3A_591 : vector<16xf32>
      %get3A_593 = arith.constant 3 : i32
      %get3A_594 = arith.index_cast %get3A_593 : i32 to index
      %get3A_595 = arith.index_cast %mul3A_570 : i32 to index
      %get3A_596 = tpu.vector_load %arg6[%get3A_594, %get3A_595] {strides = array<i32>} : memref<4x8000xf32, #tpu.memory_space<vmem>>, vector<16xf32>,
      %sub3A_597 = vector.broadcast %squeeze3A_419 : f32 to vector<16xf32>
      %sub3A_598 = arith.subf %get3A_596, %sub3A_597 : vector<16xf32>
      %abs3A_599 = math.absf %sub3A_598 : vector<16xf32>
      %add3A_600 = arith.addf %add3A_592, %abs3A_599 : vector<16xf32>
      %lt3A_601 = vector.broadcast %scan3A_568 : f32 to vector<16xf32>
      %lt3A_602 = arith.cmpf olt, %add3A_600, %lt3A_601 : vector<16xf32>
      %reduce_or3A = arith.constant 1.000000e+00 : f32
      %reduce_or3A_603 = arith.constant 0.000000e+00 : f32
      %reduce_or3A_604 = vector.broadcast %reduce_or3A : f32 to vector<16xf32>
      %reduce_or3A_605 = vector.broadcast %reduce_or3A_603 : f32 to vector<16xf32>
      %reduce_or3A_606 = arith.select %lt3A_602, %reduce_or3A_604, %reduce_or3A_605 : vector<16xi1>, vector<16xf32>
      %reduce_or3A_607 = arith.constant true
      %reduce_or3A_608 = vector.broadcast %reduce_or3A_607 : i1 to vector<16xi1>
      %reduce_or3A_609 = tpu.scan <max>, %reduce_or3A_606 masked %reduce_or3A_608 : vector<16xf32>, vector<16xi1> -> vector<16xf32>
      %reduce_or3A_610 = vector.extract %reduce_or3A_609[15] : f32 from vector<16xf32>
      %reduce_or3A_611 = arith.constant 0.000000e+00 : f32
      %reduce_or3A_612 = arith.cmpf ogt, %reduce_or3A_610, %reduce_or3A_611 : f32
      %convert_element_type3A = arith.extui %reduce_or3A_612 : i1 to i32
      %cond3A = arith.constant 0 : i32
      %cond3A_613 = arith.cmpi ne, %convert_element_type3A, %cond3A : i32
      %cond3A_614:3 = scf.if %cond3A_613 -> (vector<16xf32>, vector<16xi32>, f32) {
        %mul3A_615 = arith.constant 16 : i32
        %mul3A_616 = arith.muli %scan3A_565, %mul3A_615 : i32
        %add3A_617 = vector.broadcast %mul3A_616 : i32 to vector<16xi32>
        %add3A_618 = arith.addi %add3A_617, %iota3A : vector<16xi32>
        %masked_sort3A = arith.constant dense<true> : vector<16xi1>
        %masked_sort3A_619, %masked_sort3A_620, %masked_sort3A_621 = tpu.sort %add3A_600, %add3A_618 masked %masked_sort3A {descending = true} : (vector<16xf32>, vector<16xi32>, vector<16xi1>) -> (vector<16xi1>, vector<16xf32>, vector<16xi32>)
        %le3A = arith.cmpf ole, %scan3A_566, %masked_sort3A_620 : vector<16xf32>
        %select_n3A_622 = arith.select %le3A, %scan3A_566, %masked_sort3A_620 : vector<16xi1>, vector<16xf32>
        %select_n3A_623 = arith.select %le3A, %scan3A_567, %masked_sort3A_621 : vector<16xi1>, vector<16xi32>
        %masked_sort3A_624 = arith.constant dense<true> : vector<16xi1>
        %masked_sort3A_625, %masked_sort3A_626, %masked_sort3A_627 = tpu.sort %select_n3A_622, %select_n3A_623 masked %masked_sort3A_624 : (vector<16xf32>, vector<16xi32>, vector<16xi1>) -> (vector<16xi1>, vector<16xf32>, vector<16xi32>)
        %slice3A_628 = vector.extract_strided_slice %masked_sort3A_626 {offsets = [3], sizes = [1], strides = [1]} : vector<16xf32> to vector<1xf32>
        %squeeze3A_629 = vector.extract %slice3A_628[0] : f32 from vector<1xf32>
        scf.yield %masked_sort3A_626, %masked_sort3A_627, %squeeze3A_629 : vector<16xf32>, vector<16xi32>, f32
      } else {
        scf.yield %scan3A_566, %scan3A_567, %scan3A_568 : vector<16xf32>, vector<16xi32>, f32
      }
      scf.yield %cond3A_614#0, %cond3A_614#1, %cond3A_614#2 : vector<16xf32>, vector<16xi32>, f32
    }
    %scan3A_430 = arith.constant 500 : i32
    %mul3A_431 = arith.constant 16 : i32
    %mul3A_432 = vector.broadcast %mul3A_431 : i32 to vector<16xi32>
    %mul3A_433 = arith.muli %iota3A, %mul3A_432 : vector<16xi32>
    %add3A_434 = arith.constant 11 : i32
    %add3A_435 = vector.broadcast %add3A_434 : i32 to vector<16xi32>
    %add3A_436 = arith.addi %mul3A_433, %add3A_435 : vector<16xi32>
    %lt3A_437 = arith.constant 4 : i32
    %lt3A_438 = vector.broadcast %lt3A_437 : i32 to vector<16xi32>
    %lt3A_439 = arith.cmpi slt, %iota3A, %lt3A_438 : vector<16xi32>
    tpu.vector_store_idx %arg8[%add3A_436], %scan3A_429#1 masked %lt3A_439 : memref<64xi32, #tpu.memory_space<vmem>>[vector<16xi32>], vector<16xi32>, vector<16xi1>
    %slice3A_440 = vector.extract_strided_slice %add3A_97 {offsets = [12], sizes = [1], strides = [1]} : vector<16xf32> to vector<1xf32>
    %squeeze3A_441 = vector.extract %slice3A_440[0] : f32 from vector<1xf32>
    %slice3A_442 = vector.extract_strided_slice %add3A_98 {offsets = [12], sizes = [1], strides = [1]} : vector<16xf32> to vector<1xf32>
    %squeeze3A_443 = vector.extract %slice3A_442[0] : f32 from vector<1xf32>
    %slice3A_444 = vector.extract_strided_slice %mul3A_102 {offsets = [12], sizes = [1], strides = [1]} : vector<16xf32> to vector<1xf32>
    %squeeze3A_445 = vector.extract %slice3A_444[0] : f32 from vector<1xf32>
    %slice3A_446 = vector.extract_strided_slice %mul3A_106 {offsets = [12], sizes = [1], strides = [1]} : vector<16xf32> to vector<1xf32>
    %squeeze3A_447 = vector.extract %slice3A_446[0] : f32 from vector<1xf32>
    %broadcast_in_dim3A_448 = arith.constant 0x7F800000 : f32
    %broadcast_in_dim3A_449 = vector.broadcast %broadcast_in_dim3A_448 : f32 to vector<16xf32>
    %broadcast_in_dim3A_450 = arith.constant 0 : i32
    %broadcast_in_dim3A_451 = vector.broadcast %broadcast_in_dim3A_450 : i32 to vector<16xi32>
    %scan3A_452 = arith.constant 0x7F800000 : f32
    %scan3A_453 = arith.constant 0 : i32
    %scan3A_454 = arith.constant 500 : i32
    %scan3A_455 = arith.addi %scan3A_453, %scan3A_454 : i32
    %scan3A_456 = arith.constant 1 : i32
    %scan3A_457:3 = scf.for %scan3A_565 = %scan3A_453 to %scan3A_455 step %scan3A_456 iter_args(%scan3A_566 = %broadcast_in_dim3A_449, %scan3A_567 = %broadcast_in_dim3A_451, %scan3A_568 = %scan3A_452) -> (vector<16xf32>, vector<16xi32>, f32)  : i32 {
      %mul3A_569 = arith.constant 16 : i32
      %mul3A_570 = arith.muli %scan3A_565, %mul3A_569 : i32
      %get3A_571 = arith.constant 0 : i32
      %get3A_572 = arith.index_cast %get3A_571 : i32 to index
      %get3A_573 = arith.index_cast %mul3A_570 : i32 to index
      %get3A_574 = tpu.vector_load %arg6[%get3A_572, %get3A_573] {strides = array<i32>} : memref<4x8000xf32, #tpu.memory_space<vmem>>, vector<16xf32>,
      %sub3A_575 = vector.broadcast %squeeze3A_441 : f32 to vector<16xf32>
      %sub3A_576 = arith.subf %get3A_574, %sub3A_575 : vector<16xf32>
      %abs3A = math.absf %sub3A_576 : vector<16xf32>
      %get3A_577 = arith.constant 1 : i32
      %get3A_578 = arith.index_cast %get3A_577 : i32 to index
      %get3A_579 = arith.index_cast %mul3A_570 : i32 to index
      %get3A_580 = tpu.vector_load %arg6[%get3A_578, %get3A_579] {strides = array<i32>} : memref<4x8000xf32, #tpu.memory_space<vmem>>, vector<16xf32>,
      %sub3A_581 = vector.broadcast %squeeze3A_443 : f32 to vector<16xf32>
      %sub3A_582 = arith.subf %get3A_580, %sub3A_581 : vector<16xf32>
      %abs3A_583 = math.absf %sub3A_582 : vector<16xf32>
      %add3A_584 = arith.addf %abs3A, %abs3A_583 : vector<16xf32>
      %get3A_585 = arith.constant 2 : i32
      %get3A_586 = arith.index_cast %get3A_585 : i32 to index
      %get3A_587 = arith.index_cast %mul3A_570 : i32 to index
      %get3A_588 = tpu.vector_load %arg6[%get3A_586, %get3A_587] {strides = array<i32>} : memref<4x8000xf32, #tpu.memory_space<vmem>>, vector<16xf32>,
      %sub3A_589 = vector.broadcast %squeeze3A_445 : f32 to vector<16xf32>
      %sub3A_590 = arith.subf %get3A_588, %sub3A_589 : vector<16xf32>
      %abs3A_591 = math.absf %sub3A_590 : vector<16xf32>
      %add3A_592 = arith.addf %add3A_584, %abs3A_591 : vector<16xf32>
      %get3A_593 = arith.constant 3 : i32
      %get3A_594 = arith.index_cast %get3A_593 : i32 to index
      %get3A_595 = arith.index_cast %mul3A_570 : i32 to index
      %get3A_596 = tpu.vector_load %arg6[%get3A_594, %get3A_595] {strides = array<i32>} : memref<4x8000xf32, #tpu.memory_space<vmem>>, vector<16xf32>,
      %sub3A_597 = vector.broadcast %squeeze3A_447 : f32 to vector<16xf32>
      %sub3A_598 = arith.subf %get3A_596, %sub3A_597 : vector<16xf32>
      %abs3A_599 = math.absf %sub3A_598 : vector<16xf32>
      %add3A_600 = arith.addf %add3A_592, %abs3A_599 : vector<16xf32>
      %lt3A_601 = vector.broadcast %scan3A_568 : f32 to vector<16xf32>
      %lt3A_602 = arith.cmpf olt, %add3A_600, %lt3A_601 : vector<16xf32>
      %reduce_or3A = arith.constant 1.000000e+00 : f32
      %reduce_or3A_603 = arith.constant 0.000000e+00 : f32
      %reduce_or3A_604 = vector.broadcast %reduce_or3A : f32 to vector<16xf32>
      %reduce_or3A_605 = vector.broadcast %reduce_or3A_603 : f32 to vector<16xf32>
      %reduce_or3A_606 = arith.select %lt3A_602, %reduce_or3A_604, %reduce_or3A_605 : vector<16xi1>, vector<16xf32>
      %reduce_or3A_607 = arith.constant true
      %reduce_or3A_608 = vector.broadcast %reduce_or3A_607 : i1 to vector<16xi1>
      %reduce_or3A_609 = tpu.scan <max>, %reduce_or3A_606 masked %reduce_or3A_608 : vector<16xf32>, vector<16xi1> -> vector<16xf32>
      %reduce_or3A_610 = vector.extract %reduce_or3A_609[15] : f32 from vector<16xf32>
      %reduce_or3A_611 = arith.constant 0.000000e+00 : f32
      %reduce_or3A_612 = arith.cmpf ogt, %reduce_or3A_610, %reduce_or3A_611 : f32
      %convert_element_type3A = arith.extui %reduce_or3A_612 : i1 to i32
      %cond3A = arith.constant 0 : i32
      %cond3A_613 = arith.cmpi ne, %convert_element_type3A, %cond3A : i32
      %cond3A_614:3 = scf.if %cond3A_613 -> (vector<16xf32>, vector<16xi32>, f32) {
        %mul3A_615 = arith.constant 16 : i32
        %mul3A_616 = arith.muli %scan3A_565, %mul3A_615 : i32
        %add3A_617 = vector.broadcast %mul3A_616 : i32 to vector<16xi32>
        %add3A_618 = arith.addi %add3A_617, %iota3A : vector<16xi32>
        %masked_sort3A = arith.constant dense<true> : vector<16xi1>
        %masked_sort3A_619, %masked_sort3A_620, %masked_sort3A_621 = tpu.sort %add3A_600, %add3A_618 masked %masked_sort3A {descending = true} : (vector<16xf32>, vector<16xi32>, vector<16xi1>) -> (vector<16xi1>, vector<16xf32>, vector<16xi32>)
        %le3A = arith.cmpf ole, %scan3A_566, %masked_sort3A_620 : vector<16xf32>
        %select_n3A_622 = arith.select %le3A, %scan3A_566, %masked_sort3A_620 : vector<16xi1>, vector<16xf32>
        %select_n3A_623 = arith.select %le3A, %scan3A_567, %masked_sort3A_621 : vector<16xi1>, vector<16xi32>
        %masked_sort3A_624 = arith.constant dense<true> : vector<16xi1>
        %masked_sort3A_625, %masked_sort3A_626, %masked_sort3A_627 = tpu.sort %select_n3A_622, %select_n3A_623 masked %masked_sort3A_624 : (vector<16xf32>, vector<16xi32>, vector<16xi1>) -> (vector<16xi1>, vector<16xf32>, vector<16xi32>)
        %slice3A_628 = vector.extract_strided_slice %masked_sort3A_626 {offsets = [3], sizes = [1], strides = [1]} : vector<16xf32> to vector<1xf32>
        %squeeze3A_629 = vector.extract %slice3A_628[0] : f32 from vector<1xf32>
        scf.yield %masked_sort3A_626, %masked_sort3A_627, %squeeze3A_629 : vector<16xf32>, vector<16xi32>, f32
      } else {
        scf.yield %scan3A_566, %scan3A_567, %scan3A_568 : vector<16xf32>, vector<16xi32>, f32
      }
      scf.yield %cond3A_614#0, %cond3A_614#1, %cond3A_614#2 : vector<16xf32>, vector<16xi32>, f32
    }
    %scan3A_458 = arith.constant 500 : i32
    %mul3A_459 = arith.constant 16 : i32
    %mul3A_460 = vector.broadcast %mul3A_459 : i32 to vector<16xi32>
    %mul3A_461 = arith.muli %iota3A, %mul3A_460 : vector<16xi32>
    %add3A_462 = arith.constant 12 : i32
    %add3A_463 = vector.broadcast %add3A_462 : i32 to vector<16xi32>
    %add3A_464 = arith.addi %mul3A_461, %add3A_463 : vector<16xi32>
    %lt3A_465 = arith.constant 4 : i32
    %lt3A_466 = vector.broadcast %lt3A_465 : i32 to vector<16xi32>
    %lt3A_467 = arith.cmpi slt, %iota3A, %lt3A_466 : vector<16xi32>
    tpu.vector_store_idx %arg8[%add3A_464], %scan3A_457#1 masked %lt3A_467 : memref<64xi32, #tpu.memory_space<vmem>>[vector<16xi32>], vector<16xi32>, vector<16xi1>
    %slice3A_468 = vector.extract_strided_slice %add3A_97 {offsets = [13], sizes = [1], strides = [1]} : vector<16xf32> to vector<1xf32>
    %squeeze3A_469 = vector.extract %slice3A_468[0] : f32 from vector<1xf32>
    %slice3A_470 = vector.extract_strided_slice %add3A_98 {offsets = [13], sizes = [1], strides = [1]} : vector<16xf32> to vector<1xf32>
    %squeeze3A_471 = vector.extract %slice3A_470[0] : f32 from vector<1xf32>
    %slice3A_472 = vector.extract_strided_slice %mul3A_102 {offsets = [13], sizes = [1], strides = [1]} : vector<16xf32> to vector<1xf32>
    %squeeze3A_473 = vector.extract %slice3A_472[0] : f32 from vector<1xf32>
    %slice3A_474 = vector.extract_strided_slice %mul3A_106 {offsets = [13], sizes = [1], strides = [1]} : vector<16xf32> to vector<1xf32>
    %squeeze3A_475 = vector.extract %slice3A_474[0] : f32 from vector<1xf32>
    %broadcast_in_dim3A_476 = arith.constant 0x7F800000 : f32
    %broadcast_in_dim3A_477 = vector.broadcast %broadcast_in_dim3A_476 : f32 to vector<16xf32>
    %broadcast_in_dim3A_478 = arith.constant 0 : i32
    %broadcast_in_dim3A_479 = vector.broadcast %broadcast_in_dim3A_478 : i32 to vector<16xi32>
    %scan3A_480 = arith.constant 0x7F800000 : f32
    %scan3A_481 = arith.constant 0 : i32
    %scan3A_482 = arith.constant 500 : i32
    %scan3A_483 = arith.addi %scan3A_481, %scan3A_482 : i32
    %scan3A_484 = arith.constant 1 : i32
    %scan3A_485:3 = scf.for %scan3A_565 = %scan3A_481 to %scan3A_483 step %scan3A_484 iter_args(%scan3A_566 = %broadcast_in_dim3A_477, %scan3A_567 = %broadcast_in_dim3A_479, %scan3A_568 = %scan3A_480) -> (vector<16xf32>, vector<16xi32>, f32)  : i32 {
      %mul3A_569 = arith.constant 16 : i32
      %mul3A_570 = arith.muli %scan3A_565, %mul3A_569 : i32
      %get3A_571 = arith.constant 0 : i32
      %get3A_572 = arith.index_cast %get3A_571 : i32 to index
      %get3A_573 = arith.index_cast %mul3A_570 : i32 to index
      %get3A_574 = tpu.vector_load %arg6[%get3A_572, %get3A_573] {strides = array<i32>} : memref<4x8000xf32, #tpu.memory_space<vmem>>, vector<16xf32>,
      %sub3A_575 = vector.broadcast %squeeze3A_469 : f32 to vector<16xf32>
      %sub3A_576 = arith.subf %get3A_574, %sub3A_575 : vector<16xf32>
      %abs3A = math.absf %sub3A_576 : vector<16xf32>
      %get3A_577 = arith.constant 1 : i32
      %get3A_578 = arith.index_cast %get3A_577 : i32 to index
      %get3A_579 = arith.index_cast %mul3A_570 : i32 to index
      %get3A_580 = tpu.vector_load %arg6[%get3A_578, %get3A_579] {strides = array<i32>} : memref<4x8000xf32, #tpu.memory_space<vmem>>, vector<16xf32>,
      %sub3A_581 = vector.broadcast %squeeze3A_471 : f32 to vector<16xf32>
      %sub3A_582 = arith.subf %get3A_580, %sub3A_581 : vector<16xf32>
      %abs3A_583 = math.absf %sub3A_582 : vector<16xf32>
      %add3A_584 = arith.addf %abs3A, %abs3A_583 : vector<16xf32>
      %get3A_585 = arith.constant 2 : i32
      %get3A_586 = arith.index_cast %get3A_585 : i32 to index
      %get3A_587 = arith.index_cast %mul3A_570 : i32 to index
      %get3A_588 = tpu.vector_load %arg6[%get3A_586, %get3A_587] {strides = array<i32>} : memref<4x8000xf32, #tpu.memory_space<vmem>>, vector<16xf32>,
      %sub3A_589 = vector.broadcast %squeeze3A_473 : f32 to vector<16xf32>
      %sub3A_590 = arith.subf %get3A_588, %sub3A_589 : vector<16xf32>
      %abs3A_591 = math.absf %sub3A_590 : vector<16xf32>
      %add3A_592 = arith.addf %add3A_584, %abs3A_591 : vector<16xf32>
      %get3A_593 = arith.constant 3 : i32
      %get3A_594 = arith.index_cast %get3A_593 : i32 to index
      %get3A_595 = arith.index_cast %mul3A_570 : i32 to index
      %get3A_596 = tpu.vector_load %arg6[%get3A_594, %get3A_595] {strides = array<i32>} : memref<4x8000xf32, #tpu.memory_space<vmem>>, vector<16xf32>,
      %sub3A_597 = vector.broadcast %squeeze3A_475 : f32 to vector<16xf32>
      %sub3A_598 = arith.subf %get3A_596, %sub3A_597 : vector<16xf32>
      %abs3A_599 = math.absf %sub3A_598 : vector<16xf32>
      %add3A_600 = arith.addf %add3A_592, %abs3A_599 : vector<16xf32>
      %lt3A_601 = vector.broadcast %scan3A_568 : f32 to vector<16xf32>
      %lt3A_602 = arith.cmpf olt, %add3A_600, %lt3A_601 : vector<16xf32>
      %reduce_or3A = arith.constant 1.000000e+00 : f32
      %reduce_or3A_603 = arith.constant 0.000000e+00 : f32
      %reduce_or3A_604 = vector.broadcast %reduce_or3A : f32 to vector<16xf32>
      %reduce_or3A_605 = vector.broadcast %reduce_or3A_603 : f32 to vector<16xf32>
      %reduce_or3A_606 = arith.select %lt3A_602, %reduce_or3A_604, %reduce_or3A_605 : vector<16xi1>, vector<16xf32>
      %reduce_or3A_607 = arith.constant true
      %reduce_or3A_608 = vector.broadcast %reduce_or3A_607 : i1 to vector<16xi1>
      %reduce_or3A_609 = tpu.scan <max>, %reduce_or3A_606 masked %reduce_or3A_608 : vector<16xf32>, vector<16xi1> -> vector<16xf32>
      %reduce_or3A_610 = vector.extract %reduce_or3A_609[15] : f32 from vector<16xf32>
      %reduce_or3A_611 = arith.constant 0.000000e+00 : f32
      %reduce_or3A_612 = arith.cmpf ogt, %reduce_or3A_610, %reduce_or3A_611 : f32
      %convert_element_type3A = arith.extui %reduce_or3A_612 : i1 to i32
      %cond3A = arith.constant 0 : i32
      %cond3A_613 = arith.cmpi ne, %convert_element_type3A, %cond3A : i32
      %cond3A_614:3 = scf.if %cond3A_613 -> (vector<16xf32>, vector<16xi32>, f32) {
        %mul3A_615 = arith.constant 16 : i32
        %mul3A_616 = arith.muli %scan3A_565, %mul3A_615 : i32
        %add3A_617 = vector.broadcast %mul3A_616 : i32 to vector<16xi32>
        %add3A_618 = arith.addi %add3A_617, %iota3A : vector<16xi32>
        %masked_sort3A = arith.constant dense<true> : vector<16xi1>
        %masked_sort3A_619, %masked_sort3A_620, %masked_sort3A_621 = tpu.sort %add3A_600, %add3A_618 masked %masked_sort3A {descending = true} : (vector<16xf32>, vector<16xi32>, vector<16xi1>) -> (vector<16xi1>, vector<16xf32>, vector<16xi32>)
        %le3A = arith.cmpf ole, %scan3A_566, %masked_sort3A_620 : vector<16xf32>
        %select_n3A_622 = arith.select %le3A, %scan3A_566, %masked_sort3A_620 : vector<16xi1>, vector<16xf32>
        %select_n3A_623 = arith.select %le3A, %scan3A_567, %masked_sort3A_621 : vector<16xi1>, vector<16xi32>
        %masked_sort3A_624 = arith.constant dense<true> : vector<16xi1>
        %masked_sort3A_625, %masked_sort3A_626, %masked_sort3A_627 = tpu.sort %select_n3A_622, %select_n3A_623 masked %masked_sort3A_624 : (vector<16xf32>, vector<16xi32>, vector<16xi1>) -> (vector<16xi1>, vector<16xf32>, vector<16xi32>)
        %slice3A_628 = vector.extract_strided_slice %masked_sort3A_626 {offsets = [3], sizes = [1], strides = [1]} : vector<16xf32> to vector<1xf32>
        %squeeze3A_629 = vector.extract %slice3A_628[0] : f32 from vector<1xf32>
        scf.yield %masked_sort3A_626, %masked_sort3A_627, %squeeze3A_629 : vector<16xf32>, vector<16xi32>, f32
      } else {
        scf.yield %scan3A_566, %scan3A_567, %scan3A_568 : vector<16xf32>, vector<16xi32>, f32
      }
      scf.yield %cond3A_614#0, %cond3A_614#1, %cond3A_614#2 : vector<16xf32>, vector<16xi32>, f32
    }
    %scan3A_486 = arith.constant 500 : i32
    %mul3A_487 = arith.constant 16 : i32
    %mul3A_488 = vector.broadcast %mul3A_487 : i32 to vector<16xi32>
    %mul3A_489 = arith.muli %iota3A, %mul3A_488 : vector<16xi32>
    %add3A_490 = arith.constant 13 : i32
    %add3A_491 = vector.broadcast %add3A_490 : i32 to vector<16xi32>
    %add3A_492 = arith.addi %mul3A_489, %add3A_491 : vector<16xi32>
    %lt3A_493 = arith.constant 4 : i32
    %lt3A_494 = vector.broadcast %lt3A_493 : i32 to vector<16xi32>
    %lt3A_495 = arith.cmpi slt, %iota3A, %lt3A_494 : vector<16xi32>
    tpu.vector_store_idx %arg8[%add3A_492], %scan3A_485#1 masked %lt3A_495 : memref<64xi32, #tpu.memory_space<vmem>>[vector<16xi32>], vector<16xi32>, vector<16xi1>
    %slice3A_496 = vector.extract_strided_slice %add3A_97 {offsets = [14], sizes = [1], strides = [1]} : vector<16xf32> to vector<1xf32>
    %squeeze3A_497 = vector.extract %slice3A_496[0] : f32 from vector<1xf32>
    %slice3A_498 = vector.extract_strided_slice %add3A_98 {offsets = [14], sizes = [1], strides = [1]} : vector<16xf32> to vector<1xf32>
    %squeeze3A_499 = vector.extract %slice3A_498[0] : f32 from vector<1xf32>
    %slice3A_500 = vector.extract_strided_slice %mul3A_102 {offsets = [14], sizes = [1], strides = [1]} : vector<16xf32> to vector<1xf32>
    %squeeze3A_501 = vector.extract %slice3A_500[0] : f32 from vector<1xf32>
    %slice3A_502 = vector.extract_strided_slice %mul3A_106 {offsets = [14], sizes = [1], strides = [1]} : vector<16xf32> to vector<1xf32>
    %squeeze3A_503 = vector.extract %slice3A_502[0] : f32 from vector<1xf32>
    %broadcast_in_dim3A_504 = arith.constant 0x7F800000 : f32
    %broadcast_in_dim3A_505 = vector.broadcast %broadcast_in_dim3A_504 : f32 to vector<16xf32>
    %broadcast_in_dim3A_506 = arith.constant 0 : i32
    %broadcast_in_dim3A_507 = vector.broadcast %broadcast_in_dim3A_506 : i32 to vector<16xi32>
    %scan3A_508 = arith.constant 0x7F800000 : f32
    %scan3A_509 = arith.constant 0 : i32
    %scan3A_510 = arith.constant 500 : i32
    %scan3A_511 = arith.addi %scan3A_509, %scan3A_510 : i32
    %scan3A_512 = arith.constant 1 : i32
    %scan3A_513:3 = scf.for %scan3A_565 = %scan3A_509 to %scan3A_511 step %scan3A_512 iter_args(%scan3A_566 = %broadcast_in_dim3A_505, %scan3A_567 = %broadcast_in_dim3A_507, %scan3A_568 = %scan3A_508) -> (vector<16xf32>, vector<16xi32>, f32)  : i32 {
      %mul3A_569 = arith.constant 16 : i32
      %mul3A_570 = arith.muli %scan3A_565, %mul3A_569 : i32
      %get3A_571 = arith.constant 0 : i32
      %get3A_572 = arith.index_cast %get3A_571 : i32 to index
      %get3A_573 = arith.index_cast %mul3A_570 : i32 to index
      %get3A_574 = tpu.vector_load %arg6[%get3A_572, %get3A_573] {strides = array<i32>} : memref<4x8000xf32, #tpu.memory_space<vmem>>, vector<16xf32>,
      %sub3A_575 = vector.broadcast %squeeze3A_497 : f32 to vector<16xf32>
      %sub3A_576 = arith.subf %get3A_574, %sub3A_575 : vector<16xf32>
      %abs3A = math.absf %sub3A_576 : vector<16xf32>
      %get3A_577 = arith.constant 1 : i32
      %get3A_578 = arith.index_cast %get3A_577 : i32 to index
      %get3A_579 = arith.index_cast %mul3A_570 : i32 to index
      %get3A_580 = tpu.vector_load %arg6[%get3A_578, %get3A_579] {strides = array<i32>} : memref<4x8000xf32, #tpu.memory_space<vmem>>, vector<16xf32>,
      %sub3A_581 = vector.broadcast %squeeze3A_499 : f32 to vector<16xf32>
      %sub3A_582 = arith.subf %get3A_580, %sub3A_581 : vector<16xf32>
      %abs3A_583 = math.absf %sub3A_582 : vector<16xf32>
      %add3A_584 = arith.addf %abs3A, %abs3A_583 : vector<16xf32>
      %get3A_585 = arith.constant 2 : i32
      %get3A_586 = arith.index_cast %get3A_585 : i32 to index
      %get3A_587 = arith.index_cast %mul3A_570 : i32 to index
      %get3A_588 = tpu.vector_load %arg6[%get3A_586, %get3A_587] {strides = array<i32>} : memref<4x8000xf32, #tpu.memory_space<vmem>>, vector<16xf32>,
      %sub3A_589 = vector.broadcast %squeeze3A_501 : f32 to vector<16xf32>
      %sub3A_590 = arith.subf %get3A_588, %sub3A_589 : vector<16xf32>
      %abs3A_591 = math.absf %sub3A_590 : vector<16xf32>
      %add3A_592 = arith.addf %add3A_584, %abs3A_591 : vector<16xf32>
      %get3A_593 = arith.constant 3 : i32
      %get3A_594 = arith.index_cast %get3A_593 : i32 to index
      %get3A_595 = arith.index_cast %mul3A_570 : i32 to index
      %get3A_596 = tpu.vector_load %arg6[%get3A_594, %get3A_595] {strides = array<i32>} : memref<4x8000xf32, #tpu.memory_space<vmem>>, vector<16xf32>,
      %sub3A_597 = vector.broadcast %squeeze3A_503 : f32 to vector<16xf32>
      %sub3A_598 = arith.subf %get3A_596, %sub3A_597 : vector<16xf32>
      %abs3A_599 = math.absf %sub3A_598 : vector<16xf32>
      %add3A_600 = arith.addf %add3A_592, %abs3A_599 : vector<16xf32>
      %lt3A_601 = vector.broadcast %scan3A_568 : f32 to vector<16xf32>
      %lt3A_602 = arith.cmpf olt, %add3A_600, %lt3A_601 : vector<16xf32>
      %reduce_or3A = arith.constant 1.000000e+00 : f32
      %reduce_or3A_603 = arith.constant 0.000000e+00 : f32
      %reduce_or3A_604 = vector.broadcast %reduce_or3A : f32 to vector<16xf32>
      %reduce_or3A_605 = vector.broadcast %reduce_or3A_603 : f32 to vector<16xf32>
      %reduce_or3A_606 = arith.select %lt3A_602, %reduce_or3A_604, %reduce_or3A_605 : vector<16xi1>, vector<16xf32>
      %reduce_or3A_607 = arith.constant true
      %reduce_or3A_608 = vector.broadcast %reduce_or3A_607 : i1 to vector<16xi1>
      %reduce_or3A_609 = tpu.scan <max>, %reduce_or3A_606 masked %reduce_or3A_608 : vector<16xf32>, vector<16xi1> -> vector<16xf32>
      %reduce_or3A_610 = vector.extract %reduce_or3A_609[15] : f32 from vector<16xf32>
      %reduce_or3A_611 = arith.constant 0.000000e+00 : f32
      %reduce_or3A_612 = arith.cmpf ogt, %reduce_or3A_610, %reduce_or3A_611 : f32
      %convert_element_type3A = arith.extui %reduce_or3A_612 : i1 to i32
      %cond3A = arith.constant 0 : i32
      %cond3A_613 = arith.cmpi ne, %convert_element_type3A, %cond3A : i32
      %cond3A_614:3 = scf.if %cond3A_613 -> (vector<16xf32>, vector<16xi32>, f32) {
        %mul3A_615 = arith.constant 16 : i32
        %mul3A_616 = arith.muli %scan3A_565, %mul3A_615 : i32
        %add3A_617 = vector.broadcast %mul3A_616 : i32 to vector<16xi32>
        %add3A_618 = arith.addi %add3A_617, %iota3A : vector<16xi32>
        %masked_sort3A = arith.constant dense<true> : vector<16xi1>
        %masked_sort3A_619, %masked_sort3A_620, %masked_sort3A_621 = tpu.sort %add3A_600, %add3A_618 masked %masked_sort3A {descending = true} : (vector<16xf32>, vector<16xi32>, vector<16xi1>) -> (vector<16xi1>, vector<16xf32>, vector<16xi32>)
        %le3A = arith.cmpf ole, %scan3A_566, %masked_sort3A_620 : vector<16xf32>
        %select_n3A_622 = arith.select %le3A, %scan3A_566, %masked_sort3A_620 : vector<16xi1>, vector<16xf32>
        %select_n3A_623 = arith.select %le3A, %scan3A_567, %masked_sort3A_621 : vector<16xi1>, vector<16xi32>
        %masked_sort3A_624 = arith.constant dense<true> : vector<16xi1>
        %masked_sort3A_625, %masked_sort3A_626, %masked_sort3A_627 = tpu.sort %select_n3A_622, %select_n3A_623 masked %masked_sort3A_624 : (vector<16xf32>, vector<16xi32>, vector<16xi1>) -> (vector<16xi1>, vector<16xf32>, vector<16xi32>)
        %slice3A_628 = vector.extract_strided_slice %masked_sort3A_626 {offsets = [3], sizes = [1], strides = [1]} : vector<16xf32> to vector<1xf32>
        %squeeze3A_629 = vector.extract %slice3A_628[0] : f32 from vector<1xf32>
        scf.yield %masked_sort3A_626, %masked_sort3A_627, %squeeze3A_629 : vector<16xf32>, vector<16xi32>, f32
      } else {
        scf.yield %scan3A_566, %scan3A_567, %scan3A_568 : vector<16xf32>, vector<16xi32>, f32
      }
      scf.yield %cond3A_614#0, %cond3A_614#1, %cond3A_614#2 : vector<16xf32>, vector<16xi32>, f32
    }
    %scan3A_514 = arith.constant 500 : i32
    %mul3A_515 = arith.constant 16 : i32
    %mul3A_516 = vector.broadcast %mul3A_515 : i32 to vector<16xi32>
    %mul3A_517 = arith.muli %iota3A, %mul3A_516 : vector<16xi32>
    %add3A_518 = arith.constant 14 : i32
    %add3A_519 = vector.broadcast %add3A_518 : i32 to vector<16xi32>
    %add3A_520 = arith.addi %mul3A_517, %add3A_519 : vector<16xi32>
    %lt3A_521 = arith.constant 4 : i32
    %lt3A_522 = vector.broadcast %lt3A_521 : i32 to vector<16xi32>
    %lt3A_523 = arith.cmpi slt, %iota3A, %lt3A_522 : vector<16xi32>
    tpu.vector_store_idx %arg8[%add3A_520], %scan3A_513#1 masked %lt3A_523 : memref<64xi32, #tpu.memory_space<vmem>>[vector<16xi32>], vector<16xi32>, vector<16xi1>
    %slice3A_524 = vector.extract_strided_slice %add3A_97 {offsets = [15], sizes = [1], strides = [1]} : vector<16xf32> to vector<1xf32>
    %squeeze3A_525 = vector.extract %slice3A_524[0] : f32 from vector<1xf32>
    %slice3A_526 = vector.extract_strided_slice %add3A_98 {offsets = [15], sizes = [1], strides = [1]} : vector<16xf32> to vector<1xf32>
    %squeeze3A_527 = vector.extract %slice3A_526[0] : f32 from vector<1xf32>
    %slice3A_528 = vector.extract_strided_slice %mul3A_102 {offsets = [15], sizes = [1], strides = [1]} : vector<16xf32> to vector<1xf32>
    %squeeze3A_529 = vector.extract %slice3A_528[0] : f32 from vector<1xf32>
    %slice3A_530 = vector.extract_strided_slice %mul3A_106 {offsets = [15], sizes = [1], strides = [1]} : vector<16xf32> to vector<1xf32>
    %squeeze3A_531 = vector.extract %slice3A_530[0] : f32 from vector<1xf32>
    %broadcast_in_dim3A_532 = arith.constant 0x7F800000 : f32
    %broadcast_in_dim3A_533 = vector.broadcast %broadcast_in_dim3A_532 : f32 to vector<16xf32>
    %broadcast_in_dim3A_534 = arith.constant 0 : i32
    %broadcast_in_dim3A_535 = vector.broadcast %broadcast_in_dim3A_534 : i32 to vector<16xi32>
    %scan3A_536 = arith.constant 0x7F800000 : f32
    %scan3A_537 = arith.constant 0 : i32
    %scan3A_538 = arith.constant 500 : i32
    %scan3A_539 = arith.addi %scan3A_537, %scan3A_538 : i32
    %scan3A_540 = arith.constant 1 : i32
    %scan3A_541:3 = scf.for %scan3A_565 = %scan3A_537 to %scan3A_539 step %scan3A_540 iter_args(%scan3A_566 = %broadcast_in_dim3A_533, %scan3A_567 = %broadcast_in_dim3A_535, %scan3A_568 = %scan3A_536) -> (vector<16xf32>, vector<16xi32>, f32)  : i32 {
      %mul3A_569 = arith.constant 16 : i32
      %mul3A_570 = arith.muli %scan3A_565, %mul3A_569 : i32
      %get3A_571 = arith.constant 0 : i32
      %get3A_572 = arith.index_cast %get3A_571 : i32 to index
      %get3A_573 = arith.index_cast %mul3A_570 : i32 to index
      %get3A_574 = tpu.vector_load %arg6[%get3A_572, %get3A_573] {strides = array<i32>} : memref<4x8000xf32, #tpu.memory_space<vmem>>, vector<16xf32>,
      %sub3A_575 = vector.broadcast %squeeze3A_525 : f32 to vector<16xf32>
      %sub3A_576 = arith.subf %get3A_574, %sub3A_575 : vector<16xf32>
      %abs3A = math.absf %sub3A_576 : vector<16xf32>
      %get3A_577 = arith.constant 1 : i32
      %get3A_578 = arith.index_cast %get3A_577 : i32 to index
      %get3A_579 = arith.index_cast %mul3A_570 : i32 to index
      %get3A_580 = tpu.vector_load %arg6[%get3A_578, %get3A_579] {strides = array<i32>} : memref<4x8000xf32, #tpu.memory_space<vmem>>, vector<16xf32>,
      %sub3A_581 = vector.broadcast %squeeze3A_527 : f32 to vector<16xf32>
      %sub3A_582 = arith.subf %get3A_580, %sub3A_581 : vector<16xf32>
      %abs3A_583 = math.absf %sub3A_582 : vector<16xf32>
      %add3A_584 = arith.addf %abs3A, %abs3A_583 : vector<16xf32>
      %get3A_585 = arith.constant 2 : i32
      %get3A_586 = arith.index_cast %get3A_585 : i32 to index
      %get3A_587 = arith.index_cast %mul3A_570 : i32 to index
      %get3A_588 = tpu.vector_load %arg6[%get3A_586, %get3A_587] {strides = array<i32>} : memref<4x8000xf32, #tpu.memory_space<vmem>>, vector<16xf32>,
      %sub3A_589 = vector.broadcast %squeeze3A_529 : f32 to vector<16xf32>
      %sub3A_590 = arith.subf %get3A_588, %sub3A_589 : vector<16xf32>
      %abs3A_591 = math.absf %sub3A_590 : vector<16xf32>
      %add3A_592 = arith.addf %add3A_584, %abs3A_591 : vector<16xf32>
      %get3A_593 = arith.constant 3 : i32
      %get3A_594 = arith.index_cast %get3A_593 : i32 to index
      %get3A_595 = arith.index_cast %mul3A_570 : i32 to index
      %get3A_596 = tpu.vector_load %arg6[%get3A_594, %get3A_595] {strides = array<i32>} : memref<4x8000xf32, #tpu.memory_space<vmem>>, vector<16xf32>,
      %sub3A_597 = vector.broadcast %squeeze3A_531 : f32 to vector<16xf32>
      %sub3A_598 = arith.subf %get3A_596, %sub3A_597 : vector<16xf32>
      %abs3A_599 = math.absf %sub3A_598 : vector<16xf32>
      %add3A_600 = arith.addf %add3A_592, %abs3A_599 : vector<16xf32>
      %lt3A_601 = vector.broadcast %scan3A_568 : f32 to vector<16xf32>
      %lt3A_602 = arith.cmpf olt, %add3A_600, %lt3A_601 : vector<16xf32>
      %reduce_or3A = arith.constant 1.000000e+00 : f32
      %reduce_or3A_603 = arith.constant 0.000000e+00 : f32
      %reduce_or3A_604 = vector.broadcast %reduce_or3A : f32 to vector<16xf32>
      %reduce_or3A_605 = vector.broadcast %reduce_or3A_603 : f32 to vector<16xf32>
      %reduce_or3A_606 = arith.select %lt3A_602, %reduce_or3A_604, %reduce_or3A_605 : vector<16xi1>, vector<16xf32>
      %reduce_or3A_607 = arith.constant true
      %reduce_or3A_608 = vector.broadcast %reduce_or3A_607 : i1 to vector<16xi1>
      %reduce_or3A_609 = tpu.scan <max>, %reduce_or3A_606 masked %reduce_or3A_608 : vector<16xf32>, vector<16xi1> -> vector<16xf32>
      %reduce_or3A_610 = vector.extract %reduce_or3A_609[15] : f32 from vector<16xf32>
      %reduce_or3A_611 = arith.constant 0.000000e+00 : f32
      %reduce_or3A_612 = arith.cmpf ogt, %reduce_or3A_610, %reduce_or3A_611 : f32
      %convert_element_type3A = arith.extui %reduce_or3A_612 : i1 to i32
      %cond3A = arith.constant 0 : i32
      %cond3A_613 = arith.cmpi ne, %convert_element_type3A, %cond3A : i32
      %cond3A_614:3 = scf.if %cond3A_613 -> (vector<16xf32>, vector<16xi32>, f32) {
        %mul3A_615 = arith.constant 16 : i32
        %mul3A_616 = arith.muli %scan3A_565, %mul3A_615 : i32
        %add3A_617 = vector.broadcast %mul3A_616 : i32 to vector<16xi32>
        %add3A_618 = arith.addi %add3A_617, %iota3A : vector<16xi32>
        %masked_sort3A = arith.constant dense<true> : vector<16xi1>
        %masked_sort3A_619, %masked_sort3A_620, %masked_sort3A_621 = tpu.sort %add3A_600, %add3A_618 masked %masked_sort3A {descending = true} : (vector<16xf32>, vector<16xi32>, vector<16xi1>) -> (vector<16xi1>, vector<16xf32>, vector<16xi32>)
        %le3A = arith.cmpf ole, %scan3A_566, %masked_sort3A_620 : vector<16xf32>
        %select_n3A_622 = arith.select %le3A, %scan3A_566, %masked_sort3A_620 : vector<16xi1>, vector<16xf32>
        %select_n3A_623 = arith.select %le3A, %scan3A_567, %masked_sort3A_621 : vector<16xi1>, vector<16xi32>
        %masked_sort3A_624 = arith.constant dense<true> : vector<16xi1>
        %masked_sort3A_625, %masked_sort3A_626, %masked_sort3A_627 = tpu.sort %select_n3A_622, %select_n3A_623 masked %masked_sort3A_624 : (vector<16xf32>, vector<16xi32>, vector<16xi1>) -> (vector<16xi1>, vector<16xf32>, vector<16xi32>)
        %slice3A_628 = vector.extract_strided_slice %masked_sort3A_626 {offsets = [3], sizes = [1], strides = [1]} : vector<16xf32> to vector<1xf32>
        %squeeze3A_629 = vector.extract %slice3A_628[0] : f32 from vector<1xf32>
        scf.yield %masked_sort3A_626, %masked_sort3A_627, %squeeze3A_629 : vector<16xf32>, vector<16xi32>, f32
      } else {
        scf.yield %scan3A_566, %scan3A_567, %scan3A_568 : vector<16xf32>, vector<16xi32>, f32
      }
      scf.yield %cond3A_614#0, %cond3A_614#1, %cond3A_614#2 : vector<16xf32>, vector<16xi32>, f32
    }
    %scan3A_542 = arith.constant 500 : i32
    %mul3A_543 = arith.constant 16 : i32
    %mul3A_544 = vector.broadcast %mul3A_543 : i32 to vector<16xi32>
    %mul3A_545 = arith.muli %iota3A, %mul3A_544 : vector<16xi32>
    %add3A_546 = arith.constant 15 : i32
    %add3A_547 = vector.broadcast %add3A_546 : i32 to vector<16xi32>
    %add3A_548 = arith.addi %mul3A_545, %add3A_547 : vector<16xi32>
    %lt3A_549 = arith.constant 4 : i32
    %lt3A_550 = vector.broadcast %lt3A_549 : i32 to vector<16xi32>
    %lt3A_551 = arith.cmpi slt, %iota3A, %lt3A_550 : vector<16xi32>
    tpu.vector_store_idx %arg8[%add3A_548], %scan3A_541#1 masked %lt3A_551 : memref<64xi32, #tpu.memory_space<vmem>>[vector<16xi32>], vector<16xi32>, vector<16xi1>
    %mul3A_552 = arith.constant 16 : i32
    %mul3A_553 = arith.muli %select_n3A_70, %mul3A_552 : i32
    %add3A_554 = vector.broadcast %mul3A_553 : i32 to vector<16xi32>
    %add3A_555 = arith.addi %iota3A, %add3A_554 : vector<16xi32>
    %swap3A = arith.constant 0 : index
    %swap3A_556 = tpu.vector_load %arg9[%swap3A] {strides = array<i32>} : memref<64xi32, #tpu.memory_space<vmem>>, vector<16xi32>,
    tpu.vector_store %arg9[%swap3A], %add3A_555 {strides = array<i32>} : memref<64xi32, #tpu.memory_space<vmem>>, vector<16xi32>,
    %swap3A_557 = arith.constant 16 : index
    %swap3A_558 = tpu.vector_load %arg9[%swap3A_557] {strides = array<i32>} : memref<64xi32, #tpu.memory_space<vmem>>, vector<16xi32>,
    tpu.vector_store %arg9[%swap3A_557], %add3A_555 {strides = array<i32>} : memref<64xi32, #tpu.memory_space<vmem>>, vector<16xi32>,
    %swap3A_559 = arith.constant 32 : index
    %swap3A_560 = tpu.vector_load %arg9[%swap3A_559] {strides = array<i32>} : memref<64xi32, #tpu.memory_space<vmem>>, vector<16xi32>,
    tpu.vector_store %arg9[%swap3A_559], %add3A_555 {strides = array<i32>} : memref<64xi32, #tpu.memory_space<vmem>>, vector<16xi32>,
    %swap3A_561 = arith.constant 48 : index
    %swap3A_562 = tpu.vector_load %arg9[%swap3A_561] {strides = array<i32>} : memref<64xi32, #tpu.memory_space<vmem>>, vector<16xi32>,
    tpu.vector_store %arg9[%swap3A_561], %add3A_555 {strides = array<i32>} : memref<64xi32, #tpu.memory_space<vmem>>, vector<16xi32>,
    %mul3A_563 = arith.constant 64 : i32
    %mul3A_564 = arith.muli %add3A, %mul3A_563 : i32
    "tpu.region"() ({
      %run_scoped3A = tpu.sem_alloc : memref<!tpu.dma_semaphore, #tpu.memory_space<semaphore_mem>>
      %dma_start3A = tpu.memref_slice %arg4[%mul3A_564] : memref<2048xi32, #tpu.memory_space<hbm>> -> memref<64xi32, #tpu.memory_space<hbm>>
      %dma_start3A_565 = tpu.memref_slice %arg4[%mul3A_564] : memref<2048xi32, #tpu.memory_space<hbm>> -> memref<64xi32, #tpu.memory_space<hbm>>
      tpu.enqueue_dma source(%arg8 : memref<64xi32, #tpu.memory_space<vmem>>) target(%dma_start3A_565 : memref<64xi32, #tpu.memory_space<hbm>>) target_semaphore(%run_scoped3A : memref<!tpu.dma_semaphore, #tpu.memory_space<semaphore_mem>>)
      %dma_wait3A = tpu.memref_slice %arg4[%mul3A_564] : memref<2048xi32, #tpu.memory_space<hbm>> -> memref<64xi32, #tpu.memory_space<hbm>>
      %dma_wait3A_566 = tpu.memref_slice %arg4[%mul3A_564] : memref<2048xi32, #tpu.memory_space<hbm>> -> memref<64xi32, #tpu.memory_space<hbm>>
      tpu.wait_dma2 semaphore(%run_scoped3A : memref<!tpu.dma_semaphore, #tpu.memory_space<semaphore_mem>>) src(%arg8 : memref<64xi32, #tpu.memory_space<vmem>>) dst(%dma_wait3A_566 : memref<64xi32, #tpu.memory_space<hbm>>)
      tpu.yield
    }) : () -> ()
    "tpu.region"() ({
      %run_scoped3A = tpu.sem_alloc : memref<!tpu.dma_semaphore, #tpu.memory_space<semaphore_mem>>
      %dma_start3A = tpu.memref_slice %arg5[%mul3A_564] : memref<2048xi32, #tpu.memory_space<hbm>> -> memref<64xi32, #tpu.memory_space<hbm>>
      %dma_start3A_565 = tpu.memref_slice %arg5[%mul3A_564] : memref<2048xi32, #tpu.memory_space<hbm>> -> memref<64xi32, #tpu.memory_space<hbm>>
      tpu.enqueue_dma source(%arg9 : memref<64xi32, #tpu.memory_space<vmem>>) target(%dma_start3A_565 : memref<64xi32, #tpu.memory_space<hbm>>) target_semaphore(%run_scoped3A : memref<!tpu.dma_semaphore, #tpu.memory_space<semaphore_mem>>)
      %dma_wait3A = tpu.memref_slice %arg5[%mul3A_564] : memref<2048xi32, #tpu.memory_space<hbm>> -> memref<64xi32, #tpu.memory_space<hbm>>
      %dma_wait3A_566 = tpu.memref_slice %arg5[%mul3A_564] : memref<2048xi32, #tpu.memory_space<hbm>> -> memref<64xi32, #tpu.memory_space<hbm>>
      tpu.wait_dma2 semaphore(%run_scoped3A : memref<!tpu.dma_semaphore, #tpu.memory_space<semaphore_mem>>) src(%arg9 : memref<64xi32, #tpu.memory_space<vmem>>) dst(%dma_wait3A_566 : memref<64xi32, #tpu.memory_space<hbm>>)
      tpu.yield
    }) : () -> ()
    return
  }
}

</mosaic_0001>

<sc_bundles>
// kernel: kernel.3.cloned.1.call-start
scs
__scs_entry_jumppad:
0x0: {  	(pc) =	sbr.rel $0x88, $3  }
0x1: {  	(tag) =	ssettag $0x0;
	lr =	simm.s32 $0x1  }
0x2: {  	[smem:$0x3F9D] =	sst lr;
	_ =	strace $0xD0000000  }
0x3: {  	_ = 	snop  }
0x4: {  	_ = 	snop  }
0x5: {  	_ = 	snop  }
0x6: {  	_ = 	snop  }
0x7: {  	_ = 	snop  }
__scs_overlays_trampoline_lowered:
0x8: {  	[smem:$0x3FAC] =	sst s0  }
0x9: {  	[smem:$0x3FAD] =	sst s1  }
0xa: {  	[smem:$0x3FAE] =	sst s2  }
0xb: {  	[smem:$0x3FAF] =	sst s3  }
0xc: {  	[smem:$0x3FB0] =	sst s4  }
0xd: {  	[smem:$0x3FB1] =	sst s5  }
0xe: {  	[smem:$0x3FB2] =	sst s6  }
0xf: {  	[smem:$0x3FB3] =	sst s7  }
0x10: {  	[smem:$0x3FB4] =	sst s8  }
0x11: {  	[smem:$0x3FB5] =	sst s9;
	s0 =	simm.s32 @!p0 $0x0  }
0x12: {  	s1 =	sld [smem:$0x3F9B];
	s0 =	simm.s32 @p0 $0x1  }
0x13: {  	[smem:$0x3FB6] =	sst s0;
	s0 =	simm.s32 @!p1 $0x0  }
0x14: {  	s2 =	sld [smem:$0x3F9A];
	s0 =	simm.s32 @p1 $0x1  }
0x15: {  	[smem:$0x3FB7] =	sst s0;
	s0 =	simm.s32 @!p2 $0x0  }
0x16: {  	s3 =	sld [smem:$0x3FDB];
	s0 =	simm.s32 @p2 $0x1  }
0x17: {  	s4 =	simm.s32 $0x1BF5;
	[smem:$0x3FB9] =	sst s0  }
0x18: {  	s0 =	sld [smem:$0x3F9C];
	_ =	swait.ge [sflag:s4], $0x0  }
0x19: {  	s7 =	sld [smem:$0x3F9D]  }
0x1a: {  	s8 =	sadd.s32 $0xFFFFE003, lr  }
0x1b: {  	s9 =	sadd.s32 $0xFFFFFEF7, lr;
	s5 =	simm.s32 $0xFFFFFFFF;
	p2 =	slt.u32 s8, $0xFFFFF086  }
0x1c: {  	p1 =	slt.u32 s9, $0xF7A;
	s5 =	simm.s32 @!p2 $0x0  }
0x1d: {  	s5 =	simm.s32 @p1 $0x1;
	p0 =	seq.s32 s7, s2  }
0x1e: {  	s7 =	smul.u32 @!p0 $0xF7A, s2;
	p2 =	seq.s32 @!p0 s5, $0x0  }
0x1f: {  	s9 =	smul.u32 $0xF7A, s1;
	s8 =	simm.s32 @!p0 $0x1BF5;
	p2 =	por !p2, p0  }
0x20: {  	[sflag:s8] =	ssyncset.s32 @!p0 $0xFFFFF086;
	s6 =	sadd.s32 @!p0 s3, s7;
	s7 =	simm.s32 @!p0 $0x108  }
0x21: {  	s3 =	sadd.s32 s3, s9;
	s6 =	sadd.s32 @!p0 $0x88, s6;
	s7 =	simm.s32 @p2 $0x1082  }
0x22: {  	[simem:s7], [sflag:s8] =	dma.local @!p0 [hbm:s6], $0xF7A  }
0x23: {  	s9 =	sor.u32 $0xD0000000, s2;
	s6 =	simm.s32 $0x108;
	_ =	swait.ge @!p0 [sflag:s8], $0x0  }
0x24: {  	s3 =	sadd.s32 $0x88, s3;
	s6 =	simm.s32 @!p1 $0x1082;
	[sflag:s4] =	ssyncset.s32 $0xFFFFF086  }
0x25: {  	[simem:s6], [sflag:s4] =	dma.local [hbm:s3], $0xF7A  }
0x26: {  	[smem:$0x3F9D] =	sst s1;
	(tag) =	ssettag s2;
	_ =	strace s9  }
0x27: {  	s1 =	sld [smem:$0x3FAD]  }
0x28: {  	s2 =	sld [smem:$0x3FAE]  }
0x29: {  	s4 =	sld [smem:$0x3FB0]  }
0x2a: {  	p0 =	seq.s32 s5, $0x0;
	s5 =	sld [smem:$0x3FB1]  }
0x2b: {  	s6 =	sld [smem:$0x3FB2]  }
0x2c: {  	s7 =	sld [smem:$0x3FB3]  }
0x2d: {  	s3 =	simm.s32 $0x108;
	s8 =	sld [smem:$0x3FB4]  }
0x2e: {  	s3 =	simm.s32 @!p0 $0x1082;
	s9 =	sld [smem:$0x3FB5]  }
0x2f: {  	lr =	sadd.s32 s0, s3;
	s0 =	sld [smem:$0x3FAC]  }
0x30: {  	s3 =	sld [smem:$0x3FAF]  }
0x31: {  	[smem:$0x3FB8] =	sst s10  }
0x32: {  	s10 =	sld [smem:$0x3FB6];
	_ =	sdelay $0x3  }
0x33: {  	p0 =	seq.s32 s10, $0x1;
	s10 =	sld [smem:$0x3FB8];
	_ =	sdelay $0x3  }
0x34: {  	[smem:$0x3FB8] =	sst s10  }
0x35: {  	s10 =	sld [smem:$0x3FB7];
	_ =	sdelay $0x3  }
0x36: {  	p1 =	seq.s32 s10, $0x1;
	s10 =	sld [smem:$0x3FB8];
	_ =	sdelay $0x3  }
0x37: {  	[smem:$0x3FB8] =	sst s10  }
0x38: {  	s10 =	sld [smem:$0x3FB9]  }
0x39: {  	_ = 	snop;
	(pc) =	sbr.ind lr, $3  }
0x3a: {  	_ = 	snop  }
0x3b: {  	_ = 	snop  }
0x3c: {  	p2 =	seq.s32 s10, $0x1;
	s10 =	sld [smem:$0x3FB8]  }
0x3d: {  	_ =	shalt  }
0x3e: {  	_ =	shalt  }
0x3f: {  	_ =	shalt  }
0x40: {  	_ =	shalt  }
0x41: {  	_ =	shalt  }
0x42: {  	_ =	shalt  }
0x43: {  	_ =	shalt  }
0x44: {  	_ =	shalt  }
0x45: {  	_ =	shalt  }
0x46: {  	_ =	shalt  }
0x47: {  	_ =	shalt  }
0x48: {  	_ =	shalt  }
0x49: {  	_ =	shalt  }
0x4a: {  	_ =	shalt  }
0x4b: {  	_ =	shalt  }
0x4c: {  	_ =	shalt  }
0x4d: {  	_ =	shalt  }
0x4e: {  	_ =	shalt  }
0x4f: {  	_ =	shalt  }
0x50: {  	_ =	shalt  }
0x51: {  	_ =	shalt  }
0x52: {  	_ =	shalt  }
0x53: {  	_ =	shalt  }
0x54: {  	_ =	shalt  }
0x55: {  	_ =	shalt  }
0x56: {  	_ =	shalt  }
0x57: {  	_ =	shalt  }
0x58: {  	_ =	shalt  }
0x59: {  	_ =	shalt  }
0x5a: {  	_ =	shalt  }
0x5b: {  	_ =	shalt  }
0x5c: {  	_ =	shalt  }
0x5d: {  	_ =	shalt  }
0x5e: {  	_ =	shalt  }
0x5f: {  	_ =	shalt  }
0x60: {  	_ =	shalt  }
0x61: {  	_ =	shalt  }
0x62: {  	_ =	shalt  }
0x63: {  	_ =	shalt  }
0x64: {  	_ =	shalt  }
0x65: {  	_ =	shalt  }
0x66: {  	_ =	shalt  }
0x67: {  	_ =	shalt  }
0x68: {  	_ =	shalt  }
0x69: {  	_ =	shalt  }
0x6a: {  	_ =	shalt  }
0x6b: {  	_ =	shalt  }
0x6c: {  	_ =	shalt  }
0x6d: {  	_ =	shalt  }
0x6e: {  	_ =	shalt  }
0x6f: {  	_ =	shalt  }
0x70: {  	_ =	shalt  }
0x71: {  	_ =	shalt  }
0x72: {  	_ =	shalt  }
0x73: {  	_ =	shalt  }
0x74: {  	_ =	shalt  }
0x75: {  	_ =	shalt  }
0x76: {  	_ =	shalt  }
0x77: {  	_ =	shalt  }
0x78: {  	_ =	shalt  }
0x79: {  	_ =	shalt  }
0x7a: {  	_ =	shalt  }
0x7b: {  	_ =	shalt  }
0x7c: {  	_ =	shalt  }
0x7d: {  	_ =	shalt  }
0x7e: {  	_ =	shalt  }
0x7f: {  	_ =	shalt  }
0x80: {  	_ =	shalt  }
0x81: {  	_ =	shalt  }
0x82: {  	_ =	shalt  }
0x83: {  	_ =	shalt  }
0x84: {  	_ =	shalt  }
0x85: {  	_ =	shalt  }
0x86: {  	_ =	shalt  }
0x87: {  	_ =	shalt  }
.Lfunc_end0:
.L_simem_size_0:
called_computation_lowered:
.L_overlay_start_0:
0x88: {  	s2 =	sld [smem:$0x3FD9]  }
0x89: {  	s3 =	sld [smem:$0x3FFE];
	_ =	sdelay $0x1  }
0x8a: {  	s1 =	srdreg.scid  }
0x8b: {  	s0 =	sand.u32 $0x1, s1  }
0x8c: {  	s14 =	sshll.u32 s0, $0xA;
	s2 =	sadd.s32 s3, s2  }
0x8d: {  	s2 =	sadd.s32 s2, s14  }
0x8e: {  	[smem:$0x3FC4] =	sst s2  }
0x8f: {  	_ = 	snop  }
0x90: {  	s2 =	sld [smem:$0x3FD0];
	_ =	sdelay $0x2  }
0x91: {  	s15 =	simm.s32 $0xA;
	s4 =	simm.s32 $0x10  }
0x92: {  	[smem:s4], [sflag:s15] =	dma.local [hbm:s2], $0x1  }
0x93: {  	_ =	swait.eq [sflag:s15], $0x1  }
0x94: {  	[sflag:s15] =	ssyncset.done $0x0  }
0x95: {  	[sflag:s15] =	ssyncadd.s32 $0xFFFFFFFF  }
0x96: {  	s16 =	sld [smem:$0x11];
	(tm) =	ssettm $0x1  }
0x97: {  	s17 =	sld [smem:$0x3FFB];
	_ =	sdelay $0x3  }
0x98: {  	_ =	strace s17  }
0x99: {  	s3 =	sld [smem:$0x3FFC];
	_ =	sdelay $0x3  }
0x9a: {  	_ =	strace s3  }
0x9b: {  	s3 =	sld [smem:$0x3FFD];
	_ =	sdelay $0x3  }
0x9c: {  	_ =	strace s3  }
0x9d: {  	_ =	strace $0x8FFFFFFF  }
0x9e: {  	s18 =	sld [smem:$0x3FDB];
	_ =	sdelay $0x1  }
0x9f: {  	s19 =	simm.s32 $_scs_section_size  }
0xa0: {  	s5 =	simm.s32 $_size__tile_overlayer_lowered;
	s6 =	simm.s32 $_tile_overlayer_lowered  }
0xa1: {  	s22 =	simm.s32 $0x1BFF;
	s21 =	sshll.u32 s6, $0x1;
	s3 =	sadd.s32 s19, s18  }
0xa2: {  	s7 =	simm.s32 $0x0;
	s20 =	sshll.u32 s5, $0x1;
	s5 =	sadd.s32 s21, s3  }
0xa3: {  	[timem:s7], [sflag:s22] =	dma.local [hbm:s5], s20  }
0xa4: {  	_ =	swait.ge [sflag:s22], s20  }
0xa5: {  	s4 =	ssub.s32 $0x0, s20;
	[sflag:s22] =	ssyncset.done $0x0  }
0xa6: {  	[sflag:s22] =	ssyncadd.s32 s4;
	_ =	sdelay $0x1  }
0xa7: {  	s23 =	simm.s32 $0x1B8B  }
0xa8: {  	_ =	swait.ge [sflag:s23], $0x1  }
0xa9: {  	[sflag:s23] =	ssyncset.done $0x0  }
0xaa: {  	s25 =	simm.s32 $0x1B8E;
	s24 =	sld [smem:$0x3FFE];
	[sflag:s23] =	ssyncadd.s32 $0xFFFFFFFF  }
0xab: {  	s26 =	simm.s32 $execute0_lowered;
	[smem:$0x3FD2] =	sst s25  }
0xac: {  	s5 =	sshll.u32 s26, $0x1;
	_ =	strace $0x80000046;
	[dreg:$0x1] =	wrdreg $0xFFFFFFFF  }
0xad: {  	s28 =	simm.s32 $_size_execute0_lowered;
	s3 =	sadd.s32 s3, s5;
	[dreg:$0x0] =	wrdreg $0x0  }
0xae: {  	s5 =	sshll.u32 s28, $0x1;
	[dreg:$0x2] =	wrdreg s3  }
0xaf: {  	[dreg:$0x3] =	wrdreg s5  }
0xb0: {  	[dreg:$0x4] =	wrdreg $0xC0  }
0xb1: {  	_ =	task [dreg:s7], $0x5FFFF  }
0xb2: {  	[dreg:$0x1] =	wrdreg $0xFFFFFFFF  }
0xb3: {  	[dreg:$0x0] =	wrdreg $0x60  }
0xb4: {  	[dreg:$0x2] =	wrdreg s24  }
0xb5: {  	[dreg:$0x3] =	wrdreg s16  }
0xb6: {  	[dreg:$0x4] =	wrdreg $0x9  }
0xb7: {  	_ =	task.clear_ibuf [dreg:s7], $0x5FFFF;
	_ =	strace $0x90000046  }
0xb8: {  	s29 =	simm.s32 $0x9;
	_ =	strace $0x80000048  }
0xb9: {  	_ =	swait.ge [sflag:s29], $0x1  }
0xba: {  	[sflag:s29] =	ssyncadd.s32 $0xFFFFFFFF  }
0xbb: {  	_ =	strace $0x90000048  }
0xbc: {  	_ =	sfence  }
0xbd: {  	s30 =	sld [smem:$0x0];
	_ =	sdelay $0x2  }
0xbe: {  	s31 =	sshll.u32 s1, $0xD;
	s1 =	sshrl.u32 s1, $0x2  }
0xbf: {  	s3 =	sand.u32 $0x4000, s31;
	s1 =	sadd.s32 s1, s30  }
0xc0: {  	s0 =	sor.u32 s3, s0;
	s1 =	sshll.u32 s1, $0x11  }
0xc1: {  	s0 =	sor.u32 s1, s0  }
0xc2: {  	s0 =	sadd.s32 $0x8F2B, s0  }
0xc3: {  	[sflag:s0] =	ssyncadd.remote.s32 $0x1  }
0xc4: {  	_ =	sfence.sel $0xFFFF  }
0xc5: {  	[dreg:$0x0] =	wrdreg $0xFFFFFFFF;
	(pc) =	sbr.abs _section_cstart, $3  }
0xc6: {  	[dreg:$0x1] =	wrdreg $0xFFFFFFFF  }
0xc7: {  	_ =	task.clear_ibuf [dreg:s7], $0x2FFFF;
	_ =	strace $0x9FFFFFFF  }
0xc8: {  	(tm) =	ssettm $0x7FFFFFFF  }
0xc9: {  	_ =	shalt  }
tec
execute0_lowered:
.L_overlay_start_1:
0x0: {  	(tag) =	ssettag $0x1  }
0x1: {  	s3 =	rddreg [dreg:$0x0]  }
0x2: {  	s5 =	rddreg [dreg:$0x1]  }
0x3: {  	s0 =	rddreg [dreg:$0x2]  }
0x4: {  	s2 =	simm.s32 $0x0;
	s1 =	stileid.u32;
	s6 =	srdreg.scid  }
0x5: {  	s11 =	simm.s32 $0x8080;
	s12 =	simm.s32 $0x0;
	[smem:$0x7FF] =	sst s2  }
0x6: {  	s4 =	smul.u32 $0xFC0, s1;
	s6 =	sand.u32 $0x1, s6;
	s7 =	sand.u32 $0xE, s1  }
0x7: {  	s8 =	sshll.u32 s1, $0x4;
	_ =	strace $0x80000047;
	s7 =	sor.u32 s6, s7  }
0x8: {  	s9 =	sshll.u32 s6, $0x3;
	s29 =	ssub.s32 $0x2, s6;
	s31 =	sshll.u32 s6, $0x4  }
0x9: {  	s4 =	sadd.s32 s4, s3;
	s7 =	sshll.u32 s7, $0x6;
	s8 =	sor.u32 s9, s8  }
0xa: {  	v1 =	vlaneseq.u32;
	s30 =	sshrl.u32 s29, $0x1;
	s7 =	sadd.s32 s7, s3;
	s10 =	sadd.s32 s8, s3  }
0xb: {  	v0 =	vmul.u32 $0x10, v1;
	s9 =	ssub.s32 s29, s30;
	s3 =	sadd.s32 $0xC00, s4;
	s5 =	sadd.s32 s5, s8  }
0xc: {  	v2 =	vimm.f32 $0.0e+00;
	v1 =	vor.u32 s31, v1;
	s8 =	simm.s32 $0x1;
	s4 =	sadd.s32 $0x10800, s7;
	s6 =	sadd.s32 $0x10C00, s10  }
0xd: {  	v3 =	vor.u32 $0x1, v0;
	v4 =	vor.u32 $0x2, v0;
	v5 =	vor.u32 $0x3, v0;
	s7 =	smax.u32 s9, $0x1;
	s9 =	simm.s32 $0x7E00;
	s10 =	simm.s32 $0x8000  }
.LBB2_1:
0xe: {  	[tilespmem:s2], [sflag:$0x1] =	stream.linear.gather [hbm4b:s3+s2], $0x7E00, $0x38;
	[tilespmem:$0x8100] =	vst v63  }
0xf: {  	_ =	swait.ge [sflag:s8], $0x7E00  }
0x10: {  	[sflag:s8] =	ssyncset.done $0x0  }
0x11: {  	[sflag:s8] =	ssyncadd.s32 $0xFFFF8200  }
0x12: {  	[tilespmem:s9], [sflag:$0x1] =	stream.linear.gather [hbm4b:s4+s2], $0x200, $0x38;
	[tilespmem:$0x8100] =	vst v63  }
0x13: {  	_ =	swait.ge [sflag:s8], $0x200  }
0x14: {  	s13 =	sand.u32 $0x70, s2;
	s14 =	sand.u32 $0x7E00, s2;
	[sflag:s8] =	ssyncset.done $0x0  }
0x15: {  	s13 =	sor.u32 s13, s14;
	[sflag:s8] =	ssyncadd.s32 $0xFFFFFE00  }
0x16: {  	v8 =	vld [tilespmem:s13+$0x80]  }
0x17: {  	v9 =	vld [tilespmem:s13+$0x180]  }
0x18: {  	v6 =	vld [tilespmem:s13+$0x0]  }
0x19: {  	v7 =	vld [tilespmem:s13+$0x100];
	_ =	sdelay $0x2  }
0x1a: {  	v10 =	vadd.f32 v9, v8;
	v9 =	vsub.f32 v9, v8  }
0x1b: {  	s16 =	simm.s32 $0x10;
	s14 =	simm.s32 $0x40  }
0x1c: {  	s15 =	simm.s32 $0x20;
	s16 =	sand.u32 $0x70, s16;
	s17 =	sand.u32 $0x7E00, s14;
	v8 =	vsub.f32 v7, v6;
	[tilespmem:s13+$0x80] =	vst v10;
	v9 =	vadd.f32 v9, v9  }
.LBB2_2:
0x1d: {  	p0 =	sne.s32 s15, $0x1F30  }
0x1e: {  	s16 =	sor.u32 s16, s17;
	v6 =	vadd.f32 v7, v6;
	s17 =	smov.u32 s15;
	s15 =	sadd.s32 $0x10, s15  }
0x1f: {  	v10 =	vld [tilespmem:s16+$0x80];
	v7 =	vadd.f32 v8, v8;
	[tilespmem:s13+$0x180] =	vst v9  }
0x20: {  	v8 =	vld [tilespmem:s16+$0x180];
	[tilespmem:s13+$0x0] =	vst v6  }
0x21: {  	v6 =	vld [tilespmem:s16+$0x0];
	[tilespmem:s13+$0x100] =	vst v7;
	s13 =	smov.u32 s16  }
0x22: {  	v7 =	vld [tilespmem:s13+$0x100]  }
.Ltmp0:
0x23: {  	(pc) =	sbr.rel @p0 .LBB2_2-.Ltmp0, $4  }
0x24: {  	_ = 	snop  }
0x25: {  	v9 =	vadd.f32 v8, v10;
	v10 =	vsub.f32 v8, v10  }
0x26: {  	s14 =	sadd.s32 $0x40, s14  }
0x27: {  	s16 =	sand.u32 $0x70, s17;
	s17 =	sand.u32 $0x7E00, s14;
	[tilespmem:s13+$0x80] =	vst v9;
	v8 =	vsub.f32 v7, v6;
	v9 =	vadd.f32 v10, v10  }
0x28: {  	s14 =	sor.u32 s16, s17;
	v6 =	vadd.f32 v7, v6  }
0x29: {  	v7 =	vld [tilespmem:s14+$0x80];
	v8 =	vadd.f32 v8, v8;
	[tilespmem:s13+$0x180] =	vst v9  }
0x2a: {  	v9 =	vld [tilespmem:s14+$0x180];
	[tilespmem:s13+$0x0] =	vst v6  }
0x2b: {  	v6 =	vld [tilespmem:s14+$0x0];
	[tilespmem:s13+$0x100] =	vst v8  }
0x2c: {  	v8 =	vld [tilespmem:s14+$0x100];
	_ =	sdelay $0x2  }
0x2d: {  	v10 =	vsub.f32 v9, v7  }
0x2e: {  	v7 =	vadd.f32 v9, v7  }
0x2f: {  	v9 =	vsub.f32 v8, v6;
	v10 =	vadd.f32 v10, v10  }
0x30: {  	[tilespmem:s14+$0x80] =	vst v7;
	v6 =	vadd.f32 v8, v6  }
0x31: {  	v7 =	vadd.f32 v9, v9;
	[tilespmem:s14+$0x180] =	vst v10  }
0x32: {  	[tilespmem:s14+$0x0] =	vst v6  }
0x33: {  	[tilespmem:s14+$0x100] =	vst v7  }
0x34: {  	v8 =	vld [tilespmem:$0x7E00]  }
0x35: {  	v9 =	vld [tilespmem:$0x7E80]  }
0x36: {  	v10 =	vld [tilespmem:$0x7F00]  }
0x37: {  	s14 =	simm.s32 $0x0;
	v11 =	vld [tilespmem:$0x7F80]  }
0x38: {  	s30 =	sand.u32 $0x70, s14;
	s15 =	sand.u32 $0x7E00, s14  }
0x39: {  	s13 =	sor.u32 s30, s15  }
0x3a: {  	v13 =	vld [tilespmem:s13+$0x0]  }
0x3b: {  	v14 =	vld [tilespmem:s13+$0x80];
	v6 =	vadd.f32 v10, v8  }
0x3c: {  	v7 =	vadd.f32 v11, v9;
	v8 =	vsub.f32 v10, v8  }
0x3d: {  	v15 =	vld [tilespmem:s13+$0x100];
	v9 =	vsub.f32 v11, v9  }
0x3e: {  	v8 =	vadd.f32 v8, v8;
	v10 =	vbroadcast v6, $0x0;
	v11 =	vbroadcast v7, $0x0  }
0x3f: {  	v16 =	vld [tilespmem:s13+$0x180];
	v9 =	vadd.f32 v9, v9  }
0x40: {  	v12 =	vbroadcast v8, $0x0;
	v17 =	vsub.f32 v13, v10;
	v14 =	vsub.f32 v14, v11  }
0x41: {  	v13 =	vbroadcast v9, $0x0  }
0x42: {  	v17 =	vand.u32 $0x7FFFFFFF, v17;
	v14 =	vand.u32 $0x7FFFFFFF, v14;
	v15 =	vsub.f32 v15, v12  }
0x43: {  	v14 =	vadd.f32 v14, v17  }
0x44: {  	v16 =	vsub.f32 v16, v13;
	v15 =	vand.u32 $0x7FFFFFFF, v15  }
0x45: {  	v14 =	vadd.f32 v15, v14  }
0x46: {  	v15 =	vand.u32 $0x7FFFFFFF, v16  }
0x47: {  	v14 =	vadd.f32 v15, v14  }
0x48: {  	s13 =	simm.f32 $+Inf  }
0x49: {  	vm0 =	vlt.f32 v14, s13  }
0x4a: {  	v15 =	vsel vm0, $0x3F800000, v2  }
0x4b: {  	(xrf0) =	vmax.scan.msk.f32 $0xffff, v15;
	_ =	sdelay $0x5  }
0x4c: {  	v15, _, _ =	vpop (xrf0)  }
0x4d: {  	(v2sf) =	vpush v15, $0xF;
	_ =	sdelay $0xe  }
0x4e: {  	s31 =	spop (v2sf)  }
0x4f: {  	p0 =	sgt.f32 s31, $0.0e+00;
	_ =	sdelay $0x1  }
0x50: {  	v15 =	vlaneseq.u32 @p0  }
0x51: {  	v15 =	vor.u32 @p0 s14, v15  }
0x52: {  	(xrf1) =	vsort.dscd.msk.f32 @p0 $0xffff, v14, v15;
	_ =	sdelay $0xd  }
0x53: {  	v15 =	vimm.f32 $+Inf;
	v16, v17, _ =	vpop @p0 (xrf1)  }
0x54: {  	v14 =	vimm.s32 $0x0;
	vm0 =	vle.f32 @p0 v15, v16  }
0x55: {  	v16 =	vsel @p0 vm0, v15, v16;
	v17 =	vsel @p0 vm0, v14, v17  }
0x56: {  	(xrf1) =	vsort.ascd.msk.f32 @p0 $0xffff, v16, v17;
	_ =	sdelay $0xd  }
0x57: {  	s15 =	simm.s32 $0x40;
	s14 =	simm.s32 $0x10;
	v16, v17, _ =	vpop @p0 (xrf1)  }
.LBB2_4:
0x58: {  	s17 =	sand.u32 $0x70, s14;
	s18 =	sand.u32 $0x7E00, s15;
	v15 =	vpsel p0, v16, v15;
	v14 =	vpsel p0, v17, v14;
	(v2sf) =	vpush @p0 v16, $0x3;
	s16 =	smov.u32 s14  }
0x59: {  	s14 =	sadd.s32 $0x10, s14;
	s17 =	sor.u32 s17, s18  }
0x5a: {  	p1 =	sne.s32 s14, $0x1F40;
	v16 =	vld [tilespmem:s17+$0x0]  }
0x5b: {  	v17 =	vld [tilespmem:s17+$0x80];
	_ =	sdelay $0x1  }
0x5c: {  	v18 =	vld [tilespmem:s17+$0x100];
	_ =	sdelay $0x1  }
0x5d: {  	v19 =	vld [tilespmem:s17+$0x180]  }
0x5e: {  	v16 =	vsub.f32 v16, v10;
	v17 =	vsub.f32 v17, v11;
	_ =	sdelay $0x1  }
0x5f: {  	v16 =	vand.u32 $0x7FFFFFFF, v16;
	v17 =	vand.u32 $0x7FFFFFFF, v17;
	v18 =	vsub.f32 v18, v12  }
0x60: {  	v16 =	vadd.f32 v17, v16  }
0x61: {  	v17 =	vand.u32 $0x7FFFFFFF, v18;
	v18 =	vsub.f32 v19, v13  }
0x62: {  	v16 =	vadd.f32 v17, v16  }
0x63: {  	v17 =	vand.u32 $0x7FFFFFFF, v18  }
0x64: {  	v16 =	vadd.f32 v17, v16;
	s17 =	spop @p0 (v2sf)  }
0x65: {  	s13 =	smov.u32 @p0 s17  }
0x66: {  	vm0 =	vlt.f32 v16, s13  }
0x67: {  	v17 =	vsel vm0, $0x3F800000, v2  }
0x68: {  	(xrf0) =	vmax.scan.msk.f32 $0xffff, v17;
	_ =	sdelay $0x5  }
0x69: {  	v17, _, _ =	vpop (xrf0)  }
0x6a: {  	(v2sf) =	vpush v17, $0xF;
	_ =	sdelay $0xe  }
0x6b: {  	s17 =	spop (v2sf)  }
0x6c: {  	p0 =	sgt.f32 s17, $0.0e+00;
	_ =	sdelay $0x1  }
0x6d: {  	v17 =	vlaneseq.u32 @p0  }
0x6e: {  	v17 =	vor.u32 @p0 s16, v17  }
0x6f: {  	(xrf1) =	vsort.dscd.msk.f32 @p0 $0xffff, v16, v17;
	_ =	sdelay $0xd  }
0x70: {  	v16, v17, _ =	vpop @p0 (xrf1)  }
0x71: {  	vm0 =	vle.f32 @p0 v15, v16  }
0x72: {  	v16 =	vsel @p0 vm0, v15, v16;
	v17 =	vsel @p0 vm0, v14, v17  }
0x73: {  	(xrf1) =	vsort.ascd.msk.f32 @p0 $0xffff, v16, v17;
	_ =	sdelay $0x9  }
.Ltmp1:
0x74: {  	(pc) =	sbr.rel @p1 .LBB2_4-.Ltmp1, $2  }
0x75: {  	_ =	sdelay $0x2  }
0x76: {  	s15 =	sadd.s32 $0x40, s15;
	v16, v17, _ =	vpop @p0 (xrf1)  }
0x77: {  	_ =	sdelay $0x1  }
0x78: {  	s14 =	simm.s32 $0x0  }
0x79: {  	v10 =	vpsel p0, v17, v14;
	s13 =	sand.u32 $0x70, s14;
	s15 =	sand.u32 $0x7E00, s14  }
0x7a: {  	[tilespmem:v0+s10+$0x0] =	vst.idx.msk $0xf, v10;
	s13 =	sor.u32 s13, s15  }
0x7b: {  	v13 =	vld [tilespmem:s13+$0x0]  }
0x7c: {  	v14 =	vld [tilespmem:s13+$0x80];
	_ =	sdelay $0x1  }
0x7d: {  	v15 =	vld [tilespmem:s13+$0x100]  }
0x7e: {  	v11 =	vbroadcast v7, $0x1;
	v10 =	vbroadcast v6, $0x1  }
0x7f: {  	v17 =	vld [tilespmem:s13+$0x180]  }
0x80: {  	v12 =	vbroadcast v8, $0x1;
	v18 =	vsub.f32 v13, v10;
	v14 =	vsub.f32 v14, v11  }
0x81: {  	v13 =	vbroadcast v9, $0x1  }
0x82: {  	v15 =	vsub.f32 v15, v12;
	v18 =	vand.u32 $0x7FFFFFFF, v18;
	v14 =	vand.u32 $0x7FFFFFFF, v14  }
0x83: {  	v14 =	vadd.f32 v14, v18  }
0x84: {  	v15 =	vand.u32 $0x7FFFFFFF, v15;
	v17 =	vsub.f32 v17, v13  }
0x85: {  	v14 =	vadd.f32 v15, v14  }
0x86: {  	v15 =	vand.u32 $0x7FFFFFFF, v17  }
0x87: {  	v14 =	vadd.f32 v15, v14  }
0x88: {  	s13 =	simm.f32 $+Inf  }
0x89: {  	vm0 =	vlt.f32 v14, s13  }
0x8a: {  	v15 =	vsel vm0, $0x3F800000, v2  }
0x8b: {  	(xrf0) =	vmax.scan.msk.f32 $0xffff, v15;
	_ =	sdelay $0x5  }
0x8c: {  	(v2sf) =	vpush @p0 v16, $0x3;
	v15, _, _ =	vpop (xrf0)  }
0x8d: {  	(v2sf) =	vpush v15, $0xF;
	_ =	sdelay $0xd  }
0x8e: {  	s15 =	spop @p0 (v2sf)  }
0x8f: {  	s15 =	spop (v2sf)  }
0x90: {  	p0 =	sgt.f32 s15, $0.0e+00;
	_ =	sdelay $0x1  }
0x91: {  	v15 =	vlaneseq.u32 @p0  }
0x92: {  	v15 =	vor.u32 @p0 s14, v15  }
0x93: {  	(xrf1) =	vsort.dscd.msk.f32 @p0 $0xffff, v14, v15;
	_ =	sdelay $0xd  }
0x94: {  	v15 =	vimm.f32 $+Inf;
	v16, v17, _ =	vpop @p0 (xrf1)  }
0x95: {  	v14 =	vimm.s32 $0x0;
	vm0 =	vle.f32 @p0 v15, v16  }
0x96: {  	v16 =	vsel @p0 vm0, v15, v16;
	v17 =	vsel @p0 vm0, v14, v17  }
0x97: {  	(xrf1) =	vsort.ascd.msk.f32 @p0 $0xffff, v16, v17;
	_ =	sdelay $0xd  }
0x98: {  	s15 =	simm.s32 $0x40;
	s14 =	simm.s32 $0x10;
	v16, v17, _ =	vpop @p0 (xrf1)  }
.LBB2_6:
0x99: {  	s17 =	sand.u32 $0x70, s14;
	s18 =	sand.u32 $0x7E00, s15;
	v15 =	vpsel p0, v16, v15;
	v14 =	vpsel p0, v17, v14;
	(v2sf) =	vpush @p0 v16, $0x3;
	s16 =	smov.u32 s14  }
0x9a: {  	s14 =	sadd.s32 $0x10, s14;
	s17 =	sor.u32 s17, s18  }
0x9b: {  	p1 =	sne.s32 s14, $0x1F40;
	v16 =	vld [tilespmem:s17+$0x0]  }
0x9c: {  	v17 =	vld [tilespmem:s17+$0x80];
	_ =	sdelay $0x1  }
0x9d: {  	v18 =	vld [tilespmem:s17+$0x100];
	_ =	sdelay $0x1  }
0x9e: {  	v19 =	vld [tilespmem:s17+$0x180]  }
0x9f: {  	v16 =	vsub.f32 v16, v10;
	v17 =	vsub.f32 v17, v11;
	_ =	sdelay $0x1  }
0xa0: {  	v16 =	vand.u32 $0x7FFFFFFF, v16;
	v17 =	vand.u32 $0x7FFFFFFF, v17;
	v18 =	vsub.f32 v18, v12  }
0xa1: {  	v16 =	vadd.f32 v17, v16  }
0xa2: {  	v17 =	vand.u32 $0x7FFFFFFF, v18;
	v18 =	vsub.f32 v19, v13  }
0xa3: {  	v16 =	vadd.f32 v17, v16  }
0xa4: {  	v17 =	vand.u32 $0x7FFFFFFF, v18  }
0xa5: {  	v16 =	vadd.f32 v17, v16;
	s17 =	spop @p0 (v2sf)  }
0xa6: {  	s13 =	smov.u32 @p0 s17  }
0xa7: {  	vm0 =	vlt.f32 v16, s13  }
0xa8: {  	v17 =	vsel vm0, $0x3F800000, v2  }
0xa9: {  	(xrf0) =	vmax.scan.msk.f32 $0xffff, v17;
	_ =	sdelay $0x5  }
0xaa: {  	v17, _, _ =	vpop (xrf0)  }
0xab: {  	(v2sf) =	vpush v17, $0xF;
	_ =	sdelay $0xe  }
0xac: {  	s17 =	spop (v2sf)  }
0xad: {  	p0 =	sgt.f32 s17, $0.0e+00;
	_ =	sdelay $0x1  }
0xae: {  	v17 =	vlaneseq.u32 @p0  }
0xaf: {  	v17 =	vor.u32 @p0 s16, v17  }
0xb0: {  	(xrf1) =	vsort.dscd.msk.f32 @p0 $0xffff, v16, v17;
	_ =	sdelay $0xd  }
0xb1: {  	v16, v17, _ =	vpop @p0 (xrf1)  }
0xb2: {  	vm0 =	vle.f32 @p0 v15, v16  }
0xb3: {  	v16 =	vsel @p0 vm0, v15, v16;
	v17 =	vsel @p0 vm0, v14, v17  }
0xb4: {  	(xrf1) =	vsort.ascd.msk.f32 @p0 $0xffff, v16, v17;
	_ =	sdelay $0x9  }
.Ltmp2:
0xb5: {  	(pc) =	sbr.rel @p1 .LBB2_6-.Ltmp2, $2  }
0xb6: {  	_ =	sdelay $0x2  }
0xb7: {  	s15 =	sadd.s32 $0x40, s15;
	v16, v17, _ =	vpop @p0 (xrf1)  }
0xb8: {  	_ =	sdelay $0x1  }
0xb9: {  	s14 =	simm.s32 $0x0  }
0xba: {  	v10 =	vpsel p0, v17, v14;
	s13 =	sand.u32 $0x70, s14;
	s15 =	sand.u32 $0x7E00, s14  }
0xbb: {  	[tilespmem:v3+s10+$0x0] =	vst.idx.msk $0xf, v10;
	s13 =	sor.u32 s13, s15  }
0xbc: {  	v13 =	vld [tilespmem:s13+$0x0]  }
0xbd: {  	v14 =	vld [tilespmem:s13+$0x80];
	_ =	sdelay $0x1  }
0xbe: {  	v15 =	vld [tilespmem:s13+$0x100]  }
0xbf: {  	v11 =	vbroadcast v7, $0x2;
	v10 =	vbroadcast v6, $0x2  }
0xc0: {  	v17 =	vld [tilespmem:s13+$0x180]  }
0xc1: {  	v12 =	vbroadcast v8, $0x2;
	v18 =	vsub.f32 v13, v10;
	v14 =	vsub.f32 v14, v11  }
0xc2: {  	v13 =	vbroadcast v9, $0x2  }
0xc3: {  	v15 =	vsub.f32 v15, v12;
	v18 =	vand.u32 $0x7FFFFFFF, v18;
	v14 =	vand.u32 $0x7FFFFFFF, v14  }
0xc4: {  	v14 =	vadd.f32 v14, v18  }
0xc5: {  	v15 =	vand.u32 $0x7FFFFFFF, v15;
	v17 =	vsub.f32 v17, v13  }
0xc6: {  	v14 =	vadd.f32 v15, v14  }
0xc7: {  	v15 =	vand.u32 $0x7FFFFFFF, v17  }
0xc8: {  	v14 =	vadd.f32 v15, v14  }
0xc9: {  	s13 =	simm.f32 $+Inf  }
0xca: {  	vm0 =	vlt.f32 v14, s13  }
0xcb: {  	v15 =	vsel vm0, $0x3F800000, v2  }
0xcc: {  	(xrf0) =	vmax.scan.msk.f32 $0xffff, v15;
	_ =	sdelay $0x5  }
0xcd: {  	(v2sf) =	vpush @p0 v16, $0x3;
	v15, _, _ =	vpop (xrf0)  }
0xce: {  	(v2sf) =	vpush v15, $0xF;
	_ =	sdelay $0xd  }
0xcf: {  	s15 =	spop @p0 (v2sf)  }
0xd0: {  	s15 =	spop (v2sf)  }
0xd1: {  	p0 =	sgt.f32 s15, $0.0e+00;
	_ =	sdelay $0x1  }
0xd2: {  	v15 =	vlaneseq.u32 @p0  }
0xd3: {  	v15 =	vor.u32 @p0 s14, v15  }
0xd4: {  	(xrf1) =	vsort.dscd.msk.f32 @p0 $0xffff, v14, v15;
	_ =	sdelay $0xd  }
0xd5: {  	v15 =	vimm.f32 $+Inf;
	v16, v17, _ =	vpop @p0 (xrf1)  }
0xd6: {  	v14 =	vimm.s32 $0x0;
	vm0 =	vle.f32 @p0 v15, v16  }
0xd7: {  	v16 =	vsel @p0 vm0, v15, v16;
	v17 =	vsel @p0 vm0, v14, v17  }
0xd8: {  	(xrf1) =	vsort.ascd.msk.f32 @p0 $0xffff, v16, v17;
	_ =	sdelay $0xd  }
0xd9: {  	s15 =	simm.s32 $0x40;
	s14 =	simm.s32 $0x10;
	v16, v17, _ =	vpop @p0 (xrf1)  }
.LBB2_8:
0xda: {  	s17 =	sand.u32 $0x70, s14;
	s18 =	sand.u32 $0x7E00, s15;
	v15 =	vpsel p0, v16, v15;
	v14 =	vpsel p0, v17, v14;
	(v2sf) =	vpush @p0 v16, $0x3;
	s16 =	smov.u32 s14  }
0xdb: {  	s14 =	sadd.s32 $0x10, s14;
	s17 =	sor.u32 s17, s18  }
0xdc: {  	p1 =	sne.s32 s14, $0x1F40;
	v16 =	vld [tilespmem:s17+$0x0]  }
0xdd: {  	v17 =	vld [tilespmem:s17+$0x80];
	_ =	sdelay $0x1  }
0xde: {  	v18 =	vld [tilespmem:s17+$0x100];
	_ =	sdelay $0x1  }
0xdf: {  	v19 =	vld [tilespmem:s17+$0x180]  }
0xe0: {  	v16 =	vsub.f32 v16, v10;
	v17 =	vsub.f32 v17, v11;
	_ =	sdelay $0x1  }
0xe1: {  	v16 =	vand.u32 $0x7FFFFFFF, v16;
	v17 =	vand.u32 $0x7FFFFFFF, v17;
	v18 =	vsub.f32 v18, v12  }
0xe2: {  	v16 =	vadd.f32 v17, v16  }
0xe3: {  	v17 =	vand.u32 $0x7FFFFFFF, v18;
	v18 =	vsub.f32 v19, v13  }
0xe4: {  	v16 =	vadd.f32 v17, v16  }
0xe5: {  	v17 =	vand.u32 $0x7FFFFFFF, v18  }
0xe6: {  	v16 =	vadd.f32 v17, v16;
	s17 =	spop @p0 (v2sf)  }
0xe7: {  	s13 =	smov.u32 @p0 s17  }
0xe8: {  	vm0 =	vlt.f32 v16, s13  }
0xe9: {  	v17 =	vsel vm0, $0x3F800000, v2  }
0xea: {  	(xrf0) =	vmax.scan.msk.f32 $0xffff, v17;
	_ =	sdelay $0x5  }
0xeb: {  	v17, _, _ =	vpop (xrf0)  }
0xec: {  	(v2sf) =	vpush v17, $0xF;
	_ =	sdelay $0xe  }
0xed: {  	s17 =	spop (v2sf)  }
0xee: {  	p0 =	sgt.f32 s17, $0.0e+00;
	_ =	sdelay $0x1  }
0xef: {  	v17 =	vlaneseq.u32 @p0  }
0xf0: {  	v17 =	vor.u32 @p0 s16, v17  }
0xf1: {  	(xrf1) =	vsort.dscd.msk.f32 @p0 $0xffff, v16, v17;
	_ =	sdelay $0xd  }
0xf2: {  	v16, v17, _ =	vpop @p0 (xrf1)  }
0xf3: {  	vm0 =	vle.f32 @p0 v15, v16  }
0xf4: {  	v16 =	vsel @p0 vm0, v15, v16;
	v17 =	vsel @p0 vm0, v14, v17  }
0xf5: {  	(xrf1) =	vsort.ascd.msk.f32 @p0 $0xffff, v16, v17;
	_ =	sdelay $0x9  }
.Ltmp3:
0xf6: {  	(pc) =	sbr.rel @p1 .LBB2_8-.Ltmp3, $2  }
0xf7: {  	_ =	sdelay $0x2  }
0xf8: {  	s15 =	sadd.s32 $0x40, s15;
	v16, v17, _ =	vpop @p0 (xrf1)  }
0xf9: {  	_ =	sdelay $0x1  }
0xfa: {  	s14 =	simm.s32 $0x0  }
0xfb: {  	v10 =	vpsel p0, v17, v14;
	s13 =	sand.u32 $0x70, s14;
	s15 =	sand.u32 $0x7E00, s14  }
0xfc: {  	[tilespmem:v4+s10+$0x0] =	vst.idx.msk $0xf, v10;
	s13 =	sor.u32 s13, s15  }
0xfd: {  	v13 =	vld [tilespmem:s13+$0x0]  }
0xfe: {  	v14 =	vld [tilespmem:s13+$0x80];
	_ =	sdelay $0x1  }
0xff: {  	v15 =	vld [tilespmem:s13+$0x100]  }
0x100: {  	v11 =	vbroadcast v7, $0x3;
	v10 =	vbroadcast v6, $0x3  }
0x101: {  	v17 =	vld [tilespmem:s13+$0x180]  }
0x102: {  	v12 =	vbroadcast v8, $0x3;
	v18 =	vsub.f32 v13, v10;
	v14 =	vsub.f32 v14, v11  }
0x103: {  	v13 =	vbroadcast v9, $0x3  }
0x104: {  	v15 =	vsub.f32 v15, v12;
	v18 =	vand.u32 $0x7FFFFFFF, v18;
	v14 =	vand.u32 $0x7FFFFFFF, v14  }
0x105: {  	v14 =	vadd.f32 v14, v18  }
0x106: {  	v15 =	vand.u32 $0x7FFFFFFF, v15;
	v17 =	vsub.f32 v17, v13  }
0x107: {  	v14 =	vadd.f32 v15, v14  }
0x108: {  	v15 =	vand.u32 $0x7FFFFFFF, v17  }
0x109: {  	v14 =	vadd.f32 v15, v14  }
0x10a: {  	s13 =	simm.f32 $+Inf  }
0x10b: {  	vm0 =	vlt.f32 v14, s13  }
0x10c: {  	v15 =	vsel vm0, $0x3F800000, v2  }
0x10d: {  	(xrf0) =	vmax.scan.msk.f32 $0xffff, v15;
	_ =	sdelay $0x5  }
0x10e: {  	(v2sf) =	vpush @p0 v16, $0x3;
	v15, _, _ =	vpop (xrf0)  }
0x10f: {  	(v2sf) =	vpush v15, $0xF;
	_ =	sdelay $0xd  }
0x110: {  	s15 =	spop @p0 (v2sf)  }
0x111: {  	s15 =	spop (v2sf)  }
0x112: {  	p0 =	sgt.f32 s15, $0.0e+00;
	_ =	sdelay $0x1  }
0x113: {  	v15 =	vlaneseq.u32 @p0  }
0x114: {  	v15 =	vor.u32 @p0 s14, v15  }
0x115: {  	(xrf1) =	vsort.dscd.msk.f32 @p0 $0xffff, v14, v15;
	_ =	sdelay $0xd  }
0x116: {  	v15 =	vimm.f32 $+Inf;
	v16, v17, _ =	vpop @p0 (xrf1)  }
0x117: {  	v14 =	vimm.s32 $0x0;
	vm0 =	vle.f32 @p0 v15, v16  }
0x118: {  	v16 =	vsel @p0 vm0, v15, v16;
	v17 =	vsel @p0 vm0, v14, v17  }
0x119: {  	(xrf1) =	vsort.ascd.msk.f32 @p0 $0xffff, v16, v17;
	_ =	sdelay $0xd  }
0x11a: {  	s15 =	simm.s32 $0x40;
	s14 =	simm.s32 $0x10;
	v16, v17, _ =	vpop @p0 (xrf1)  }
.LBB2_10:
0x11b: {  	s17 =	sand.u32 $0x70, s14;
	s18 =	sand.u32 $0x7E00, s15;
	v15 =	vpsel p0, v16, v15;
	v14 =	vpsel p0, v17, v14;
	(v2sf) =	vpush @p0 v16, $0x3;
	s16 =	smov.u32 s14  }
0x11c: {  	s14 =	sadd.s32 $0x10, s14;
	s17 =	sor.u32 s17, s18  }
0x11d: {  	p1 =	sne.s32 s14, $0x1F40;
	v16 =	vld [tilespmem:s17+$0x0]  }
0x11e: {  	v17 =	vld [tilespmem:s17+$0x80];
	_ =	sdelay $0x1  }
0x11f: {  	v18 =	vld [tilespmem:s17+$0x100];
	_ =	sdelay $0x1  }
0x120: {  	v19 =	vld [tilespmem:s17+$0x180]  }
0x121: {  	v16 =	vsub.f32 v16, v10;
	v17 =	vsub.f32 v17, v11;
	_ =	sdelay $0x1  }
0x122: {  	v16 =	vand.u32 $0x7FFFFFFF, v16;
	v17 =	vand.u32 $0x7FFFFFFF, v17;
	v18 =	vsub.f32 v18, v12  }
0x123: {  	v16 =	vadd.f32 v17, v16  }
0x124: {  	v17 =	vand.u32 $0x7FFFFFFF, v18;
	v18 =	vsub.f32 v19, v13  }
0x125: {  	v16 =	vadd.f32 v17, v16  }
0x126: {  	v17 =	vand.u32 $0x7FFFFFFF, v18  }
0x127: {  	v16 =	vadd.f32 v17, v16;
	s17 =	spop @p0 (v2sf)  }
0x128: {  	s13 =	smov.u32 @p0 s17  }
0x129: {  	vm0 =	vlt.f32 v16, s13  }
0x12a: {  	v17 =	vsel vm0, $0x3F800000, v2  }
0x12b: {  	(xrf0) =	vmax.scan.msk.f32 $0xffff, v17;
	_ =	sdelay $0x5  }
0x12c: {  	v17, _, _ =	vpop (xrf0)  }
0x12d: {  	(v2sf) =	vpush v17, $0xF;
	_ =	sdelay $0xe  }
0x12e: {  	s17 =	spop (v2sf)  }
0x12f: {  	p0 =	sgt.f32 s17, $0.0e+00;
	_ =	sdelay $0x1  }
0x130: {  	v17 =	vlaneseq.u32 @p0  }
0x131: {  	v17 =	vor.u32 @p0 s16, v17  }
0x132: {  	(xrf1) =	vsort.dscd.msk.f32 @p0 $0xffff, v16, v17;
	_ =	sdelay $0xd  }
0x133: {  	v16, v17, _ =	vpop @p0 (xrf1)  }
0x134: {  	vm0 =	vle.f32 @p0 v15, v16  }
0x135: {  	v16 =	vsel @p0 vm0, v15, v16;
	v17 =	vsel @p0 vm0, v14, v17  }
0x136: {  	(xrf1) =	vsort.ascd.msk.f32 @p0 $0xffff, v16, v17;
	_ =	sdelay $0x9  }
.Ltmp4:
0x137: {  	(pc) =	sbr.rel @p1 .LBB2_10-.Ltmp4, $2  }
0x138: {  	_ =	sdelay $0x2  }
0x139: {  	s15 =	sadd.s32 $0x40, s15;
	v16, v17, _ =	vpop @p0 (xrf1)  }
0x13a: {  	_ =	sdelay $0x1  }
0x13b: {  	s14 =	simm.s32 $0x0  }
0x13c: {  	v10 =	vpsel p0, v17, v14;
	s13 =	sand.u32 $0x70, s14;
	s15 =	sand.u32 $0x7E00, s14  }
0x13d: {  	[tilespmem:v5+s10+$0x0] =	vst.idx.msk $0xf, v10;
	s13 =	sor.u32 s13, s15  }
0x13e: {  	v13 =	vld [tilespmem:s13+$0x0]  }
0x13f: {  	v14 =	vld [tilespmem:s13+$0x80];
	_ =	sdelay $0x1  }
0x140: {  	v15 =	vld [tilespmem:s13+$0x100]  }
0x141: {  	v11 =	vbroadcast v7, $0x4;
	v10 =	vbroadcast v6, $0x4  }
0x142: {  	v17 =	vld [tilespmem:s13+$0x180]  }
0x143: {  	v12 =	vbroadcast v8, $0x4;
	v18 =	vsub.f32 v13, v10;
	v14 =	vsub.f32 v14, v11  }
0x144: {  	v13 =	vbroadcast v9, $0x4  }
0x145: {  	v15 =	vsub.f32 v15, v12;
	v18 =	vand.u32 $0x7FFFFFFF, v18;
	v14 =	vand.u32 $0x7FFFFFFF, v14  }
0x146: {  	v14 =	vadd.f32 v14, v18  }
0x147: {  	v15 =	vand.u32 $0x7FFFFFFF, v15;
	v17 =	vsub.f32 v17, v13  }
0x148: {  	v14 =	vadd.f32 v15, v14  }
0x149: {  	v15 =	vand.u32 $0x7FFFFFFF, v17  }
0x14a: {  	v14 =	vadd.f32 v15, v14  }
0x14b: {  	s13 =	simm.f32 $+Inf  }
0x14c: {  	vm0 =	vlt.f32 v14, s13  }
0x14d: {  	v15 =	vsel vm0, $0x3F800000, v2  }
0x14e: {  	(xrf0) =	vmax.scan.msk.f32 $0xffff, v15;
	_ =	sdelay $0x5  }
0x14f: {  	(v2sf) =	vpush @p0 v16, $0x3;
	v15, _, _ =	vpop (xrf0)  }
0x150: {  	(v2sf) =	vpush v15, $0xF;
	_ =	sdelay $0xd  }
0x151: {  	s15 =	spop @p0 (v2sf)  }
0x152: {  	s15 =	spop (v2sf)  }
0x153: {  	p0 =	sgt.f32 s15, $0.0e+00;
	_ =	sdelay $0x1  }
0x154: {  	v15 =	vlaneseq.u32 @p0  }
0x155: {  	v15 =	vor.u32 @p0 s14, v15  }
0x156: {  	(xrf1) =	vsort.dscd.msk.f32 @p0 $0xffff, v14, v15;
	_ =	sdelay $0xd  }
0x157: {  	v15 =	vimm.f32 $+Inf;
	v16, v17, _ =	vpop @p0 (xrf1)  }
0x158: {  	v14 =	vimm.s32 $0x0;
	vm0 =	vle.f32 @p0 v15, v16  }
0x159: {  	v16 =	vsel @p0 vm0, v15, v16;
	v17 =	vsel @p0 vm0, v14, v17  }
0x15a: {  	(xrf1) =	vsort.ascd.msk.f32 @p0 $0xffff, v16, v17;
	_ =	sdelay $0xd  }
0x15b: {  	s15 =	simm.s32 $0x40;
	s14 =	simm.s32 $0x10;
	v16, v17, _ =	vpop @p0 (xrf1)  }
.LBB2_12:
0x15c: {  	s17 =	sand.u32 $0x70, s14;
	s18 =	sand.u32 $0x7E00, s15;
	v15 =	vpsel p0, v16, v15;
	v14 =	vpsel p0, v17, v14;
	(v2sf) =	vpush @p0 v16, $0x3;
	s16 =	smov.u32 s14  }
0x15d: {  	s14 =	sadd.s32 $0x10, s14;
	s17 =	sor.u32 s17, s18  }
0x15e: {  	p1 =	sne.s32 s14, $0x1F40;
	v16 =	vld [tilespmem:s17+$0x0]  }
0x15f: {  	v17 =	vld [tilespmem:s17+$0x80];
	_ =	sdelay $0x1  }
0x160: {  	v18 =	vld [tilespmem:s17+$0x100];
	_ =	sdelay $0x1  }
0x161: {  	v19 =	vld [tilespmem:s17+$0x180]  }
0x162: {  	v16 =	vsub.f32 v16, v10;
	v17 =	vsub.f32 v17, v11;
	_ =	sdelay $0x1  }
0x163: {  	v16 =	vand.u32 $0x7FFFFFFF, v16;
	v17 =	vand.u32 $0x7FFFFFFF, v17;
	v18 =	vsub.f32 v18, v12  }
0x164: {  	v16 =	vadd.f32 v17, v16  }
0x165: {  	v17 =	vand.u32 $0x7FFFFFFF, v18;
	v18 =	vsub.f32 v19, v13  }
0x166: {  	v16 =	vadd.f32 v17, v16  }
0x167: {  	v17 =	vand.u32 $0x7FFFFFFF, v18  }
0x168: {  	v16 =	vadd.f32 v17, v16;
	s17 =	spop @p0 (v2sf)  }
0x169: {  	s13 =	smov.u32 @p0 s17  }
0x16a: {  	vm0 =	vlt.f32 v16, s13  }
0x16b: {  	v17 =	vsel vm0, $0x3F800000, v2  }
0x16c: {  	(xrf0) =	vmax.scan.msk.f32 $0xffff, v17;
	_ =	sdelay $0x5  }
0x16d: {  	v17, _, _ =	vpop (xrf0)  }
0x16e: {  	(v2sf) =	vpush v17, $0xF;
	_ =	sdelay $0xe  }
0x16f: {  	s17 =	spop (v2sf)  }
0x170: {  	p0 =	sgt.f32 s17, $0.0e+00;
	_ =	sdelay $0x1  }
0x171: {  	v17 =	vlaneseq.u32 @p0  }
0x172: {  	v17 =	vor.u32 @p0 s16, v17  }
0x173: {  	(xrf1) =	vsort.dscd.msk.f32 @p0 $0xffff, v16, v17;
	_ =	sdelay $0xd  }
0x174: {  	v16, v17, _ =	vpop @p0 (xrf1)  }
0x175: {  	vm0 =	vle.f32 @p0 v15, v16  }
0x176: {  	v16 =	vsel @p0 vm0, v15, v16;
	v17 =	vsel @p0 vm0, v14, v17  }
0x177: {  	(xrf1) =	vsort.ascd.msk.f32 @p0 $0xffff, v16, v17;
	_ =	sdelay $0x9  }
.Ltmp5:
0x178: {  	(pc) =	sbr.rel @p1 .LBB2_12-.Ltmp5, $2  }
0x179: {  	_ =	sdelay $0x2  }
0x17a: {  	s15 =	sadd.s32 $0x40, s15;
	v16, v17, _ =	vpop @p0 (xrf1)  }
0x17b: {  	v10 =	vor.u32 $0x4, v0;
	_ =	sdelay $0x2  }
0x17c: {  	s14 =	simm.s32 $0x0  }
0x17d: {  	v11 =	vpsel p0, v17, v14;
	s13 =	sand.u32 $0x70, s14;
	s15 =	sand.u32 $0x7E00, s14  }
0x17e: {  	s13 =	sor.u32 s13, s15;
	[tilespmem:v10+s10+$0x0] =	vst.idx.msk $0xf, v11  }
0x17f: {  	v13 =	vld [tilespmem:s13+$0x0]  }
0x180: {  	v14 =	vld [tilespmem:s13+$0x80];
	_ =	sdelay $0x1  }
0x181: {  	v15 =	vld [tilespmem:s13+$0x100]  }
0x182: {  	v10 =	vbroadcast v6, $0x5;
	v11 =	vbroadcast v7, $0x5  }
0x183: {  	v17 =	vld [tilespmem:s13+$0x180]  }
0x184: {  	v12 =	vbroadcast v8, $0x5;
	v18 =	vsub.f32 v13, v10;
	v14 =	vsub.f32 v14, v11  }
0x185: {  	v13 =	vbroadcast v9, $0x5  }
0x186: {  	v15 =	vsub.f32 v15, v12;
	v18 =	vand.u32 $0x7FFFFFFF, v18;
	v14 =	vand.u32 $0x7FFFFFFF, v14  }
0x187: {  	v14 =	vadd.f32 v14, v18  }
0x188: {  	v15 =	vand.u32 $0x7FFFFFFF, v15;
	v17 =	vsub.f32 v17, v13  }
0x189: {  	v14 =	vadd.f32 v15, v14  }
0x18a: {  	v15 =	vand.u32 $0x7FFFFFFF, v17  }
0x18b: {  	v14 =	vadd.f32 v15, v14  }
0x18c: {  	s13 =	simm.f32 $+Inf  }
0x18d: {  	vm0 =	vlt.f32 v14, s13  }
0x18e: {  	v15 =	vsel vm0, $0x3F800000, v2  }
0x18f: {  	(xrf0) =	vmax.scan.msk.f32 $0xffff, v15;
	_ =	sdelay $0x5  }
0x190: {  	(v2sf) =	vpush @p0 v16, $0x3;
	v15, _, _ =	vpop (xrf0)  }
0x191: {  	(v2sf) =	vpush v15, $0xF;
	_ =	sdelay $0xd  }
0x192: {  	s15 =	spop @p0 (v2sf)  }
0x193: {  	s15 =	spop (v2sf)  }
0x194: {  	p0 =	sgt.f32 s15, $0.0e+00;
	_ =	sdelay $0x1  }
0x195: {  	v15 =	vlaneseq.u32 @p0  }
0x196: {  	v15 =	vor.u32 @p0 s14, v15  }
0x197: {  	(xrf1) =	vsort.dscd.msk.f32 @p0 $0xffff, v14, v15;
	_ =	sdelay $0xd  }
0x198: {  	v15 =	vimm.f32 $+Inf;
	v16, v17, _ =	vpop @p0 (xrf1)  }
0x199: {  	v14 =	vimm.s32 $0x0;
	vm0 =	vle.f32 @p0 v15, v16  }
0x19a: {  	v16 =	vsel @p0 vm0, v15, v16;
	v17 =	vsel @p0 vm0, v14, v17  }
0x19b: {  	(xrf1) =	vsort.ascd.msk.f32 @p0 $0xffff, v16, v17;
	_ =	sdelay $0xd  }
0x19c: {  	s15 =	simm.s32 $0x40;
	s14 =	simm.s32 $0x10;
	v16, v17, _ =	vpop @p0 (xrf1)  }
.LBB2_14:
0x19d: {  	s17 =	sand.u32 $0x70, s14;
	s18 =	sand.u32 $0x7E00, s15;
	v15 =	vpsel p0, v16, v15;
	v14 =	vpsel p0, v17, v14;
	(v2sf) =	vpush @p0 v16, $0x3;
	s16 =	smov.u32 s14  }
0x19e: {  	s14 =	sadd.s32 $0x10, s14;
	s17 =	sor.u32 s17, s18  }
0x19f: {  	p1 =	sne.s32 s14, $0x1F40;
	v16 =	vld [tilespmem:s17+$0x0]  }
0x1a0: {  	v17 =	vld [tilespmem:s17+$0x80];
	_ =	sdelay $0x1  }
0x1a1: {  	v18 =	vld [tilespmem:s17+$0x100];
	_ =	sdelay $0x1  }
0x1a2: {  	v19 =	vld [tilespmem:s17+$0x180]  }
0x1a3: {  	v16 =	vsub.f32 v16, v10;
	v17 =	vsub.f32 v17, v11;
	_ =	sdelay $0x1  }
0x1a4: {  	v16 =	vand.u32 $0x7FFFFFFF, v16;
	v17 =	vand.u32 $0x7FFFFFFF, v17;
	v18 =	vsub.f32 v18, v12  }
0x1a5: {  	v16 =	vadd.f32 v17, v16  }
0x1a6: {  	v17 =	vand.u32 $0x7FFFFFFF, v18;
	v18 =	vsub.f32 v19, v13  }
0x1a7: {  	v16 =	vadd.f32 v17, v16  }
0x1a8: {  	v17 =	vand.u32 $0x7FFFFFFF, v18  }
0x1a9: {  	v16 =	vadd.f32 v17, v16;
	s17 =	spop @p0 (v2sf)  }
0x1aa: {  	s13 =	smov.u32 @p0 s17  }
0x1ab: {  	vm0 =	vlt.f32 v16, s13  }
0x1ac: {  	v17 =	vsel vm0, $0x3F800000, v2  }
0x1ad: {  	(xrf0) =	vmax.scan.msk.f32 $0xffff, v17;
	_ =	sdelay $0x5  }
0x1ae: {  	v17, _, _ =	vpop (xrf0)  }
0x1af: {  	(v2sf) =	vpush v17, $0xF;
	_ =	sdelay $0xe  }
0x1b0: {  	s17 =	spop (v2sf)  }
0x1b1: {  	p0 =	sgt.f32 s17, $0.0e+00;
	_ =	sdelay $0x1  }
0x1b2: {  	v17 =	vlaneseq.u32 @p0  }
0x1b3: {  	v17 =	vor.u32 @p0 s16, v17  }
0x1b4: {  	(xrf1) =	vsort.dscd.msk.f32 @p0 $0xffff, v16, v17;
	_ =	sdelay $0xd  }
0x1b5: {  	v16, v17, _ =	vpop @p0 (xrf1)  }
0x1b6: {  	vm0 =	vle.f32 @p0 v15, v16  }
0x1b7: {  	v16 =	vsel @p0 vm0, v15, v16;
	v17 =	vsel @p0 vm0, v14, v17  }
0x1b8: {  	(xrf1) =	vsort.ascd.msk.f32 @p0 $0xffff, v16, v17;
	_ =	sdelay $0x9  }
.Ltmp6:
0x1b9: {  	(pc) =	sbr.rel @p1 .LBB2_14-.Ltmp6, $2  }
0x1ba: {  	_ =	sdelay $0x2  }
0x1bb: {  	s15 =	sadd.s32 $0x40, s15;
	v16, v17, _ =	vpop @p0 (xrf1)  }
0x1bc: {  	v10 =	vor.u32 $0x5, v0;
	_ =	sdelay $0x2  }
0x1bd: {  	s14 =	simm.s32 $0x0  }
0x1be: {  	v11 =	vpsel p0, v17, v14;
	s13 =	sand.u32 $0x70, s14;
	s15 =	sand.u32 $0x7E00, s14  }
0x1bf: {  	s13 =	sor.u32 s13, s15;
	[tilespmem:v10+s10+$0x0] =	vst.idx.msk $0xf, v11  }
0x1c0: {  	v13 =	vld [tilespmem:s13+$0x0]  }
0x1c1: {  	v14 =	vld [tilespmem:s13+$0x80];
	_ =	sdelay $0x1  }
0x1c2: {  	v15 =	vld [tilespmem:s13+$0x100]  }
0x1c3: {  	v10 =	vbroadcast v6, $0x6;
	v11 =	vbroadcast v7, $0x6  }
0x1c4: {  	v17 =	vld [tilespmem:s13+$0x180]  }
0x1c5: {  	v12 =	vbroadcast v8, $0x6;
	v18 =	vsub.f32 v13, v10;
	v14 =	vsub.f32 v14, v11  }
0x1c6: {  	v13 =	vbroadcast v9, $0x6  }
0x1c7: {  	v15 =	vsub.f32 v15, v12;
	v18 =	vand.u32 $0x7FFFFFFF, v18;
	v14 =	vand.u32 $0x7FFFFFFF, v14  }
0x1c8: {  	v14 =	vadd.f32 v14, v18  }
0x1c9: {  	v15 =	vand.u32 $0x7FFFFFFF, v15;
	v17 =	vsub.f32 v17, v13  }
0x1ca: {  	v14 =	vadd.f32 v15, v14  }
0x1cb: {  	v15 =	vand.u32 $0x7FFFFFFF, v17  }
0x1cc: {  	v14 =	vadd.f32 v15, v14  }
0x1cd: {  	s13 =	simm.f32 $+Inf  }
0x1ce: {  	vm0 =	vlt.f32 v14, s13  }
0x1cf: {  	v15 =	vsel vm0, $0x3F800000, v2  }
0x1d0: {  	(xrf0) =	vmax.scan.msk.f32 $0xffff, v15;
	_ =	sdelay $0x5  }
0x1d1: {  	(v2sf) =	vpush @p0 v16, $0x3;
	v15, _, _ =	vpop (xrf0)  }
0x1d2: {  	(v2sf) =	vpush v15, $0xF;
	_ =	sdelay $0xd  }
0x1d3: {  	s15 =	spop @p0 (v2sf)  }
0x1d4: {  	s15 =	spop (v2sf)  }
0x1d5: {  	p0 =	sgt.f32 s15, $0.0e+00;
	_ =	sdelay $0x1  }
0x1d6: {  	v15 =	vlaneseq.u32 @p0  }
0x1d7: {  	v15 =	vor.u32 @p0 s14, v15  }
0x1d8: {  	(xrf1) =	vsort.dscd.msk.f32 @p0 $0xffff, v14, v15;
	_ =	sdelay $0xd  }
0x1d9: {  	v15 =	vimm.f32 $+Inf;
	v16, v17, _ =	vpop @p0 (xrf1)  }
0x1da: {  	v14 =	vimm.s32 $0x0;
	vm0 =	vle.f32 @p0 v15, v16  }
0x1db: {  	v16 =	vsel @p0 vm0, v15, v16;
	v17 =	vsel @p0 vm0, v14, v17  }
0x1dc: {  	(xrf1) =	vsort.ascd.msk.f32 @p0 $0xffff, v16, v17;
	_ =	sdelay $0xd  }
0x1dd: {  	s15 =	simm.s32 $0x40;
	s14 =	simm.s32 $0x10;
	v16, v17, _ =	vpop @p0 (xrf1)  }
.LBB2_16:
0x1de: {  	s17 =	sand.u32 $0x70, s14;
	s18 =	sand.u32 $0x7E00, s15;
	v15 =	vpsel p0, v16, v15;
	v14 =	vpsel p0, v17, v14;
	(v2sf) =	vpush @p0 v16, $0x3;
	s16 =	smov.u32 s14  }
0x1df: {  	s14 =	sadd.s32 $0x10, s14;
	s17 =	sor.u32 s17, s18  }
0x1e0: {  	p1 =	sne.s32 s14, $0x1F40;
	v16 =	vld [tilespmem:s17+$0x0]  }
0x1e1: {  	v17 =	vld [tilespmem:s17+$0x80];
	_ =	sdelay $0x1  }
0x1e2: {  	v18 =	vld [tilespmem:s17+$0x100];
	_ =	sdelay $0x1  }
0x1e3: {  	v19 =	vld [tilespmem:s17+$0x180]  }
0x1e4: {  	v16 =	vsub.f32 v16, v10;
	v17 =	vsub.f32 v17, v11;
	_ =	sdelay $0x1  }
0x1e5: {  	v16 =	vand.u32 $0x7FFFFFFF, v16;
	v17 =	vand.u32 $0x7FFFFFFF, v17;
	v18 =	vsub.f32 v18, v12  }
0x1e6: {  	v16 =	vadd.f32 v17, v16  }
0x1e7: {  	v17 =	vand.u32 $0x7FFFFFFF, v18;
	v18 =	vsub.f32 v19, v13  }
0x1e8: {  	v16 =	vadd.f32 v17, v16  }
0x1e9: {  	v17 =	vand.u32 $0x7FFFFFFF, v18  }
0x1ea: {  	v16 =	vadd.f32 v17, v16;
	s17 =	spop @p0 (v2sf)  }
0x1eb: {  	s13 =	smov.u32 @p0 s17  }
0x1ec: {  	vm0 =	vlt.f32 v16, s13  }
0x1ed: {  	v17 =	vsel vm0, $0x3F800000, v2  }
0x1ee: {  	(xrf0) =	vmax.scan.msk.f32 $0xffff, v17;
	_ =	sdelay $0x5  }
0x1ef: {  	v17, _, _ =	vpop (xrf0)  }
0x1f0: {  	(v2sf) =	vpush v17, $0xF;
	_ =	sdelay $0xe  }
0x1f1: {  	s17 =	spop (v2sf)  }
0x1f2: {  	p0 =	sgt.f32 s17, $0.0e+00;
	_ =	sdelay $0x1  }
0x1f3: {  	v17 =	vlaneseq.u32 @p0  }
0x1f4: {  	v17 =	vor.u32 @p0 s16, v17  }
0x1f5: {  	(xrf1) =	vsort.dscd.msk.f32 @p0 $0xffff, v16, v17;
	_ =	sdelay $0xd  }
0x1f6: {  	v16, v17, _ =	vpop @p0 (xrf1)  }
0x1f7: {  	vm0 =	vle.f32 @p0 v15, v16  }
0x1f8: {  	v16 =	vsel @p0 vm0, v15, v16;
	v17 =	vsel @p0 vm0, v14, v17  }
0x1f9: {  	(xrf1) =	vsort.ascd.msk.f32 @p0 $0xffff, v16, v17;
	_ =	sdelay $0x9  }
.Ltmp7:
0x1fa: {  	(pc) =	sbr.rel @p1 .LBB2_16-.Ltmp7, $2  }
0x1fb: {  	_ =	sdelay $0x2  }
0x1fc: {  	s15 =	sadd.s32 $0x40, s15;
	v16, v17, _ =	vpop @p0 (xrf1)  }
0x1fd: {  	v10 =	vor.u32 $0x6, v0;
	_ =	sdelay $0x2  }
0x1fe: {  	s14 =	simm.s32 $0x0  }
0x1ff: {  	v11 =	vpsel p0, v17, v14;
	s13 =	sand.u32 $0x70, s14;
	s15 =	sand.u32 $0x7E00, s14  }
0x200: {  	s13 =	sor.u32 s13, s15;
	[tilespmem:v10+s10+$0x0] =	vst.idx.msk $0xf, v11  }
0x201: {  	v13 =	vld [tilespmem:s13+$0x0]  }
0x202: {  	v14 =	vld [tilespmem:s13+$0x80];
	_ =	sdelay $0x1  }
0x203: {  	v15 =	vld [tilespmem:s13+$0x100]  }
0x204: {  	v10 =	vbroadcast v6, $0x7;
	v11 =	vbroadcast v7, $0x7  }
0x205: {  	v17 =	vld [tilespmem:s13+$0x180]  }
0x206: {  	v12 =	vbroadcast v8, $0x7;
	v18 =	vsub.f32 v13, v10;
	v14 =	vsub.f32 v14, v11  }
0x207: {  	v13 =	vbroadcast v9, $0x7  }
0x208: {  	v15 =	vsub.f32 v15, v12;
	v18 =	vand.u32 $0x7FFFFFFF, v18;
	v14 =	vand.u32 $0x7FFFFFFF, v14  }
0x209: {  	v14 =	vadd.f32 v14, v18  }
0x20a: {  	v15 =	vand.u32 $0x7FFFFFFF, v15;
	v17 =	vsub.f32 v17, v13  }
0x20b: {  	v14 =	vadd.f32 v15, v14  }
0x20c: {  	v15 =	vand.u32 $0x7FFFFFFF, v17  }
0x20d: {  	v14 =	vadd.f32 v15, v14  }
0x20e: {  	s13 =	simm.f32 $+Inf  }
0x20f: {  	vm0 =	vlt.f32 v14, s13  }
0x210: {  	v15 =	vsel vm0, $0x3F800000, v2  }
0x211: {  	(xrf0) =	vmax.scan.msk.f32 $0xffff, v15;
	_ =	sdelay $0x5  }
0x212: {  	(v2sf) =	vpush @p0 v16, $0x3;
	v15, _, _ =	vpop (xrf0)  }
0x213: {  	(v2sf) =	vpush v15, $0xF;
	_ =	sdelay $0xd  }
0x214: {  	s15 =	spop @p0 (v2sf)  }
0x215: {  	s15 =	spop (v2sf)  }
0x216: {  	p0 =	sgt.f32 s15, $0.0e+00;
	_ =	sdelay $0x1  }
0x217: {  	v15 =	vlaneseq.u32 @p0  }
0x218: {  	v15 =	vor.u32 @p0 s14, v15  }
0x219: {  	(xrf1) =	vsort.dscd.msk.f32 @p0 $0xffff, v14, v15;
	_ =	sdelay $0xd  }
0x21a: {  	v15 =	vimm.f32 $+Inf;
	v16, v17, _ =	vpop @p0 (xrf1)  }
0x21b: {  	v14 =	vimm.s32 $0x0;
	vm0 =	vle.f32 @p0 v15, v16  }
0x21c: {  	v16 =	vsel @p0 vm0, v15, v16;
	v17 =	vsel @p0 vm0, v14, v17  }
0x21d: {  	(xrf1) =	vsort.ascd.msk.f32 @p0 $0xffff, v16, v17;
	_ =	sdelay $0xd  }
0x21e: {  	s15 =	simm.s32 $0x40;
	s14 =	simm.s32 $0x10;
	v16, v17, _ =	vpop @p0 (xrf1)  }
.LBB2_18:
0x21f: {  	s17 =	sand.u32 $0x70, s14;
	s18 =	sand.u32 $0x7E00, s15;
	v15 =	vpsel p0, v16, v15;
	v14 =	vpsel p0, v17, v14;
	(v2sf) =	vpush @p0 v16, $0x3;
	s16 =	smov.u32 s14  }
0x220: {  	s14 =	sadd.s32 $0x10, s14;
	s17 =	sor.u32 s17, s18  }
0x221: {  	p1 =	sne.s32 s14, $0x1F40;
	v16 =	vld [tilespmem:s17+$0x0]  }
0x222: {  	v17 =	vld [tilespmem:s17+$0x80];
	_ =	sdelay $0x1  }
0x223: {  	v18 =	vld [tilespmem:s17+$0x100];
	_ =	sdelay $0x1  }
0x224: {  	v19 =	vld [tilespmem:s17+$0x180]  }
0x225: {  	v16 =	vsub.f32 v16, v10;
	v17 =	vsub.f32 v17, v11;
	_ =	sdelay $0x1  }
0x226: {  	v16 =	vand.u32 $0x7FFFFFFF, v16;
	v17 =	vand.u32 $0x7FFFFFFF, v17;
	v18 =	vsub.f32 v18, v12  }
0x227: {  	v16 =	vadd.f32 v17, v16  }
0x228: {  	v17 =	vand.u32 $0x7FFFFFFF, v18;
	v18 =	vsub.f32 v19, v13  }
0x229: {  	v16 =	vadd.f32 v17, v16  }
0x22a: {  	v17 =	vand.u32 $0x7FFFFFFF, v18  }
0x22b: {  	v16 =	vadd.f32 v17, v16;
	s17 =	spop @p0 (v2sf)  }
0x22c: {  	s13 =	smov.u32 @p0 s17  }
0x22d: {  	vm0 =	vlt.f32 v16, s13  }
0x22e: {  	v17 =	vsel vm0, $0x3F800000, v2  }
0x22f: {  	(xrf0) =	vmax.scan.msk.f32 $0xffff, v17;
	_ =	sdelay $0x5  }
0x230: {  	v17, _, _ =	vpop (xrf0)  }
0x231: {  	(v2sf) =	vpush v17, $0xF;
	_ =	sdelay $0xe  }
0x232: {  	s17 =	spop (v2sf)  }
0x233: {  	p0 =	sgt.f32 s17, $0.0e+00;
	_ =	sdelay $0x1  }
0x234: {  	v17 =	vlaneseq.u32 @p0  }
0x235: {  	v17 =	vor.u32 @p0 s16, v17  }
0x236: {  	(xrf1) =	vsort.dscd.msk.f32 @p0 $0xffff, v16, v17;
	_ =	sdelay $0xd  }
0x237: {  	v16, v17, _ =	vpop @p0 (xrf1)  }
0x238: {  	vm0 =	vle.f32 @p0 v15, v16  }
0x239: {  	v16 =	vsel @p0 vm0, v15, v16;
	v17 =	vsel @p0 vm0, v14, v17  }
0x23a: {  	(xrf1) =	vsort.ascd.msk.f32 @p0 $0xffff, v16, v17;
	_ =	sdelay $0x9  }
.Ltmp8:
0x23b: {  	(pc) =	sbr.rel @p1 .LBB2_18-.Ltmp8, $2  }
0x23c: {  	_ =	sdelay $0x2  }
0x23d: {  	s15 =	sadd.s32 $0x40, s15;
	v16, v17, _ =	vpop @p0 (xrf1)  }
0x23e: {  	v10 =	vor.u32 $0x7, v0;
	_ =	sdelay $0x2  }
0x23f: {  	s14 =	simm.s32 $0x0  }
0x240: {  	v11 =	vpsel p0, v17, v14;
	s13 =	sand.u32 $0x70, s14;
	s15 =	sand.u32 $0x7E00, s14  }
0x241: {  	s13 =	sor.u32 s13, s15;
	[tilespmem:v10+s10+$0x0] =	vst.idx.msk $0xf, v11  }
0x242: {  	v13 =	vld [tilespmem:s13+$0x0]  }
0x243: {  	v14 =	vld [tilespmem:s13+$0x80];
	_ =	sdelay $0x1  }
0x244: {  	v15 =	vld [tilespmem:s13+$0x100]  }
0x245: {  	v10 =	vbroadcast v6, $0x8;
	v11 =	vbroadcast v7, $0x8  }
0x246: {  	v17 =	vld [tilespmem:s13+$0x180]  }
0x247: {  	v12 =	vbroadcast v8, $0x8;
	v18 =	vsub.f32 v13, v10;
	v14 =	vsub.f32 v14, v11  }
0x248: {  	v13 =	vbroadcast v9, $0x8  }
0x249: {  	v15 =	vsub.f32 v15, v12;
	v18 =	vand.u32 $0x7FFFFFFF, v18;
	v14 =	vand.u32 $0x7FFFFFFF, v14  }
0x24a: {  	v14 =	vadd.f32 v14, v18  }
0x24b: {  	v15 =	vand.u32 $0x7FFFFFFF, v15;
	v17 =	vsub.f32 v17, v13  }
0x24c: {  	v14 =	vadd.f32 v15, v14  }
0x24d: {  	v15 =	vand.u32 $0x7FFFFFFF, v17  }
0x24e: {  	v14 =	vadd.f32 v15, v14  }
0x24f: {  	s13 =	simm.f32 $+Inf  }
0x250: {  	vm0 =	vlt.f32 v14, s13  }
0x251: {  	v15 =	vsel vm0, $0x3F800000, v2  }
0x252: {  	(xrf0) =	vmax.scan.msk.f32 $0xffff, v15;
	_ =	sdelay $0x5  }
0x253: {  	(v2sf) =	vpush @p0 v16, $0x3;
	v15, _, _ =	vpop (xrf0)  }
0x254: {  	(v2sf) =	vpush v15, $0xF;
	_ =	sdelay $0xd  }
0x255: {  	s15 =	spop @p0 (v2sf)  }
0x256: {  	s15 =	spop (v2sf)  }
0x257: {  	p0 =	sgt.f32 s15, $0.0e+00;
	_ =	sdelay $0x1  }
0x258: {  	v15 =	vlaneseq.u32 @p0  }
0x259: {  	v15 =	vor.u32 @p0 s14, v15  }
0x25a: {  	(xrf1) =	vsort.dscd.msk.f32 @p0 $0xffff, v14, v15;
	_ =	sdelay $0xd  }
0x25b: {  	v15 =	vimm.f32 $+Inf;
	v16, v17, _ =	vpop @p0 (xrf1)  }
0x25c: {  	v14 =	vimm.s32 $0x0;
	vm0 =	vle.f32 @p0 v15, v16  }
0x25d: {  	v16 =	vsel @p0 vm0, v15, v16;
	v17 =	vsel @p0 vm0, v14, v17  }
0x25e: {  	(xrf1) =	vsort.ascd.msk.f32 @p0 $0xffff, v16, v17;
	_ =	sdelay $0xd  }
0x25f: {  	s15 =	simm.s32 $0x40;
	s14 =	simm.s32 $0x10;
	v16, v17, _ =	vpop @p0 (xrf1)  }
.LBB2_20:
0x260: {  	s17 =	sand.u32 $0x70, s14;
	s18 =	sand.u32 $0x7E00, s15;
	v15 =	vpsel p0, v16, v15;
	v14 =	vpsel p0, v17, v14;
	(v2sf) =	vpush @p0 v16, $0x3;
	s16 =	smov.u32 s14  }
0x261: {  	s14 =	sadd.s32 $0x10, s14;
	s17 =	sor.u32 s17, s18  }
0x262: {  	p1 =	sne.s32 s14, $0x1F40;
	v16 =	vld [tilespmem:s17+$0x0]  }
0x263: {  	v17 =	vld [tilespmem:s17+$0x80];
	_ =	sdelay $0x1  }
0x264: {  	v18 =	vld [tilespmem:s17+$0x100];
	_ =	sdelay $0x1  }
0x265: {  	v19 =	vld [tilespmem:s17+$0x180]  }
0x266: {  	v16 =	vsub.f32 v16, v10;
	v17 =	vsub.f32 v17, v11;
	_ =	sdelay $0x1  }
0x267: {  	v16 =	vand.u32 $0x7FFFFFFF, v16;
	v17 =	vand.u32 $0x7FFFFFFF, v17;
	v18 =	vsub.f32 v18, v12  }
0x268: {  	v16 =	vadd.f32 v17, v16  }
0x269: {  	v17 =	vand.u32 $0x7FFFFFFF, v18;
	v18 =	vsub.f32 v19, v13  }
0x26a: {  	v16 =	vadd.f32 v17, v16  }
0x26b: {  	v17 =	vand.u32 $0x7FFFFFFF, v18  }
0x26c: {  	v16 =	vadd.f32 v17, v16;
	s17 =	spop @p0 (v2sf)  }
0x26d: {  	s13 =	smov.u32 @p0 s17  }
0x26e: {  	vm0 =	vlt.f32 v16, s13  }
0x26f: {  	v17 =	vsel vm0, $0x3F800000, v2  }
0x270: {  	(xrf0) =	vmax.scan.msk.f32 $0xffff, v17;
	_ =	sdelay $0x5  }
0x271: {  	v17, _, _ =	vpop (xrf0)  }
0x272: {  	(v2sf) =	vpush v17, $0xF;
	_ =	sdelay $0xe  }
0x273: {  	s17 =	spop (v2sf)  }
0x274: {  	p0 =	sgt.f32 s17, $0.0e+00;
	_ =	sdelay $0x1  }
0x275: {  	v17 =	vlaneseq.u32 @p0  }
0x276: {  	v17 =	vor.u32 @p0 s16, v17  }
0x277: {  	(xrf1) =	vsort.dscd.msk.f32 @p0 $0xffff, v16, v17;
	_ =	sdelay $0xd  }
0x278: {  	v16, v17, _ =	vpop @p0 (xrf1)  }
0x279: {  	vm0 =	vle.f32 @p0 v15, v16  }
0x27a: {  	v16 =	vsel @p0 vm0, v15, v16;
	v17 =	vsel @p0 vm0, v14, v17  }
0x27b: {  	(xrf1) =	vsort.ascd.msk.f32 @p0 $0xffff, v16, v17;
	_ =	sdelay $0x9  }
.Ltmp9:
0x27c: {  	(pc) =	sbr.rel @p1 .LBB2_20-.Ltmp9, $2  }
0x27d: {  	_ =	sdelay $0x2  }
0x27e: {  	s15 =	sadd.s32 $0x40, s15;
	v16, v17, _ =	vpop @p0 (xrf1)  }
0x27f: {  	v10 =	vor.u32 $0x8, v0;
	_ =	sdelay $0x2  }
0x280: {  	s14 =	simm.s32 $0x0  }
0x281: {  	v11 =	vpsel p0, v17, v14;
	s13 =	sand.u32 $0x70, s14;
	s15 =	sand.u32 $0x7E00, s14  }
0x282: {  	s13 =	sor.u32 s13, s15;
	[tilespmem:v10+s10+$0x0] =	vst.idx.msk $0xf, v11  }
0x283: {  	v13 =	vld [tilespmem:s13+$0x0]  }
0x284: {  	v14 =	vld [tilespmem:s13+$0x80];
	_ =	sdelay $0x1  }
0x285: {  	v15 =	vld [tilespmem:s13+$0x100]  }
0x286: {  	v10 =	vbroadcast v6, $0x9;
	v11 =	vbroadcast v7, $0x9  }
0x287: {  	v17 =	vld [tilespmem:s13+$0x180]  }
0x288: {  	v12 =	vbroadcast v8, $0x9;
	v18 =	vsub.f32 v13, v10;
	v14 =	vsub.f32 v14, v11  }
0x289: {  	v13 =	vbroadcast v9, $0x9  }
0x28a: {  	v15 =	vsub.f32 v15, v12;
	v18 =	vand.u32 $0x7FFFFFFF, v18;
	v14 =	vand.u32 $0x7FFFFFFF, v14  }
0x28b: {  	v14 =	vadd.f32 v14, v18  }
0x28c: {  	v15 =	vand.u32 $0x7FFFFFFF, v15;
	v17 =	vsub.f32 v17, v13  }
0x28d: {  	v14 =	vadd.f32 v15, v14  }
0x28e: {  	v15 =	vand.u32 $0x7FFFFFFF, v17  }
0x28f: {  	v14 =	vadd.f32 v15, v14  }
0x290: {  	s13 =	simm.f32 $+Inf  }
0x291: {  	vm0 =	vlt.f32 v14, s13  }
0x292: {  	v15 =	vsel vm0, $0x3F800000, v2  }
0x293: {  	(xrf0) =	vmax.scan.msk.f32 $0xffff, v15;
	_ =	sdelay $0x5  }
0x294: {  	(v2sf) =	vpush @p0 v16, $0x3;
	v15, _, _ =	vpop (xrf0)  }
0x295: {  	(v2sf) =	vpush v15, $0xF;
	_ =	sdelay $0xd  }
0x296: {  	s15 =	spop @p0 (v2sf)  }
0x297: {  	s15 =	spop (v2sf)  }
0x298: {  	p0 =	sgt.f32 s15, $0.0e+00;
	_ =	sdelay $0x1  }
0x299: {  	v15 =	vlaneseq.u32 @p0  }
0x29a: {  	v15 =	vor.u32 @p0 s14, v15  }
0x29b: {  	(xrf1) =	vsort.dscd.msk.f32 @p0 $0xffff, v14, v15;
	_ =	sdelay $0xd  }
0x29c: {  	v15 =	vimm.f32 $+Inf;
	v16, v17, _ =	vpop @p0 (xrf1)  }
0x29d: {  	v14 =	vimm.s32 $0x0;
	vm0 =	vle.f32 @p0 v15, v16  }
0x29e: {  	v16 =	vsel @p0 vm0, v15, v16;
	v17 =	vsel @p0 vm0, v14, v17  }
0x29f: {  	(xrf1) =	vsort.ascd.msk.f32 @p0 $0xffff, v16, v17;
	_ =	sdelay $0xd  }
0x2a0: {  	s15 =	simm.s32 $0x40;
	s14 =	simm.s32 $0x10;
	v16, v17, _ =	vpop @p0 (xrf1)  }
.LBB2_22:
0x2a1: {  	s17 =	sand.u32 $0x70, s14;
	s18 =	sand.u32 $0x7E00, s15;
	v15 =	vpsel p0, v16, v15;
	v14 =	vpsel p0, v17, v14;
	(v2sf) =	vpush @p0 v16, $0x3;
	s16 =	smov.u32 s14  }
0x2a2: {  	s14 =	sadd.s32 $0x10, s14;
	s17 =	sor.u32 s17, s18  }
0x2a3: {  	p1 =	sne.s32 s14, $0x1F40;
	v16 =	vld [tilespmem:s17+$0x0]  }
0x2a4: {  	v17 =	vld [tilespmem:s17+$0x80];
	_ =	sdelay $0x1  }
0x2a5: {  	v18 =	vld [tilespmem:s17+$0x100];
	_ =	sdelay $0x1  }
0x2a6: {  	v19 =	vld [tilespmem:s17+$0x180]  }
0x2a7: {  	v16 =	vsub.f32 v16, v10;
	v17 =	vsub.f32 v17, v11;
	_ =	sdelay $0x1  }
0x2a8: {  	v16 =	vand.u32 $0x7FFFFFFF, v16;
	v17 =	vand.u32 $0x7FFFFFFF, v17;
	v18 =	vsub.f32 v18, v12  }
0x2a9: {  	v16 =	vadd.f32 v17, v16  }
0x2aa: {  	v17 =	vand.u32 $0x7FFFFFFF, v18;
	v18 =	vsub.f32 v19, v13  }
0x2ab: {  	v16 =	vadd.f32 v17, v16  }
0x2ac: {  	v17 =	vand.u32 $0x7FFFFFFF, v18  }
0x2ad: {  	v16 =	vadd.f32 v17, v16;
	s17 =	spop @p0 (v2sf)  }
0x2ae: {  	s13 =	smov.u32 @p0 s17  }
0x2af: {  	vm0 =	vlt.f32 v16, s13  }
0x2b0: {  	v17 =	vsel vm0, $0x3F800000, v2  }
0x2b1: {  	(xrf0) =	vmax.scan.msk.f32 $0xffff, v17;
	_ =	sdelay $0x5  }
0x2b2: {  	v17, _, _ =	vpop (xrf0)  }
0x2b3: {  	(v2sf) =	vpush v17, $0xF;
	_ =	sdelay $0xe  }
0x2b4: {  	s17 =	spop (v2sf)  }
0x2b5: {  	p0 =	sgt.f32 s17, $0.0e+00;
	_ =	sdelay $0x1  }
0x2b6: {  	v17 =	vlaneseq.u32 @p0  }
0x2b7: {  	v17 =	vor.u32 @p0 s16, v17  }
0x2b8: {  	(xrf1) =	vsort.dscd.msk.f32 @p0 $0xffff, v16, v17;
	_ =	sdelay $0xd  }
0x2b9: {  	v16, v17, _ =	vpop @p0 (xrf1)  }
0x2ba: {  	vm0 =	vle.f32 @p0 v15, v16  }
0x2bb: {  	v16 =	vsel @p0 vm0, v15, v16;
	v17 =	vsel @p0 vm0, v14, v17  }
0x2bc: {  	(xrf1) =	vsort.ascd.msk.f32 @p0 $0xffff, v16, v17;
	_ =	sdelay $0x9  }
.Ltmp10:
0x2bd: {  	(pc) =	sbr.rel @p1 .LBB2_22-.Ltmp10, $2  }
0x2be: {  	_ =	sdelay $0x2  }
0x2bf: {  	s15 =	sadd.s32 $0x40, s15;
	v16, v17, _ =	vpop @p0 (xrf1)  }
0x2c0: {  	v10 =	vor.u32 $0x9, v0;
	_ =	sdelay $0x2  }
0x2c1: {  	s14 =	simm.s32 $0x0  }
0x2c2: {  	v11 =	vpsel p0, v17, v14;
	s13 =	sand.u32 $0x70, s14;
	s15 =	sand.u32 $0x7E00, s14  }
0x2c3: {  	s13 =	sor.u32 s13, s15;
	[tilespmem:v10+s10+$0x0] =	vst.idx.msk $0xf, v11  }
0x2c4: {  	v13 =	vld [tilespmem:s13+$0x0]  }
0x2c5: {  	v14 =	vld [tilespmem:s13+$0x80];
	_ =	sdelay $0x1  }
0x2c6: {  	v15 =	vld [tilespmem:s13+$0x100]  }
0x2c7: {  	v10 =	vbroadcast v6, $0xA;
	v11 =	vbroadcast v7, $0xA  }
0x2c8: {  	v17 =	vld [tilespmem:s13+$0x180]  }
0x2c9: {  	v12 =	vbroadcast v8, $0xA;
	v18 =	vsub.f32 v13, v10;
	v14 =	vsub.f32 v14, v11  }
0x2ca: {  	v13 =	vbroadcast v9, $0xA  }
0x2cb: {  	v15 =	vsub.f32 v15, v12;
	v18 =	vand.u32 $0x7FFFFFFF, v18;
	v14 =	vand.u32 $0x7FFFFFFF, v14  }
0x2cc: {  	v14 =	vadd.f32 v14, v18  }
0x2cd: {  	v15 =	vand.u32 $0x7FFFFFFF, v15;
	v17 =	vsub.f32 v17, v13  }
0x2ce: {  	v14 =	vadd.f32 v15, v14  }
0x2cf: {  	v15 =	vand.u32 $0x7FFFFFFF, v17  }
0x2d0: {  	v14 =	vadd.f32 v15, v14  }
0x2d1: {  	s13 =	simm.f32 $+Inf  }
0x2d2: {  	vm0 =	vlt.f32 v14, s13  }
0x2d3: {  	v15 =	vsel vm0, $0x3F800000, v2  }
0x2d4: {  	(xrf0) =	vmax.scan.msk.f32 $0xffff, v15;
	_ =	sdelay $0x5  }
0x2d5: {  	(v2sf) =	vpush @p0 v16, $0x3;
	v15, _, _ =	vpop (xrf0)  }
0x2d6: {  	(v2sf) =	vpush v15, $0xF;
	_ =	sdelay $0xd  }
0x2d7: {  	s15 =	spop @p0 (v2sf)  }
0x2d8: {  	s15 =	spop (v2sf)  }
0x2d9: {  	p0 =	sgt.f32 s15, $0.0e+00;
	_ =	sdelay $0x1  }
0x2da: {  	v15 =	vlaneseq.u32 @p0  }
0x2db: {  	v15 =	vor.u32 @p0 s14, v15  }
0x2dc: {  	(xrf1) =	vsort.dscd.msk.f32 @p0 $0xffff, v14, v15;
	_ =	sdelay $0xd  }
0x2dd: {  	v15 =	vimm.f32 $+Inf;
	v16, v17, _ =	vpop @p0 (xrf1)  }
0x2de: {  	v14 =	vimm.s32 $0x0;
	vm0 =	vle.f32 @p0 v15, v16  }
0x2df: {  	v16 =	vsel @p0 vm0, v15, v16;
	v17 =	vsel @p0 vm0, v14, v17  }
0x2e0: {  	(xrf1) =	vsort.ascd.msk.f32 @p0 $0xffff, v16, v17;
	_ =	sdelay $0xd  }
0x2e1: {  	s15 =	simm.s32 $0x40;
	s14 =	simm.s32 $0x10;
	v16, v17, _ =	vpop @p0 (xrf1)  }
.LBB2_24:
0x2e2: {  	s17 =	sand.u32 $0x70, s14;
	s18 =	sand.u32 $0x7E00, s15;
	v15 =	vpsel p0, v16, v15;
	v14 =	vpsel p0, v17, v14;
	(v2sf) =	vpush @p0 v16, $0x3;
	s16 =	smov.u32 s14  }
0x2e3: {  	s14 =	sadd.s32 $0x10, s14;
	s17 =	sor.u32 s17, s18  }
0x2e4: {  	p1 =	sne.s32 s14, $0x1F40;
	v16 =	vld [tilespmem:s17+$0x0]  }
0x2e5: {  	v17 =	vld [tilespmem:s17+$0x80];
	_ =	sdelay $0x1  }
0x2e6: {  	v18 =	vld [tilespmem:s17+$0x100];
	_ =	sdelay $0x1  }
0x2e7: {  	v19 =	vld [tilespmem:s17+$0x180]  }
0x2e8: {  	v16 =	vsub.f32 v16, v10;
	v17 =	vsub.f32 v17, v11;
	_ =	sdelay $0x1  }
0x2e9: {  	v16 =	vand.u32 $0x7FFFFFFF, v16;
	v17 =	vand.u32 $0x7FFFFFFF, v17;
	v18 =	vsub.f32 v18, v12  }
0x2ea: {  	v16 =	vadd.f32 v17, v16  }
0x2eb: {  	v17 =	vand.u32 $0x7FFFFFFF, v18;
	v18 =	vsub.f32 v19, v13  }
0x2ec: {  	v16 =	vadd.f32 v17, v16  }
0x2ed: {  	v17 =	vand.u32 $0x7FFFFFFF, v18  }
0x2ee: {  	v16 =	vadd.f32 v17, v16;
	s17 =	spop @p0 (v2sf)  }
0x2ef: {  	s13 =	smov.u32 @p0 s17  }
0x2f0: {  	vm0 =	vlt.f32 v16, s13  }
0x2f1: {  	v17 =	vsel vm0, $0x3F800000, v2  }
0x2f2: {  	(xrf0) =	vmax.scan.msk.f32 $0xffff, v17;
	_ =	sdelay $0x5  }
0x2f3: {  	v17, _, _ =	vpop (xrf0)  }
0x2f4: {  	(v2sf) =	vpush v17, $0xF;
	_ =	sdelay $0xe  }
0x2f5: {  	s17 =	spop (v2sf)  }
0x2f6: {  	p0 =	sgt.f32 s17, $0.0e+00;
	_ =	sdelay $0x1  }
0x2f7: {  	v17 =	vlaneseq.u32 @p0  }
0x2f8: {  	v17 =	vor.u32 @p0 s16, v17  }
0x2f9: {  	(xrf1) =	vsort.dscd.msk.f32 @p0 $0xffff, v16, v17;
	_ =	sdelay $0xd  }
0x2fa: {  	v16, v17, _ =	vpop @p0 (xrf1)  }
0x2fb: {  	vm0 =	vle.f32 @p0 v15, v16  }
0x2fc: {  	v16 =	vsel @p0 vm0, v15, v16;
	v17 =	vsel @p0 vm0, v14, v17  }
0x2fd: {  	(xrf1) =	vsort.ascd.msk.f32 @p0 $0xffff, v16, v17;
	_ =	sdelay $0x9  }
.Ltmp11:
0x2fe: {  	(pc) =	sbr.rel @p1 .LBB2_24-.Ltmp11, $2  }
0x2ff: {  	_ =	sdelay $0x2  }
0x300: {  	s15 =	sadd.s32 $0x40, s15;
	v16, v17, _ =	vpop @p0 (xrf1)  }
0x301: {  	v10 =	vor.u32 $0xA, v0;
	_ =	sdelay $0x2  }
0x302: {  	s14 =	simm.s32 $0x0  }
0x303: {  	v11 =	vpsel p0, v17, v14;
	s13 =	sand.u32 $0x70, s14;
	s15 =	sand.u32 $0x7E00, s14  }
0x304: {  	s13 =	sor.u32 s13, s15;
	[tilespmem:v10+s10+$0x0] =	vst.idx.msk $0xf, v11  }
0x305: {  	v13 =	vld [tilespmem:s13+$0x0]  }
0x306: {  	v14 =	vld [tilespmem:s13+$0x80];
	_ =	sdelay $0x1  }
0x307: {  	v15 =	vld [tilespmem:s13+$0x100]  }
0x308: {  	v10 =	vbroadcast v6, $0xB;
	v11 =	vbroadcast v7, $0xB  }
0x309: {  	v17 =	vld [tilespmem:s13+$0x180]  }
0x30a: {  	v12 =	vbroadcast v8, $0xB;
	v18 =	vsub.f32 v13, v10;
	v14 =	vsub.f32 v14, v11  }
0x30b: {  	v13 =	vbroadcast v9, $0xB  }
0x30c: {  	v15 =	vsub.f32 v15, v12;
	v18 =	vand.u32 $0x7FFFFFFF, v18;
	v14 =	vand.u32 $0x7FFFFFFF, v14  }
0x30d: {  	v14 =	vadd.f32 v14, v18  }
0x30e: {  	v15 =	vand.u32 $0x7FFFFFFF, v15;
	v17 =	vsub.f32 v17, v13  }
0x30f: {  	v14 =	vadd.f32 v15, v14  }
0x310: {  	v15 =	vand.u32 $0x7FFFFFFF, v17  }
0x311: {  	v14 =	vadd.f32 v15, v14  }
0x312: {  	s13 =	simm.f32 $+Inf  }
0x313: {  	vm0 =	vlt.f32 v14, s13  }
0x314: {  	v15 =	vsel vm0, $0x3F800000, v2  }
0x315: {  	(xrf0) =	vmax.scan.msk.f32 $0xffff, v15;
	_ =	sdelay $0x5  }
0x316: {  	(v2sf) =	vpush @p0 v16, $0x3;
	v15, _, _ =	vpop (xrf0)  }
0x317: {  	(v2sf) =	vpush v15, $0xF;
	_ =	sdelay $0xd  }
0x318: {  	s15 =	spop @p0 (v2sf)  }
0x319: {  	s15 =	spop (v2sf)  }
0x31a: {  	p0 =	sgt.f32 s15, $0.0e+00;
	_ =	sdelay $0x1  }
0x31b: {  	v15 =	vlaneseq.u32 @p0  }
0x31c: {  	v15 =	vor.u32 @p0 s14, v15  }
0x31d: {  	(xrf1) =	vsort.dscd.msk.f32 @p0 $0xffff, v14, v15;
	_ =	sdelay $0xd  }
0x31e: {  	v15 =	vimm.f32 $+Inf;
	v16, v17, _ =	vpop @p0 (xrf1)  }
0x31f: {  	v14 =	vimm.s32 $0x0;
	vm0 =	vle.f32 @p0 v15, v16  }
0x320: {  	v16 =	vsel @p0 vm0, v15, v16;
	v17 =	vsel @p0 vm0, v14, v17  }
0x321: {  	(xrf1) =	vsort.ascd.msk.f32 @p0 $0xffff, v16, v17;
	_ =	sdelay $0xd  }
0x322: {  	s15 =	simm.s32 $0x40;
	s14 =	simm.s32 $0x10;
	v16, v17, _ =	vpop @p0 (xrf1)  }
.LBB2_26:
0x323: {  	s17 =	sand.u32 $0x70, s14;
	s18 =	sand.u32 $0x7E00, s15;
	v15 =	vpsel p0, v16, v15;
	v14 =	vpsel p0, v17, v14;
	(v2sf) =	vpush @p0 v16, $0x3;
	s16 =	smov.u32 s14  }
0x324: {  	s14 =	sadd.s32 $0x10, s14;
	s17 =	sor.u32 s17, s18  }
0x325: {  	p1 =	sne.s32 s14, $0x1F40;
	v16 =	vld [tilespmem:s17+$0x0]  }
0x326: {  	v17 =	vld [tilespmem:s17+$0x80];
	_ =	sdelay $0x1  }
0x327: {  	v18 =	vld [tilespmem:s17+$0x100];
	_ =	sdelay $0x1  }
0x328: {  	v19 =	vld [tilespmem:s17+$0x180]  }
0x329: {  	v16 =	vsub.f32 v16, v10;
	v17 =	vsub.f32 v17, v11;
	_ =	sdelay $0x1  }
0x32a: {  	v16 =	vand.u32 $0x7FFFFFFF, v16;
	v17 =	vand.u32 $0x7FFFFFFF, v17;
	v18 =	vsub.f32 v18, v12  }
0x32b: {  	v16 =	vadd.f32 v17, v16  }
0x32c: {  	v17 =	vand.u32 $0x7FFFFFFF, v18;
	v18 =	vsub.f32 v19, v13  }
0x32d: {  	v16 =	vadd.f32 v17, v16  }
0x32e: {  	v17 =	vand.u32 $0x7FFFFFFF, v18  }
0x32f: {  	v16 =	vadd.f32 v17, v16;
	s17 =	spop @p0 (v2sf)  }
0x330: {  	s13 =	smov.u32 @p0 s17  }
0x331: {  	vm0 =	vlt.f32 v16, s13  }
0x332: {  	v17 =	vsel vm0, $0x3F800000, v2  }
0x333: {  	(xrf0) =	vmax.scan.msk.f32 $0xffff, v17;
	_ =	sdelay $0x5  }
0x334: {  	v17, _, _ =	vpop (xrf0)  }
0x335: {  	(v2sf) =	vpush v17, $0xF;
	_ =	sdelay $0xe  }
0x336: {  	s17 =	spop (v2sf)  }
0x337: {  	p0 =	sgt.f32 s17, $0.0e+00;
	_ =	sdelay $0x1  }
0x338: {  	v17 =	vlaneseq.u32 @p0  }
0x339: {  	v17 =	vor.u32 @p0 s16, v17  }
0x33a: {  	(xrf1) =	vsort.dscd.msk.f32 @p0 $0xffff, v16, v17;
	_ =	sdelay $0xd  }
0x33b: {  	v16, v17, _ =	vpop @p0 (xrf1)  }
0x33c: {  	vm0 =	vle.f32 @p0 v15, v16  }
0x33d: {  	v16 =	vsel @p0 vm0, v15, v16;
	v17 =	vsel @p0 vm0, v14, v17  }
0x33e: {  	(xrf1) =	vsort.ascd.msk.f32 @p0 $0xffff, v16, v17;
	_ =	sdelay $0x9  }
.Ltmp12:
0x33f: {  	(pc) =	sbr.rel @p1 .LBB2_26-.Ltmp12, $2  }
0x340: {  	_ =	sdelay $0x2  }
0x341: {  	s15 =	sadd.s32 $0x40, s15;
	v16, v17, _ =	vpop @p0 (xrf1)  }
0x342: {  	v10 =	vor.u32 $0xB, v0;
	_ =	sdelay $0x2  }
0x343: {  	s14 =	simm.s32 $0x0  }
0x344: {  	v11 =	vpsel p0, v17, v14;
	s13 =	sand.u32 $0x70, s14;
	s15 =	sand.u32 $0x7E00, s14  }
0x345: {  	s13 =	sor.u32 s13, s15;
	[tilespmem:v10+s10+$0x0] =	vst.idx.msk $0xf, v11  }
0x346: {  	v13 =	vld [tilespmem:s13+$0x0]  }
0x347: {  	v14 =	vld [tilespmem:s13+$0x80];
	_ =	sdelay $0x1  }
0x348: {  	v15 =	vld [tilespmem:s13+$0x100]  }
0x349: {  	v10 =	vbroadcast v6, $0xC;
	v11 =	vbroadcast v7, $0xC  }
0x34a: {  	v17 =	vld [tilespmem:s13+$0x180]  }
0x34b: {  	v12 =	vbroadcast v8, $0xC;
	v18 =	vsub.f32 v13, v10;
	v14 =	vsub.f32 v14, v11  }
0x34c: {  	v13 =	vbroadcast v9, $0xC  }
0x34d: {  	v15 =	vsub.f32 v15, v12;
	v18 =	vand.u32 $0x7FFFFFFF, v18;
	v14 =	vand.u32 $0x7FFFFFFF, v14  }
0x34e: {  	v14 =	vadd.f32 v14, v18  }
0x34f: {  	v15 =	vand.u32 $0x7FFFFFFF, v15;
	v17 =	vsub.f32 v17, v13  }
0x350: {  	v14 =	vadd.f32 v15, v14  }
0x351: {  	v15 =	vand.u32 $0x7FFFFFFF, v17  }
0x352: {  	v14 =	vadd.f32 v15, v14  }
0x353: {  	s13 =	simm.f32 $+Inf  }
0x354: {  	vm0 =	vlt.f32 v14, s13  }
0x355: {  	v15 =	vsel vm0, $0x3F800000, v2  }
0x356: {  	(xrf0) =	vmax.scan.msk.f32 $0xffff, v15;
	_ =	sdelay $0x5  }
0x357: {  	(v2sf) =	vpush @p0 v16, $0x3;
	v15, _, _ =	vpop (xrf0)  }
0x358: {  	(v2sf) =	vpush v15, $0xF;
	_ =	sdelay $0xd  }
0x359: {  	s15 =	spop @p0 (v2sf)  }
0x35a: {  	s15 =	spop (v2sf)  }
0x35b: {  	p0 =	sgt.f32 s15, $0.0e+00;
	_ =	sdelay $0x1  }
0x35c: {  	v15 =	vlaneseq.u32 @p0  }
0x35d: {  	v15 =	vor.u32 @p0 s14, v15  }
0x35e: {  	(xrf1) =	vsort.dscd.msk.f32 @p0 $0xffff, v14, v15;
	_ =	sdelay $0xd  }
0x35f: {  	v15 =	vimm.f32 $+Inf;
	v16, v17, _ =	vpop @p0 (xrf1)  }
0x360: {  	v14 =	vimm.s32 $0x0;
	vm0 =	vle.f32 @p0 v15, v16  }
0x361: {  	v16 =	vsel @p0 vm0, v15, v16;
	v17 =	vsel @p0 vm0, v14, v17  }
0x362: {  	(xrf1) =	vsort.ascd.msk.f32 @p0 $0xffff, v16, v17;
	_ =	sdelay $0xd  }
0x363: {  	s15 =	simm.s32 $0x40;
	s14 =	simm.s32 $0x10;
	v16, v17, _ =	vpop @p0 (xrf1)  }
.LBB2_28:
0x364: {  	s17 =	sand.u32 $0x70, s14;
	s18 =	sand.u32 $0x7E00, s15;
	v15 =	vpsel p0, v16, v15;
	v14 =	vpsel p0, v17, v14;
	(v2sf) =	vpush @p0 v16, $0x3;
	s16 =	smov.u32 s14  }
0x365: {  	s14 =	sadd.s32 $0x10, s14;
	s17 =	sor.u32 s17, s18  }
0x366: {  	p1 =	sne.s32 s14, $0x1F40;
	v16 =	vld [tilespmem:s17+$0x0]  }
0x367: {  	v17 =	vld [tilespmem:s17+$0x80];
	_ =	sdelay $0x1  }
0x368: {  	v18 =	vld [tilespmem:s17+$0x100];
	_ =	sdelay $0x1  }
0x369: {  	v19 =	vld [tilespmem:s17+$0x180]  }
0x36a: {  	v16 =	vsub.f32 v16, v10;
	v17 =	vsub.f32 v17, v11;
	_ =	sdelay $0x1  }
0x36b: {  	v16 =	vand.u32 $0x7FFFFFFF, v16;
	v17 =	vand.u32 $0x7FFFFFFF, v17;
	v18 =	vsub.f32 v18, v12  }
0x36c: {  	v16 =	vadd.f32 v17, v16  }
0x36d: {  	v17 =	vand.u32 $0x7FFFFFFF, v18;
	v18 =	vsub.f32 v19, v13  }
0x36e: {  	v16 =	vadd.f32 v17, v16  }
0x36f: {  	v17 =	vand.u32 $0x7FFFFFFF, v18  }
0x370: {  	v16 =	vadd.f32 v17, v16;
	s17 =	spop @p0 (v2sf)  }
0x371: {  	s13 =	smov.u32 @p0 s17  }
0x372: {  	vm0 =	vlt.f32 v16, s13  }
0x373: {  	v17 =	vsel vm0, $0x3F800000, v2  }
0x374: {  	(xrf0) =	vmax.scan.msk.f32 $0xffff, v17;
	_ =	sdelay $0x5  }
0x375: {  	v17, _, _ =	vpop (xrf0)  }
0x376: {  	(v2sf) =	vpush v17, $0xF;
	_ =	sdelay $0xe  }
0x377: {  	s17 =	spop (v2sf)  }
0x378: {  	p0 =	sgt.f32 s17, $0.0e+00;
	_ =	sdelay $0x1  }
0x379: {  	v17 =	vlaneseq.u32 @p0  }
0x37a: {  	v17 =	vor.u32 @p0 s16, v17  }
0x37b: {  	(xrf1) =	vsort.dscd.msk.f32 @p0 $0xffff, v16, v17;
	_ =	sdelay $0xd  }
0x37c: {  	v16, v17, _ =	vpop @p0 (xrf1)  }
0x37d: {  	vm0 =	vle.f32 @p0 v15, v16  }
0x37e: {  	v16 =	vsel @p0 vm0, v15, v16;
	v17 =	vsel @p0 vm0, v14, v17  }
0x37f: {  	(xrf1) =	vsort.ascd.msk.f32 @p0 $0xffff, v16, v17;
	_ =	sdelay $0x9  }
.Ltmp13:
0x380: {  	(pc) =	sbr.rel @p1 .LBB2_28-.Ltmp13, $2  }
0x381: {  	_ =	sdelay $0x2  }
0x382: {  	s15 =	sadd.s32 $0x40, s15;
	v16, v17, _ =	vpop @p0 (xrf1)  }
0x383: {  	v10 =	vor.u32 $0xC, v0;
	_ =	sdelay $0x2  }
0x384: {  	s14 =	simm.s32 $0x0  }
0x385: {  	v11 =	vpsel p0, v17, v14;
	s13 =	sand.u32 $0x70, s14;
	s15 =	sand.u32 $0x7E00, s14  }
0x386: {  	s13 =	sor.u32 s13, s15;
	[tilespmem:v10+s10+$0x0] =	vst.idx.msk $0xf, v11  }
0x387: {  	v13 =	vld [tilespmem:s13+$0x0]  }
0x388: {  	v14 =	vld [tilespmem:s13+$0x80];
	_ =	sdelay $0x1  }
0x389: {  	v15 =	vld [tilespmem:s13+$0x100]  }
0x38a: {  	v10 =	vbroadcast v6, $0xD;
	v11 =	vbroadcast v7, $0xD  }
0x38b: {  	v17 =	vld [tilespmem:s13+$0x180]  }
0x38c: {  	v12 =	vbroadcast v8, $0xD;
	v18 =	vsub.f32 v13, v10;
	v14 =	vsub.f32 v14, v11  }
0x38d: {  	v13 =	vbroadcast v9, $0xD  }
0x38e: {  	v15 =	vsub.f32 v15, v12;
	v18 =	vand.u32 $0x7FFFFFFF, v18;
	v14 =	vand.u32 $0x7FFFFFFF, v14  }
0x38f: {  	v14 =	vadd.f32 v14, v18  }
0x390: {  	v15 =	vand.u32 $0x7FFFFFFF, v15;
	v17 =	vsub.f32 v17, v13  }
0x391: {  	v14 =	vadd.f32 v15, v14  }
0x392: {  	v15 =	vand.u32 $0x7FFFFFFF, v17  }
0x393: {  	v14 =	vadd.f32 v15, v14  }
0x394: {  	s13 =	simm.f32 $+Inf  }
0x395: {  	vm0 =	vlt.f32 v14, s13  }
0x396: {  	v15 =	vsel vm0, $0x3F800000, v2  }
0x397: {  	(xrf0) =	vmax.scan.msk.f32 $0xffff, v15;
	_ =	sdelay $0x5  }
0x398: {  	(v2sf) =	vpush @p0 v16, $0x3;
	v15, _, _ =	vpop (xrf0)  }
0x399: {  	(v2sf) =	vpush v15, $0xF;
	_ =	sdelay $0xd  }
0x39a: {  	s15 =	spop @p0 (v2sf)  }
0x39b: {  	s15 =	spop (v2sf)  }
0x39c: {  	p0 =	sgt.f32 s15, $0.0e+00;
	_ =	sdelay $0x1  }
0x39d: {  	v15 =	vlaneseq.u32 @p0  }
0x39e: {  	v15 =	vor.u32 @p0 s14, v15  }
0x39f: {  	(xrf1) =	vsort.dscd.msk.f32 @p0 $0xffff, v14, v15;
	_ =	sdelay $0xd  }
0x3a0: {  	v15 =	vimm.f32 $+Inf;
	v16, v17, _ =	vpop @p0 (xrf1)  }
0x3a1: {  	v14 =	vimm.s32 $0x0;
	vm0 =	vle.f32 @p0 v15, v16  }
0x3a2: {  	v16 =	vsel @p0 vm0, v15, v16;
	v17 =	vsel @p0 vm0, v14, v17  }
0x3a3: {  	(xrf1) =	vsort.ascd.msk.f32 @p0 $0xffff, v16, v17;
	_ =	sdelay $0xd  }
0x3a4: {  	s15 =	simm.s32 $0x40;
	s14 =	simm.s32 $0x10;
	v16, v17, _ =	vpop @p0 (xrf1)  }
.LBB2_30:
0x3a5: {  	s17 =	sand.u32 $0x70, s14;
	s18 =	sand.u32 $0x7E00, s15;
	v15 =	vpsel p0, v16, v15;
	v14 =	vpsel p0, v17, v14;
	(v2sf) =	vpush @p0 v16, $0x3;
	s16 =	smov.u32 s14  }
0x3a6: {  	s14 =	sadd.s32 $0x10, s14;
	s17 =	sor.u32 s17, s18  }
0x3a7: {  	p1 =	sne.s32 s14, $0x1F40;
	v16 =	vld [tilespmem:s17+$0x0]  }
0x3a8: {  	v17 =	vld [tilespmem:s17+$0x80];
	_ =	sdelay $0x1  }
0x3a9: {  	v18 =	vld [tilespmem:s17+$0x100];
	_ =	sdelay $0x1  }
0x3aa: {  	v19 =	vld [tilespmem:s17+$0x180]  }
0x3ab: {  	v16 =	vsub.f32 v16, v10;
	v17 =	vsub.f32 v17, v11;
	_ =	sdelay $0x1  }
0x3ac: {  	v16 =	vand.u32 $0x7FFFFFFF, v16;
	v17 =	vand.u32 $0x7FFFFFFF, v17;
	v18 =	vsub.f32 v18, v12  }
0x3ad: {  	v16 =	vadd.f32 v17, v16  }
0x3ae: {  	v17 =	vand.u32 $0x7FFFFFFF, v18;
	v18 =	vsub.f32 v19, v13  }
0x3af: {  	v16 =	vadd.f32 v17, v16  }
0x3b0: {  	v17 =	vand.u32 $0x7FFFFFFF, v18  }
0x3b1: {  	v16 =	vadd.f32 v17, v16;
	s17 =	spop @p0 (v2sf)  }
0x3b2: {  	s13 =	smov.u32 @p0 s17  }
0x3b3: {  	vm0 =	vlt.f32 v16, s13  }
0x3b4: {  	v17 =	vsel vm0, $0x3F800000, v2  }
0x3b5: {  	(xrf0) =	vmax.scan.msk.f32 $0xffff, v17;
	_ =	sdelay $0x5  }
0x3b6: {  	v17, _, _ =	vpop (xrf0)  }
0x3b7: {  	(v2sf) =	vpush v17, $0xF;
	_ =	sdelay $0xe  }
0x3b8: {  	s17 =	spop (v2sf)  }
0x3b9: {  	p0 =	sgt.f32 s17, $0.0e+00;
	_ =	sdelay $0x1  }
0x3ba: {  	v17 =	vlaneseq.u32 @p0  }
0x3bb: {  	v17 =	vor.u32 @p0 s16, v17  }
0x3bc: {  	(xrf1) =	vsort.dscd.msk.f32 @p0 $0xffff, v16, v17;
	_ =	sdelay $0xd  }
0x3bd: {  	v16, v17, _ =	vpop @p0 (xrf1)  }
0x3be: {  	vm0 =	vle.f32 @p0 v15, v16  }
0x3bf: {  	v16 =	vsel @p0 vm0, v15, v16;
	v17 =	vsel @p0 vm0, v14, v17  }
0x3c0: {  	(xrf1) =	vsort.ascd.msk.f32 @p0 $0xffff, v16, v17;
	_ =	sdelay $0x9  }
.Ltmp14:
0x3c1: {  	(pc) =	sbr.rel @p1 .LBB2_30-.Ltmp14, $2  }
0x3c2: {  	_ =	sdelay $0x2  }
0x3c3: {  	s15 =	sadd.s32 $0x40, s15;
	v16, v17, _ =	vpop @p0 (xrf1)  }
0x3c4: {  	v10 =	vor.u32 $0xD, v0;
	_ =	sdelay $0x2  }
0x3c5: {  	s14 =	simm.s32 $0x0  }
0x3c6: {  	v11 =	vpsel p0, v17, v14;
	s13 =	sand.u32 $0x70, s14;
	s15 =	sand.u32 $0x7E00, s14  }
0x3c7: {  	s13 =	sor.u32 s13, s15;
	[tilespmem:v10+s10+$0x0] =	vst.idx.msk $0xf, v11  }
0x3c8: {  	v13 =	vld [tilespmem:s13+$0x0]  }
0x3c9: {  	v14 =	vld [tilespmem:s13+$0x80];
	_ =	sdelay $0x1  }
0x3ca: {  	v15 =	vld [tilespmem:s13+$0x100]  }
0x3cb: {  	v10 =	vbroadcast v6, $0xE;
	v11 =	vbroadcast v7, $0xE  }
0x3cc: {  	v17 =	vld [tilespmem:s13+$0x180]  }
0x3cd: {  	v12 =	vbroadcast v8, $0xE;
	v18 =	vsub.f32 v13, v10;
	v14 =	vsub.f32 v14, v11  }
0x3ce: {  	v13 =	vbroadcast v9, $0xE  }
0x3cf: {  	v15 =	vsub.f32 v15, v12;
	v18 =	vand.u32 $0x7FFFFFFF, v18;
	v14 =	vand.u32 $0x7FFFFFFF, v14  }
0x3d0: {  	v14 =	vadd.f32 v14, v18  }
0x3d1: {  	v15 =	vand.u32 $0x7FFFFFFF, v15;
	v17 =	vsub.f32 v17, v13  }
0x3d2: {  	v14 =	vadd.f32 v15, v14  }
0x3d3: {  	v15 =	vand.u32 $0x7FFFFFFF, v17  }
0x3d4: {  	v14 =	vadd.f32 v15, v14  }
0x3d5: {  	s13 =	simm.f32 $+Inf  }
0x3d6: {  	vm0 =	vlt.f32 v14, s13  }
0x3d7: {  	v15 =	vsel vm0, $0x3F800000, v2  }
0x3d8: {  	(xrf0) =	vmax.scan.msk.f32 $0xffff, v15;
	_ =	sdelay $0x5  }
0x3d9: {  	(v2sf) =	vpush @p0 v16, $0x3;
	v15, _, _ =	vpop (xrf0)  }
0x3da: {  	(v2sf) =	vpush v15, $0xF;
	_ =	sdelay $0xd  }
0x3db: {  	s15 =	spop @p0 (v2sf)  }
0x3dc: {  	s15 =	spop (v2sf)  }
0x3dd: {  	p0 =	sgt.f32 s15, $0.0e+00;
	_ =	sdelay $0x1  }
0x3de: {  	v15 =	vlaneseq.u32 @p0  }
0x3df: {  	v15 =	vor.u32 @p0 s14, v15  }
0x3e0: {  	(xrf1) =	vsort.dscd.msk.f32 @p0 $0xffff, v14, v15;
	_ =	sdelay $0xd  }
0x3e1: {  	v15 =	vimm.f32 $+Inf;
	v16, v17, _ =	vpop @p0 (xrf1)  }
0x3e2: {  	v14 =	vimm.s32 $0x0;
	vm0 =	vle.f32 @p0 v15, v16  }
0x3e3: {  	v16 =	vsel @p0 vm0, v15, v16;
	v17 =	vsel @p0 vm0, v14, v17  }
0x3e4: {  	(xrf1) =	vsort.ascd.msk.f32 @p0 $0xffff, v16, v17;
	_ =	sdelay $0xd  }
0x3e5: {  	s15 =	simm.s32 $0x40;
	s14 =	simm.s32 $0x10;
	v16, v17, _ =	vpop @p0 (xrf1)  }
.LBB2_32:
0x3e6: {  	s17 =	sand.u32 $0x70, s14;
	s18 =	sand.u32 $0x7E00, s15;
	v15 =	vpsel p0, v16, v15;
	v14 =	vpsel p0, v17, v14;
	(v2sf) =	vpush @p0 v16, $0x3;
	s16 =	smov.u32 s14  }
0x3e7: {  	s14 =	sadd.s32 $0x10, s14;
	s17 =	sor.u32 s17, s18  }
0x3e8: {  	p1 =	sne.s32 s14, $0x1F40;
	v16 =	vld [tilespmem:s17+$0x0]  }
0x3e9: {  	v17 =	vld [tilespmem:s17+$0x80];
	_ =	sdelay $0x1  }
0x3ea: {  	v18 =	vld [tilespmem:s17+$0x100];
	_ =	sdelay $0x1  }
0x3eb: {  	v19 =	vld [tilespmem:s17+$0x180]  }
0x3ec: {  	v16 =	vsub.f32 v16, v10;
	v17 =	vsub.f32 v17, v11;
	_ =	sdelay $0x1  }
0x3ed: {  	v16 =	vand.u32 $0x7FFFFFFF, v16;
	v17 =	vand.u32 $0x7FFFFFFF, v17;
	v18 =	vsub.f32 v18, v12  }
0x3ee: {  	v16 =	vadd.f32 v17, v16  }
0x3ef: {  	v17 =	vand.u32 $0x7FFFFFFF, v18;
	v18 =	vsub.f32 v19, v13  }
0x3f0: {  	v16 =	vadd.f32 v17, v16  }
0x3f1: {  	v17 =	vand.u32 $0x7FFFFFFF, v18  }
0x3f2: {  	v16 =	vadd.f32 v17, v16;
	s17 =	spop @p0 (v2sf)  }
0x3f3: {  	s13 =	smov.u32 @p0 s17  }
0x3f4: {  	vm0 =	vlt.f32 v16, s13  }
0x3f5: {  	v17 =	vsel vm0, $0x3F800000, v2  }
0x3f6: {  	(xrf0) =	vmax.scan.msk.f32 $0xffff, v17;
	_ =	sdelay $0x5  }
0x3f7: {  	v17, _, _ =	vpop (xrf0)  }
0x3f8: {  	(v2sf) =	vpush v17, $0xF;
	_ =	sdelay $0xe  }
0x3f9: {  	s17 =	spop (v2sf)  }
0x3fa: {  	p0 =	sgt.f32 s17, $0.0e+00;
	_ =	sdelay $0x1  }
0x3fb: {  	v17 =	vlaneseq.u32 @p0  }
0x3fc: {  	v17 =	vor.u32 @p0 s16, v17  }
0x3fd: {  	(xrf1) =	vsort.dscd.msk.f32 @p0 $0xffff, v16, v17;
	_ =	sdelay $0xd  }
0x3fe: {  	v16, v17, _ =	vpop @p0 (xrf1)  }
0x3ff: {  	vm0 =	vle.f32 @p0 v15, v16  }
0x400: {  	v16 =	vsel @p0 vm0, v15, v16;
	v17 =	vsel @p0 vm0, v14, v17  }
0x401: {  	(xrf1) =	vsort.ascd.msk.f32 @p0 $0xffff, v16, v17;
	_ =	sdelay $0x9  }
.Ltmp15:
0x402: {  	(pc) =	sbr.rel @p1 .LBB2_32-.Ltmp15, $2  }
0x403: {  	_ =	sdelay $0x2  }
0x404: {  	s15 =	sadd.s32 $0x40, s15;
	v16, v17, _ =	vpop @p0 (xrf1)  }
0x405: {  	v10 =	vor.u32 $0xE, v0;
	_ =	sdelay $0x2  }
0x406: {  	s14 =	simm.s32 $0x0  }
0x407: {  	v11 =	vpsel p0, v17, v14;
	s13 =	sand.u32 $0x70, s14;
	s15 =	sand.u32 $0x7E00, s14  }
0x408: {  	s13 =	sor.u32 s13, s15;
	[tilespmem:v10+s10+$0x0] =	vst.idx.msk $0xf, v11  }
0x409: {  	v10 =	vld [tilespmem:s13+$0x0]  }
0x40a: {  	v11 =	vld [tilespmem:s13+$0x80];
	_ =	sdelay $0x1  }
0x40b: {  	v12 =	vld [tilespmem:s13+$0x100]  }
0x40c: {  	v6 =	vbroadcast v6, $0xF;
	v7 =	vbroadcast v7, $0xF  }
0x40d: {  	v13 =	vld [tilespmem:s13+$0x180]  }
0x40e: {  	v8 =	vbroadcast v8, $0xF;
	v10 =	vsub.f32 v10, v6;
	v11 =	vsub.f32 v11, v7  }
0x40f: {  	v9 =	vbroadcast v9, $0xF  }
0x410: {  	v12 =	vsub.f32 v12, v8;
	v10 =	vand.u32 $0x7FFFFFFF, v10;
	v11 =	vand.u32 $0x7FFFFFFF, v11  }
0x411: {  	v10 =	vadd.f32 v11, v10  }
0x412: {  	v11 =	vand.u32 $0x7FFFFFFF, v12;
	v12 =	vsub.f32 v13, v9  }
0x413: {  	v10 =	vadd.f32 v11, v10  }
0x414: {  	v11 =	vand.u32 $0x7FFFFFFF, v12  }
0x415: {  	v10 =	vadd.f32 v11, v10  }
0x416: {  	s13 =	simm.f32 $+Inf  }
0x417: {  	vm0 =	vlt.f32 v10, s13  }
0x418: {  	v11 =	vsel vm0, $0x3F800000, v2  }
0x419: {  	(xrf0) =	vmax.scan.msk.f32 $0xffff, v11;
	_ =	sdelay $0x5  }
0x41a: {  	(v2sf) =	vpush @p0 v16, $0x3;
	v11, _, _ =	vpop (xrf0)  }
0x41b: {  	(v2sf) =	vpush v11, $0xF;
	_ =	sdelay $0xd  }
0x41c: {  	s15 =	spop @p0 (v2sf)  }
0x41d: {  	s15 =	spop (v2sf)  }
0x41e: {  	p0 =	sgt.f32 s15, $0.0e+00;
	_ =	sdelay $0x1  }
0x41f: {  	v11 =	vlaneseq.u32 @p0  }
0x420: {  	v11 =	vor.u32 @p0 s14, v11  }
0x421: {  	(xrf1) =	vsort.dscd.msk.f32 @p0 $0xffff, v10, v11;
	_ =	sdelay $0xd  }
0x422: {  	v11 =	vimm.f32 $+Inf;
	v12, v13, _ =	vpop @p0 (xrf1)  }
0x423: {  	v10 =	vimm.s32 $0x0;
	vm0 =	vle.f32 @p0 v11, v12  }
0x424: {  	v12 =	vsel @p0 vm0, v11, v12;
	v13 =	vsel @p0 vm0, v10, v13  }
0x425: {  	(xrf1) =	vsort.ascd.msk.f32 @p0 $0xffff, v12, v13;
	_ =	sdelay $0xd  }
0x426: {  	s15 =	simm.s32 $0x40;
	s14 =	simm.s32 $0x10;
	v13, v12, _ =	vpop @p0 (xrf1)  }
.LBB2_34:
0x427: {  	s17 =	sand.u32 $0x70, s14;
	s18 =	sand.u32 $0x7E00, s15;
	v11 =	vpsel p0, v13, v11;
	v10 =	vpsel p0, v12, v10;
	(v2sf) =	vpush @p0 v13, $0x3;
	s16 =	smov.u32 s14  }
0x428: {  	s14 =	sadd.s32 $0x10, s14;
	s17 =	sor.u32 s17, s18  }
0x429: {  	p1 =	sne.s32 s14, $0x1F40;
	v12 =	vld [tilespmem:s17+$0x0]  }
0x42a: {  	v13 =	vld [tilespmem:s17+$0x80];
	_ =	sdelay $0x1  }
0x42b: {  	v14 =	vld [tilespmem:s17+$0x100];
	_ =	sdelay $0x1  }
0x42c: {  	v15 =	vld [tilespmem:s17+$0x180]  }
0x42d: {  	v12 =	vsub.f32 v12, v6;
	v13 =	vsub.f32 v13, v7;
	_ =	sdelay $0x1  }
0x42e: {  	v12 =	vand.u32 $0x7FFFFFFF, v12;
	v13 =	vand.u32 $0x7FFFFFFF, v13;
	v14 =	vsub.f32 v14, v8  }
0x42f: {  	v12 =	vadd.f32 v13, v12  }
0x430: {  	v13 =	vand.u32 $0x7FFFFFFF, v14;
	v14 =	vsub.f32 v15, v9  }
0x431: {  	v12 =	vadd.f32 v13, v12  }
0x432: {  	v13 =	vand.u32 $0x7FFFFFFF, v14  }
0x433: {  	v12 =	vadd.f32 v13, v12;
	s17 =	spop @p0 (v2sf)  }
0x434: {  	s13 =	smov.u32 @p0 s17  }
0x435: {  	vm0 =	vlt.f32 v12, s13  }
0x436: {  	v13 =	vsel vm0, $0x3F800000, v2  }
0x437: {  	(xrf0) =	vmax.scan.msk.f32 $0xffff, v13;
	_ =	sdelay $0x5  }
0x438: {  	v13, _, _ =	vpop (xrf0)  }
0x439: {  	(v2sf) =	vpush v13, $0xF;
	_ =	sdelay $0xe  }
0x43a: {  	s17 =	spop (v2sf)  }
0x43b: {  	p0 =	sgt.f32 s17, $0.0e+00;
	_ =	sdelay $0x1  }
0x43c: {  	v13 =	vlaneseq.u32 @p0  }
0x43d: {  	v13 =	vor.u32 @p0 s16, v13  }
0x43e: {  	(xrf1) =	vsort.dscd.msk.f32 @p0 $0xffff, v12, v13;
	_ =	sdelay $0xd  }
0x43f: {  	v12, v13, _ =	vpop @p0 (xrf1)  }
0x440: {  	vm0 =	vle.f32 @p0 v11, v12  }
0x441: {  	v12 =	vsel @p0 vm0, v11, v12;
	v13 =	vsel @p0 vm0, v10, v13  }
0x442: {  	(xrf1) =	vsort.ascd.msk.f32 @p0 $0xffff, v12, v13;
	_ =	sdelay $0x9  }
.Ltmp16:
0x443: {  	(pc) =	sbr.rel @p1 .LBB2_34-.Ltmp16, $2  }
0x444: {  	_ =	sdelay $0x2  }
0x445: {  	s15 =	sadd.s32 $0x40, s15;
	v13, v12, _ =	vpop @p0 (xrf1)  }
0x446: {  	(v2sf) =	vpush @p0 v13, $0x3;
	_ =	sdelay $0x3  }
0x447: {  	v6 =	vor.u32 $0xF, v0;
	_ =	sdelay $0x3  }
0x448: {  	v7 =	vpsel p0, v12, v10  }
0x449: {  	[tilespmem:v6+s10+$0x0] =	vst.idx.msk $0xf, v7  }
0x44a: {  	[tilespmem:$0x8080] =	vst v1  }
0x44b: {  	[tilespmem:$0x8090] =	vst v1  }
0x44c: {  	[tilespmem:$0x80A0] =	vst v1  }
0x44d: {  	[tilespmem:$0x80B0] =	vst v1  }
0x44e: {  	[hbm4b:s5+s2] =	stream.linear.scatter [tilespmem:s10], [sflag:$0x1], $0x40, $0x38;
	[tilespmem:$0x8100] =	vst v63  }
0x44f: {  	s13 =	spop @p0 (v2sf)  }
0x450: {  	s12 =	sadd.s32 $0x1, s12;
	_ =	swait.ge [sflag:s8], $0x40  }
0x451: {  	p0 =	sne.s32 s12, s7;
	[sflag:s8] =	ssyncset.done $0x0  }
.Ltmp17:
0x452: {  	[sflag:s8] =	ssyncadd.s32 $0xFFFFFFC0;
	(pc) =	sbr.rel @p0 .LBB2_1-.Ltmp17, $4  }
0x453: {  	[hbm4b:s6+s2] =	stream.linear.scatter [tilespmem:s11], [sflag:$0x1], $0x40, $0x38;
	[tilespmem:$0x8100] =	vst v63  }
0x454: {  	_ =	swait.ge [sflag:s8], $0x40  }
0x455: {  	[sflag:s8] =	ssyncset.done $0x0  }
0x456: {  	[sflag:s8] =	ssyncadd.s32 $0xFFFFFFC0  }
0x457: {  	_ =	sfence.sel $0x180000  }
0x458: {  	[bflag:$0x0] =	sbarrier.arrive $0xFFFF  }
0x459: {  	p0 =	sne.s32 s1, $0x0;
	_ =	strace $0x90000047  }
0x45a: {  	s0 =	sadd.s32 @!p0 $0x100000, s0;
	[bflag:$0x2] =	sbarrier.arrive $0xFFFF  }
0x45b: {  	[sflag:s0] =	ssyncadd.tile.s32 @!p0 $0x1;
	_ =	shalt  }
.Lfunc_end2:
_tile_overlayer_lowered:
.L_overlay_start_2:
0x45c: {  	(tag) =	ssettag $0x2  }
0x45d: {  	s0 =	rddreg [dreg:$0x0];
	s2 =	stileid.u32  }
0x45e: {  	s1 =	rddreg [dreg:$0x1];
	p0 =	sne.s32 s2, $0x0  }
0x45f: {  	s3 =	rddreg [dreg:$0x2];
	[bflag:$0x3] =	sbarrier.arrive $0xFFFF;
	s2 =	simm.s32 @!p0 $0x1C01  }
0x460: {  	[timem:s3], [sflag:s2] =	dma.local @!p0 [hbm:s0], s1  }
0x461: {  	s0 =	simm.s32 @!p0 $0x1  }
0x462: {  	_ =	swait.ge @!p0 [sflag:s0], s1  }
0x463: {  	s1 =	ssub.s32 @!p0 $0x0, s1;
	[sflag:s0] =	ssyncset.done @!p0 $0x0  }
0x464: {  	[sflag:s0] =	ssyncadd.s32 @!p0 s1  }
0x465: {  	[bflag:$0x3] =	sbarrier.arrive $0xFFFF  }
0x466: {  	_ =	shalt  }

</sc_bundles>
